<compile_context>
chip_gen: v7x
topology: tpu7x:2x2x1
jax: 0.10.2.dev20260603
libtpu: 0.0.44.dev20260713+nightly
codegen_flags: <defaults>
</compile_context>

<pallas_src>
import functools

import jax
import jax.numpy as jnp
from jax import lax
from jax.experimental import pallas as pl
from jax.experimental.pallas import tpu as pltpu
from jax.experimental.pallas import tpu_sc as plsc

B, S, D = 2, 2048, 1024
H = 2048
E = 8
GH = 512
N = B * S
A = 2 * N
EBLK = 256
CAP = A + E * EBLK
NB = CAP // EBLK
NEG = -1e30
DW = D // 2
HW = H // 2

NWORK = 32
TOK_PER_W = N // NWORK
DCH = 64
GCH = 32

GBLK = 256
NGB = N // GBLK
RBLK = 512


def _pack_halves(hl, hr):
    bl = jax.lax.bitcast_convert_type(hl, jnp.uint32)
    br = jax.lax.bitcast_convert_type(hr, jnp.uint32)
    w = ((bl + 0x8000) >> 16) | (((br + 0x8000) >> 16) << 16)
    return jax.lax.bitcast_convert_type(w, jnp.int32)


def _unpack_halves(wd):
    u = jax.lax.bitcast_convert_type(wd, jnp.uint32)
    lo = jax.lax.bitcast_convert_type(u << 16, jnp.float32)
    hi = jax.lax.bitcast_convert_type(u & jnp.uint32(0xFFFF0000),
                                      jnp.float32)
    return lo, hi


def _gate_route_body(x_ref, ft_ref, w1_ref, b1_ref, w2_ref, b2_ref, w3_ref,
                     b3_ref, temb_ref, wt_ref, bt_ref,
                     xw_ref, p_ref, wk_ref, bemap_ref, active_ref,
                     gl_scr):
    i = pl.program_id(0)

    @pl.when(i < NGB)
    def _gate():
        xb = x_ref[...]
        xw_ref[...] = _pack_halves(xb[:, :DW], xb[:, DW:])
        h = jnp.maximum(jnp.dot(xb, w1_ref[...],
                                preferred_element_type=jnp.float32)
                        + b1_ref[...], 0.0)
        h = jnp.maximum(jnp.dot(h, w2_ref[...],
                                preferred_element_type=jnp.float32)
                        + b2_ref[...], 0.0)
        gl = jnp.dot(h, w3_ref[...],
                     preferred_element_type=jnp.float32) + b3_ref[...]
        tlt = jnp.dot(temb_ref[...], wt_ref[...],
                      preferred_element_type=jnp.float32) + bt_ref[...]
        ft = ft_ref[...]
        for c in range(3):
            gl = gl + jnp.where(ft == c, 1.0, 0.0) * tlt[c:c + 1, :]
        gl_scr[pl.ds(i * GBLK, GBLK), :] = gl

    @pl.when(i == NGB)
    def _route():
        gl = gl_scr[...]

        lane = jax.lax.broadcasted_iota(jnp.int32, (N, E), 1)
        m1 = jnp.max(gl, axis=-1, keepdims=True)
        i1 = jnp.min(jnp.where(gl == m1, lane, E), axis=-1, keepdims=True)
        gl2 = jnp.where(lane == i1, NEG, gl)
        m2 = jnp.max(gl2, axis=-1, keepdims=True)
        i2 = jnp.min(jnp.where(gl2 == m2, lane, E), axis=-1, keepdims=True)
        e2 = jnp.exp(m2 - m1)
        wk_ref[:, 0:1] = 1.0 / (1.0 + e2)
        wk_ref[:, 1:2] = e2 / (1.0 + e2)

        oh = (jnp.where(lane == i1, 1.0, 0.0)
              + jnp.where(lane == i2, 1.0, 0.0))
        r0 = jax.lax.broadcasted_iota(jnp.int32, (RBLK, RBLK), 0)
        c0 = jax.lax.broadcasted_iota(jnp.int32, (RBLK, RBLK), 1)
        ltri = jnp.where(r0 > c0, 1.0, 0.0)
        pieces = []
        running = jnp.zeros((1, E), jnp.float32)
        for bi in range(N // RBLK):
            xb = oh[bi * RBLK:(bi + 1) * RBLK]
            cb = jnp.dot(ltri, xb, preferred_element_type=jnp.float32)
            pieces.append(cb + running)
            running = running + jnp.sum(xb, axis=0, keepdims=True)
        excl = jnp.concatenate(pieces, axis=0).astype(jnp.int32)
        counts = running.astype(jnp.int32)

        padded = ((counts + (EBLK - 1)) // EBLK) * EBLK
        po = padded
        s = 1
        while s < E:
            po = po + jnp.concatenate(
                [jnp.zeros((1, s), jnp.int32), po[:, :E - s]], axis=1)
            s *= 2
        off = po - padded

        offb = jnp.broadcast_to(off, (N, E))
        p_ref[:, 0:1] = jnp.sum(jnp.where(lane == i1, excl + offb, 0),
                                axis=1, keepdims=True)
        p_ref[:, 1:2] = jnp.sum(jnp.where(lane == i2, excl + offb, 0),
                                axis=1, keepdims=True)

        starts = jax.lax.broadcasted_iota(jnp.int32, (NB, 1), 0) * EBLK
        cmp = jnp.where(starts >= jnp.broadcast_to(off, (NB, E)), 1, 0)
        be = jnp.sum(cmp, axis=1, keepdims=True) - 1
        lane_nb = jax.lax.broadcasted_iota(jnp.int32, (NB, E), 1)
        ends = jnp.broadcast_to(off + counts, (NB, E))
        sel_end = jnp.sum(jnp.where(lane_nb == be, ends, 0),
                          axis=1, keepdims=True)
        bemap_ref[...] = be
        active_ref[...] = jnp.where(starts < sel_end, 1, 0)


def _full(shape):
    return pl.BlockSpec(shape, lambda *_: tuple(0 for _ in shape))


def _gate_route(x2, ft2, W1, b1, W2, b2, W3, b3, type_emb, Wt, bt):
    blk = lambda i: (jnp.minimum(i, NGB - 1), 0)
    return pl.pallas_call(
        _gate_route_body,
        grid=(NGB + 1,),
        in_specs=[
            pl.BlockSpec((GBLK, D), blk),
            pl.BlockSpec((GBLK, 1), blk),
            _full((D, GH)), _full((1, GH)),
            _full((GH, GH // 2)), _full((1, GH // 2)),
            _full((GH // 2, E)), _full((1, E)),
            _full((3, GH // 4)), _full((GH // 4, E)), _full((1, E)),
        ],
        out_specs=[
            pl.BlockSpec((GBLK, DW), blk),
            _full((N, 2)), _full((N, 2)), _full((NB, 1)), _full((NB, 1)),
        ],
        out_shape=[
            jax.ShapeDtypeStruct((N, DW), jnp.int32),
            jax.ShapeDtypeStruct((N, 2), jnp.int32),
            jax.ShapeDtypeStruct((N, 2), jnp.float32),
            jax.ShapeDtypeStruct((NB, 1), jnp.int32),
            jax.ShapeDtypeStruct((NB, 1), jnp.int32),
        ],
        scratch_shapes=[pltpu.VMEM((N, E), jnp.float32)],
        compiler_params=pltpu.CompilerParams(
            dimension_semantics=("arbitrary",),
        ),
    )(x2, ft2, W1, b1, W2, b2, W3, b3, type_emb, Wt, bt)


def _sc_scatter_rows(xw, p01):
    mesh = plsc.VectorSubcoreMesh(core_axis_name="c", subcore_axis_name="s")

    @functools.partial(
        pl.kernel, mesh=mesh,
        out_type=jax.ShapeDtypeStruct((CAP, DW), jnp.int32),
        scratch_types=[
            pltpu.VMEM((2, DCH), jnp.int32),
            pltpu.VMEM((DCH, DW), jnp.int32),
            pltpu.SemaphoreType.DMA,
            pltpu.SemaphoreType.DMA,
        ],
    )
    def k(x_hbm, p_hbm, xg_hbm, idx_v, rows_v, sem0, sem1):
        wid = lax.axis_index("s") * 2 + lax.axis_index("c")
        for ci in range(TOK_PER_W // DCH):
            base = wid * TOK_PER_W + ci * DCH
            pltpu.sync_copy(x_hbm.at[pl.ds(base, DCH)], rows_v)
            pltpu.sync_copy(p_hbm.at[0, pl.ds(base, DCH)], idx_v.at[0])
            pltpu.sync_copy(p_hbm.at[1, pl.ds(base, DCH)], idx_v.at[1])
            cp0 = pltpu.async_copy(rows_v, xg_hbm.at[idx_v.at[0]], sem0)
            cp1 = pltpu.async_copy(rows_v, xg_hbm.at[idx_v.at[1]], sem1)
            cp0.wait()
            cp1.wait()

    return k(xw, p01)


def _expert_body(bemap_ref, active_ref, xg_ref, we_ref, be_ref, hid_ref):
    b = pl.program_id(0)

    @pl.when(active_ref[b] == 1)
    def _():
        xl, xr = _unpack_halves(xg_ref[...])
        we = we_ref[0]
        h = jnp.maximum(
            jnp.dot(xl, we[:DW, :], preferred_element_type=jnp.float32)
            + jnp.dot(xr, we[DW:, :], preferred_element_type=jnp.float32)
            + be_ref[0], 0.0)
        hid_ref[...] = _pack_halves(h[:, :HW], h[:, HW:])


def _experts(xgw, We, be3, bemap, active):
    grid_spec = pltpu.PrefetchScalarGridSpec(
        num_scalar_prefetch=2,
        grid=(NB,),
        in_specs=[
            pl.BlockSpec((EBLK, DW), lambda b, bm, ac: (b, 0)),
            pl.BlockSpec((1, D, H), lambda b, bm, ac: (bm[b], 0, 0)),
            pl.BlockSpec((1, 1, H), lambda b, bm, ac: (bm[b], 0, 0)),
        ],
        out_specs=pl.BlockSpec((EBLK, HW), lambda b, bm, ac: (b, 0)),
    )
    return pl.pallas_call(
        _expert_body,
        grid_spec=grid_spec,
        out_shape=jax.ShapeDtypeStruct((CAP, HW), jnp.int32),
        compiler_params=pltpu.CompilerParams(
            dimension_semantics=("arbitrary",),
        ),
    )(bemap, active, xgw, We, be3)


def _sc_gather_rows(hidw, pf):
    mesh = plsc.VectorSubcoreMesh(core_axis_name="c", subcore_axis_name="s")
    nch = A // NWORK // GCH

    @functools.partial(
        pl.kernel, mesh=mesh,
        out_type=jax.ShapeDtypeStruct((A, HW), jnp.int32),
        scratch_types=[
            pltpu.VMEM((nch, GCH), jnp.int32),
            pltpu.VMEM((GCH, HW), jnp.int32),
            pltpu.VMEM((GCH, HW), jnp.int32),
            pltpu.SemaphoreType.DMA,
            pltpu.SemaphoreType.DMA,
        ],
    )
    def k(hid_hbm, pf_hbm, hidg_hbm, idx_v, rows_a, rows_b, sem_a, sem_b):
        wid = lax.axis_index("s") * 2 + lax.axis_index("c")
        base0 = wid * (A // NWORK)
        bufs = (rows_a, rows_b)
        sems = (sem_a, sem_b)
        cps = [None] * nch
        for ci in range(nch):
            pltpu.sync_copy(pf_hbm.at[pl.ds(base0 + ci * GCH, GCH)],
                            idx_v.at[ci])
            cps[ci] = pltpu.async_copy(hid_hbm.at[idx_v.at[ci]],
                                       bufs[ci % 2], sems[ci % 2])
            if ci >= 1:
                cps[ci - 1].wait()
                pltpu.sync_copy(
                    bufs[(ci - 1) % 2],
                    hidg_hbm.at[pl.ds(base0 + (ci - 1) * GCH, GCH)])
        cps[nch - 1].wait()
        pltpu.sync_copy(bufs[(nch - 1) % 2],
                        hidg_hbm.at[pl.ds(base0 + (nch - 1) * GCH, GCH)])

    return k(hidw, pf)


OBLK = 512


def _proj_body(h0_ref, h1_ref, wk_ref, wo_ref, bo_ref, out_ref):
    w = wk_ref[...]
    h0l, h0r = _unpack_halves(h0_ref[...])
    h1l, h1r = _unpack_halves(h1_ref[...])
    comb_l = w[:, 0:1] * h0l + w[:, 1:2] * h1l
    comb_r = w[:, 0:1] * h0r + w[:, 1:2] * h1r
    wo = wo_ref[...]
    out_ref[...] = (
        jnp.dot(comb_l, wo[:HW, :], preferred_element_type=jnp.float32)
        + jnp.dot(comb_r, wo[HW:, :], preferred_element_type=jnp.float32)
        + bo_ref[...])


def _proj(hidgw, wk, Wo, bo):
    return pl.pallas_call(
        _proj_body,
        grid=(N // OBLK,),
        in_specs=[
            pl.BlockSpec((OBLK, HW), lambda i: (i, 0)),
            pl.BlockSpec((OBLK, HW), lambda i: (i + N // OBLK, 0)),
            pl.BlockSpec((OBLK, 2), lambda i: (i, 0)),
            _full((H, D)), _full((1, D)),
        ],
        out_specs=pl.BlockSpec((OBLK, D), lambda i: (i, 0)),
        out_shape=jax.ShapeDtypeStruct((N, D), jnp.float32),
    )(hidgw, hidgw, wk, Wo, bo)


@jax.jit
def _run(x2, ft2, W1, b1, W2, b2, W3, b3, type_emb, Wt, bt, We, be3, Wo, bo):
    xw, p, wk, bemap, active = _gate_route(
        x2, ft2, W1, b1, W2, b2, W3, b3, type_emb, Wt, bt)
    p01 = p.T
    xgw = _sc_scatter_rows(xw, p01)
    hidw = _experts(xgw, We, be3, bemap.reshape(NB), active.reshape(NB))
    pf = p01.reshape(A)
    hidgw = _sc_gather_rows(hidw, pf)
    return _proj(hidgw, wk, Wo, bo)


def kernel(x, feature_types, W1, b1, W2, b2, W3, b3, type_emb, Wt, bt, We, be, Wo, bo):
    x2 = x.reshape(N, D)
    ft2 = feature_types.reshape(N, 1).astype(jnp.int32)
    out = _run(x2, ft2, W1, b1.reshape(1, GH), W2, b2.reshape(1, GH // 2),
               W3, b3.reshape(1, E), type_emb, Wt, bt.reshape(1, E),
               We, be.reshape(E, 1, H), Wo, bo.reshape(1, D))
    return out.reshape(B, S, D)

# --- scband reference (transcript-rebuilt; emitter-appended) ---
"""Pipeline reference for scband-mo-elayer-28260884807815 (READ-ONLY COPY).

The authoritative reference and input builder live on the scoring server;
editing this copy changes nothing except your own understanding.
"""

import jax, jax.numpy as jnp
import numpy as np

B, S, D = 2, 2048, 1024
H = 2048
E = 8
TOP_K = 2
GH = 512  # gating hidden = max(input_dim // 2, 32)


def setup_inputs(seed: int = 0) -> dict:
    key = jax.random.key(seed)
    ks = jax.random.split(key, 14)
    x = jax.random.normal(ks[0], (B, S, D), dtype=jnp.float32)
    feature_types = jax.random.randint(ks[1], (B, S), 0, 3, dtype=jnp.int64)
    def xavier(k, shape):
        fan_in, fan_out = shape[-2], shape[-1]
        limit = np.sqrt(6.0 / (fan_in + fan_out))
        return jax.random.uniform(k, shape, dtype=jnp.float32, minval=-limit, maxval=limit)
    W1 = xavier(ks[2], (D, GH)); b1 = jnp.zeros((GH,), jnp.float32)
    W2 = xavier(ks[3], (GH, GH // 2)); b2 = jnp.zeros((GH // 2,), jnp.float32)
    W3 = xavier(ks[4], (GH // 2, E)); b3 = jnp.zeros((E,), jnp.float32)
    type_emb = jax.random.normal(ks[5], (3, GH // 4), dtype=jnp.float32)
    Wt = xavier(ks[6], (GH // 4, E)); bt = jnp.zeros((E,), jnp.float32)
    We = xavier(ks[7], (E, D, H)); be = jnp.zeros((E, H), jnp.float32)
    Wo = xavier(ks[8], (H, D)); bo = jnp.zeros((D,), jnp.float32)
    return {"x": x, "feature_types": feature_types, "W1": W1, "b1": b1,
            "W2": W2, "b2": b2, "W3": W3, "b3": b3, "type_emb": type_emb,
            "Wt": Wt, "bt": bt, "We": We, "be": be, "Wo": Wo, "bo": bo}


def reference(x, feature_types, W1, b1, W2, b2, W3, b3, type_emb, Wt, bt, We, be, Wo, bo):
    # GatingNetwork (eval mode: dropout off)
    h = jax.nn.relu(x @ W1 + b1)
    h = jax.nn.relu(h @ W2 + b2)
    gate_logits = h @ W3 + b3
    te = jnp.take(type_emb, feature_types, axis=0)            # [B, S, GH//4]
    gate_logits = gate_logits + (te @ Wt + bt)
    gate_weights = jax.nn.softmax(gate_logits, axis=-1)      # [B, S, E]
    # ExpertRouter (eval: no aux loss / stat updates)
    expert_weights, expert_indices = jax.lax.top_k(gate_weights, TOP_K)
    expert_weights = expert_weights / jnp.sum(expert_weights, axis=-1, keepdims=True)
    # Experts: per-expert Linear(D->H) + ReLU, combine top-k, project back
    eh = jnp.einsum('bsd,edh->bseh', x, We) + be[None, None, :, :]   # [B, S, E, H]
    eh = jax.nn.relu(eh)
    sel = jnp.take_along_axis(eh, expert_indices[..., None], axis=2)  # [B, S, K, H]
    combined = jnp.sum(expert_weights[..., None] * sel, axis=2)       # [B, S, H]
    out = combined @ Wo + bo                                          # [B, S, D]
    return out

if __name__ == "__main__":
    import jax
    _d = setup_inputs()
    print(jax.jit(kernel)(*tuple(_d.values())))

</pallas_src>

<mosaic_0001>
#map = affine_map<(d0, d1) -> (0, 0)>
#map1 = affine_map<(d0, d1) -> (0)>
module attributes {stable_mosaic.version = 14 : i64} {
  func.func @k(%arg0: i32, %arg1: i32, %arg2: memref<10240x1024xi32, #tpu.memory_space<hbm>>, %arg3: memref<8192xi32, #tpu.memory_space<hbm>>, %arg4: memref<8192x1024xi32, #tpu.memory_space<hbm>>, %arg5: memref<8x32xi32, #tpu.memory_space<vmem>>, %arg6: memref<32x1024xi32, #tpu.memory_space<vmem>>, %arg7: memref<32x1024xi32, #tpu.memory_space<vmem>>, %arg8: memref<!tpu.dma_semaphore, #tpu.memory_space<semaphore_mem>>, %arg9: memref<!tpu.dma_semaphore, #tpu.memory_space<semaphore_mem>>) attributes {dimension_semantics = [#tpu.dimension_semantics<core_parallel>, #tpu.dimension_semantics<subcore_parallel>], iteration_bounds = array<i64: 2, 16>, scalar_prefetch = 0 : i64, scratch_operands = 5 : i64, tpu.core_type = #tpu.core_type<sc_vector_subcore>, window_params = [{transform_indices = #map}, {transform_indices = #map1}, {transform_indices = #map}]} {
    %mul3A = arith.constant 2 : i32
    %mul3A_0 = arith.muli %arg1, %mul3A : i32
    %add3A = arith.addi %mul3A_0, %arg0 : i32
    %mul3A_1 = arith.constant 256 : i32
    %mul3A_2 = arith.muli %add3A, %mul3A_1 : i32
    %add3A_3 = arith.constant 0 : i32
    %add3A_4 = arith.addi %mul3A_2, %add3A_3 : i32
    %run_scoped3A = arith.constant 0 : i32
    "tpu.region"() ({
      %run_scoped3A_152 = tpu.sem_alloc : memref<!tpu.dma_semaphore, #tpu.memory_space<semaphore_mem>>
      %dma_start3A_153 = arith.constant 0 : i32
      %dma_start3A_154 = tpu.memref_slice %arg5[%run_scoped3A, %dma_start3A_153] : memref<8x32xi32, #tpu.memory_space<vmem>> -> memref<1x32xi32, #tpu.memory_space<vmem>>
      %dma_start3A_155 = tpu.memref_squeeze %dma_start3A_154 : memref<1x32xi32, #tpu.memory_space<vmem>> -> memref<32xi32, #tpu.memory_space<vmem>>
      %dma_start3A_156 = tpu.memref_slice %arg3[%add3A_4] : memref<8192xi32, #tpu.memory_space<hbm>> -> memref<32xi32, #tpu.memory_space<hbm>>
      %dma_start3A_157 = arith.constant 0 : i32
      %dma_start3A_158 = tpu.memref_slice %arg5[%run_scoped3A, %dma_start3A_157] : memref<8x32xi32, #tpu.memory_space<vmem>> -> memref<1x32xi32, #tpu.memory_space<vmem>>
      %dma_start3A_159 = tpu.memref_squeeze %dma_start3A_158 : memref<1x32xi32, #tpu.memory_space<vmem>> -> memref<32xi32, #tpu.memory_space<vmem>>
      %dma_start3A_160 = tpu.memref_slice %arg3[%add3A_4] : memref<8192xi32, #tpu.memory_space<hbm>> -> memref<32xi32, #tpu.memory_space<hbm>>
      tpu.enqueue_dma source(%dma_start3A_160 : memref<32xi32, #tpu.memory_space<hbm>>) target(%dma_start3A_159 : memref<32xi32, #tpu.memory_space<vmem>>) target_semaphore(%run_scoped3A_152 : memref<!tpu.dma_semaphore, #tpu.memory_space<semaphore_mem>>)
      %dma_wait3A_161 = arith.constant 0 : i32
      %dma_wait3A_162 = tpu.memref_slice %arg5[%run_scoped3A, %dma_wait3A_161] : memref<8x32xi32, #tpu.memory_space<vmem>> -> memref<1x32xi32, #tpu.memory_space<vmem>>
      %dma_wait3A_163 = tpu.memref_squeeze %dma_wait3A_162 : memref<1x32xi32, #tpu.memory_space<vmem>> -> memref<32xi32, #tpu.memory_space<vmem>>
      %dma_wait3A_164 = tpu.memref_slice %arg3[%add3A_4] : memref<8192xi32, #tpu.memory_space<hbm>> -> memref<32xi32, #tpu.memory_space<hbm>>
      %dma_wait3A_165 = arith.constant 0 : i32
      %dma_wait3A_166 = tpu.memref_slice %arg5[%run_scoped3A, %dma_wait3A_165] : memref<8x32xi32, #tpu.memory_space<vmem>> -> memref<1x32xi32, #tpu.memory_space<vmem>>
      %dma_wait3A_167 = tpu.memref_squeeze %dma_wait3A_166 : memref<1x32xi32, #tpu.memory_space<vmem>> -> memref<32xi32, #tpu.memory_space<vmem>>
      %dma_wait3A_168 = tpu.memref_slice %arg3[%add3A_4] : memref<8192xi32, #tpu.memory_space<hbm>> -> memref<32xi32, #tpu.memory_space<hbm>>
      tpu.wait_dma2 semaphore(%run_scoped3A_152 : memref<!tpu.dma_semaphore, #tpu.memory_space<semaphore_mem>>) src(%dma_wait3A_168 : memref<32xi32, #tpu.memory_space<hbm>>) dst(%dma_wait3A_167 : memref<32xi32, #tpu.memory_space<vmem>>)
      tpu.yield
    }) : () -> ()
    %dma_start3A = arith.constant 0 : i32
    %dma_start3A_5 = arith.constant 0 : i32
    %dma_start3A_6 = tpu.memref_slice %arg5[%dma_start3A, %dma_start3A_5] : memref<8x32xi32, #tpu.memory_space<vmem>> -> memref<1x32xi32, #tpu.memory_space<vmem>>
    %dma_start3A_7 = tpu.memref_squeeze %dma_start3A_6 : memref<1x32xi32, #tpu.memory_space<vmem>> -> memref<32xi32, #tpu.memory_space<vmem>>
    %dma_start3A_8 = arith.constant 0 : i32
    %dma_start3A_9 = arith.constant 0 : i32
    %dma_start3A_10 = tpu.memref_slice %arg2[%dma_start3A_8, %dma_start3A_9] : memref<10240x1024xi32, #tpu.memory_space<hbm>> -> memref<10240x1024xi32, #tpu.memory_space<hbm>>
    tpu.enqueue_indirect_dma source(%dma_start3A_10 : memref<10240x1024xi32, #tpu.memory_space<hbm>>) target(%arg6 : memref<32x1024xi32, #tpu.memory_space<vmem>>) offsets(%dma_start3A_7 : memref<32xi32, #tpu.memory_space<vmem>>) semaphore(%arg8 : memref<!tpu.dma_semaphore, #tpu.memory_space<semaphore_mem>>)
    %add3A_11 = arith.constant 32 : i32
    %add3A_12 = arith.addi %mul3A_2, %add3A_11 : i32
    %run_scoped3A_13 = arith.constant 1 : i32
    "tpu.region"() ({
      %run_scoped3A_152 = tpu.sem_alloc : memref<!tpu.dma_semaphore, #tpu.memory_space<semaphore_mem>>
      %dma_start3A_153 = arith.constant 0 : i32
      %dma_start3A_154 = tpu.memref_slice %arg5[%run_scoped3A_13, %dma_start3A_153] : memref<8x32xi32, #tpu.memory_space<vmem>> -> memref<1x32xi32, #tpu.memory_space<vmem>>
      %dma_start3A_155 = tpu.memref_squeeze %dma_start3A_154 : memref<1x32xi32, #tpu.memory_space<vmem>> -> memref<32xi32, #tpu.memory_space<vmem>>
      %dma_start3A_156 = tpu.memref_slice %arg3[%add3A_12] : memref<8192xi32, #tpu.memory_space<hbm>> -> memref<32xi32, #tpu.memory_space<hbm>>
      %dma_start3A_157 = arith.constant 0 : i32
      %dma_start3A_158 = tpu.memref_slice %arg5[%run_scoped3A_13, %dma_start3A_157] : memref<8x32xi32, #tpu.memory_space<vmem>> -> memref<1x32xi32, #tpu.memory_space<vmem>>
      %dma_start3A_159 = tpu.memref_squeeze %dma_start3A_158 : memref<1x32xi32, #tpu.memory_space<vmem>> -> memref<32xi32, #tpu.memory_space<vmem>>
      %dma_start3A_160 = tpu.memref_slice %arg3[%add3A_12] : memref<8192xi32, #tpu.memory_space<hbm>> -> memref<32xi32, #tpu.memory_space<hbm>>
      tpu.enqueue_dma source(%dma_start3A_160 : memref<32xi32, #tpu.memory_space<hbm>>) target(%dma_start3A_159 : memref<32xi32, #tpu.memory_space<vmem>>) target_semaphore(%run_scoped3A_152 : memref<!tpu.dma_semaphore, #tpu.memory_space<semaphore_mem>>)
      %dma_wait3A_161 = arith.constant 0 : i32
      %dma_wait3A_162 = tpu.memref_slice %arg5[%run_scoped3A_13, %dma_wait3A_161] : memref<8x32xi32, #tpu.memory_space<vmem>> -> memref<1x32xi32, #tpu.memory_space<vmem>>
      %dma_wait3A_163 = tpu.memref_squeeze %dma_wait3A_162 : memref<1x32xi32, #tpu.memory_space<vmem>> -> memref<32xi32, #tpu.memory_space<vmem>>
      %dma_wait3A_164 = tpu.memref_slice %arg3[%add3A_12] : memref<8192xi32, #tpu.memory_space<hbm>> -> memref<32xi32, #tpu.memory_space<hbm>>
      %dma_wait3A_165 = arith.constant 0 : i32
      %dma_wait3A_166 = tpu.memref_slice %arg5[%run_scoped3A_13, %dma_wait3A_165] : memref<8x32xi32, #tpu.memory_space<vmem>> -> memref<1x32xi32, #tpu.memory_space<vmem>>
      %dma_wait3A_167 = tpu.memref_squeeze %dma_wait3A_166 : memref<1x32xi32, #tpu.memory_space<vmem>> -> memref<32xi32, #tpu.memory_space<vmem>>
      %dma_wait3A_168 = tpu.memref_slice %arg3[%add3A_12] : memref<8192xi32, #tpu.memory_space<hbm>> -> memref<32xi32, #tpu.memory_space<hbm>>
      tpu.wait_dma2 semaphore(%run_scoped3A_152 : memref<!tpu.dma_semaphore, #tpu.memory_space<semaphore_mem>>) src(%dma_wait3A_168 : memref<32xi32, #tpu.memory_space<hbm>>) dst(%dma_wait3A_167 : memref<32xi32, #tpu.memory_space<vmem>>)
      tpu.yield
    }) : () -> ()
    %dma_start3A_14 = arith.constant 1 : i32
    %dma_start3A_15 = arith.constant 0 : i32
    %dma_start3A_16 = tpu.memref_slice %arg5[%dma_start3A_14, %dma_start3A_15] : memref<8x32xi32, #tpu.memory_space<vmem>> -> memref<1x32xi32, #tpu.memory_space<vmem>>
    %dma_start3A_17 = tpu.memref_squeeze %dma_start3A_16 : memref<1x32xi32, #tpu.memory_space<vmem>> -> memref<32xi32, #tpu.memory_space<vmem>>
    %dma_start3A_18 = arith.constant 0 : i32
    %dma_start3A_19 = arith.constant 0 : i32
    %dma_start3A_20 = tpu.memref_slice %arg2[%dma_start3A_18, %dma_start3A_19] : memref<10240x1024xi32, #tpu.memory_space<hbm>> -> memref<10240x1024xi32, #tpu.memory_space<hbm>>
    tpu.enqueue_indirect_dma source(%dma_start3A_20 : memref<10240x1024xi32, #tpu.memory_space<hbm>>) target(%arg7 : memref<32x1024xi32, #tpu.memory_space<vmem>>) offsets(%dma_start3A_17 : memref<32xi32, #tpu.memory_space<vmem>>) semaphore(%arg9 : memref<!tpu.dma_semaphore, #tpu.memory_space<semaphore_mem>>)
    %dma_wait3A = arith.constant 0 : i32
    %dma_wait3A_21 = arith.constant 0 : i32
    %dma_wait3A_22 = tpu.memref_slice %arg5[%dma_wait3A, %dma_wait3A_21] : memref<8x32xi32, #tpu.memory_space<vmem>> -> memref<1x32xi32, #tpu.memory_space<vmem>>
    %dma_wait3A_23 = tpu.memref_squeeze %dma_wait3A_22 : memref<1x32xi32, #tpu.memory_space<vmem>> -> memref<32xi32, #tpu.memory_space<vmem>>
    %dma_wait3A_24 = arith.constant 0 : i32
    %dma_wait3A_25 = arith.constant 0 : i32
    %dma_wait3A_26 = tpu.memref_slice %arg2[%dma_wait3A_24, %dma_wait3A_25] : memref<10240x1024xi32, #tpu.memory_space<hbm>> -> memref<10240x1024xi32, #tpu.memory_space<hbm>>
    tpu.wait_indirect_dma semaphore(%arg8 : memref<!tpu.dma_semaphore, #tpu.memory_space<semaphore_mem>>) src(%dma_wait3A_26 : memref<10240x1024xi32, #tpu.memory_space<hbm>>) dst(%arg6 : memref<32x1024xi32, #tpu.memory_space<vmem>>)
    %add3A_27 = arith.constant 0 : i32
    %add3A_28 = arith.addi %mul3A_2, %add3A_27 : i32
    "tpu.region"() ({
      %run_scoped3A_152 = tpu.sem_alloc : memref<!tpu.dma_semaphore, #tpu.memory_space<semaphore_mem>>
      %dma_start3A_153 = arith.constant 0 : i32
      %dma_start3A_154 = tpu.memref_slice %arg4[%add3A_28, %dma_start3A_153] : memref<8192x1024xi32, #tpu.memory_space<hbm>> -> memref<32x1024xi32, #tpu.memory_space<hbm>>
      %dma_start3A_155 = arith.constant 0 : i32
      %dma_start3A_156 = tpu.memref_slice %arg4[%add3A_28, %dma_start3A_155] : memref<8192x1024xi32, #tpu.memory_space<hbm>> -> memref<32x1024xi32, #tpu.memory_space<hbm>>
      tpu.enqueue_dma source(%arg6 : memref<32x1024xi32, #tpu.memory_space<vmem>>) target(%dma_start3A_156 : memref<32x1024xi32, #tpu.memory_space<hbm>>) target_semaphore(%run_scoped3A_152 : memref<!tpu.dma_semaphore, #tpu.memory_space<semaphore_mem>>)
      %dma_wait3A_157 = arith.constant 0 : i32
      %dma_wait3A_158 = tpu.memref_slice %arg4[%add3A_28, %dma_wait3A_157] : memref<8192x1024xi32, #tpu.memory_space<hbm>> -> memref<32x1024xi32, #tpu.memory_space<hbm>>
      %dma_wait3A_159 = arith.constant 0 : i32
      %dma_wait3A_160 = tpu.memref_slice %arg4[%add3A_28, %dma_wait3A_159] : memref<8192x1024xi32, #tpu.memory_space<hbm>> -> memref<32x1024xi32, #tpu.memory_space<hbm>>
      tpu.wait_dma2 semaphore(%run_scoped3A_152 : memref<!tpu.dma_semaphore, #tpu.memory_space<semaphore_mem>>) src(%arg6 : memref<32x1024xi32, #tpu.memory_space<vmem>>) dst(%dma_wait3A_160 : memref<32x1024xi32, #tpu.memory_space<hbm>>)
      tpu.yield
    }) : () -> ()
    %add3A_29 = arith.constant 64 : i32
    %add3A_30 = arith.addi %mul3A_2, %add3A_29 : i32
    %run_scoped3A_31 = arith.constant 2 : i32
    "tpu.region"() ({
      %run_scoped3A_152 = tpu.sem_alloc : memref<!tpu.dma_semaphore, #tpu.memory_space<semaphore_mem>>
      %dma_start3A_153 = arith.constant 0 : i32
      %dma_start3A_154 = tpu.memref_slice %arg5[%run_scoped3A_31, %dma_start3A_153] : memref<8x32xi32, #tpu.memory_space<vmem>> -> memref<1x32xi32, #tpu.memory_space<vmem>>
      %dma_start3A_155 = tpu.memref_squeeze %dma_start3A_154 : memref<1x32xi32, #tpu.memory_space<vmem>> -> memref<32xi32, #tpu.memory_space<vmem>>
      %dma_start3A_156 = tpu.memref_slice %arg3[%add3A_30] : memref<8192xi32, #tpu.memory_space<hbm>> -> memref<32xi32, #tpu.memory_space<hbm>>
      %dma_start3A_157 = arith.constant 0 : i32
      %dma_start3A_158 = tpu.memref_slice %arg5[%run_scoped3A_31, %dma_start3A_157] : memref<8x32xi32, #tpu.memory_space<vmem>> -> memref<1x32xi32, #tpu.memory_space<vmem>>
      %dma_start3A_159 = tpu.memref_squeeze %dma_start3A_158 : memref<1x32xi32, #tpu.memory_space<vmem>> -> memref<32xi32, #tpu.memory_space<vmem>>
      %dma_start3A_160 = tpu.memref_slice %arg3[%add3A_30] : memref<8192xi32, #tpu.memory_space<hbm>> -> memref<32xi32, #tpu.memory_space<hbm>>
      tpu.enqueue_dma source(%dma_start3A_160 : memref<32xi32, #tpu.memory_space<hbm>>) target(%dma_start3A_159 : memref<32xi32, #tpu.memory_space<vmem>>) target_semaphore(%run_scoped3A_152 : memref<!tpu.dma_semaphore, #tpu.memory_space<semaphore_mem>>)
      %dma_wait3A_161 = arith.constant 0 : i32
      %dma_wait3A_162 = tpu.memref_slice %arg5[%run_scoped3A_31, %dma_wait3A_161] : memref<8x32xi32, #tpu.memory_space<vmem>> -> memref<1x32xi32, #tpu.memory_space<vmem>>
      %dma_wait3A_163 = tpu.memref_squeeze %dma_wait3A_162 : memref<1x32xi32, #tpu.memory_space<vmem>> -> memref<32xi32, #tpu.memory_space<vmem>>
      %dma_wait3A_164 = tpu.memref_slice %arg3[%add3A_30] : memref<8192xi32, #tpu.memory_space<hbm>> -> memref<32xi32, #tpu.memory_space<hbm>>
      %dma_wait3A_165 = arith.constant 0 : i32
      %dma_wait3A_166 = tpu.memref_slice %arg5[%run_scoped3A_31, %dma_wait3A_165] : memref<8x32xi32, #tpu.memory_space<vmem>> -> memref<1x32xi32, #tpu.memory_space<vmem>>
      %dma_wait3A_167 = tpu.memref_squeeze %dma_wait3A_166 : memref<1x32xi32, #tpu.memory_space<vmem>> -> memref<32xi32, #tpu.memory_space<vmem>>
      %dma_wait3A_168 = tpu.memref_slice %arg3[%add3A_30] : memref<8192xi32, #tpu.memory_space<hbm>> -> memref<32xi32, #tpu.memory_space<hbm>>
      tpu.wait_dma2 semaphore(%run_scoped3A_152 : memref<!tpu.dma_semaphore, #tpu.memory_space<semaphore_mem>>) src(%dma_wait3A_168 : memref<32xi32, #tpu.memory_space<hbm>>) dst(%dma_wait3A_167 : memref<32xi32, #tpu.memory_space<vmem>>)
      tpu.yield
    }) : () -> ()
    %dma_start3A_32 = arith.constant 2 : i32
    %dma_start3A_33 = arith.constant 0 : i32
    %dma_start3A_34 = tpu.memref_slice %arg5[%dma_start3A_32, %dma_start3A_33] : memref<8x32xi32, #tpu.memory_space<vmem>> -> memref<1x32xi32, #tpu.memory_space<vmem>>
    %dma_start3A_35 = tpu.memref_squeeze %dma_start3A_34 : memref<1x32xi32, #tpu.memory_space<vmem>> -> memref<32xi32, #tpu.memory_space<vmem>>
    %dma_start3A_36 = arith.constant 0 : i32
    %dma_start3A_37 = arith.constant 0 : i32
    %dma_start3A_38 = tpu.memref_slice %arg2[%dma_start3A_36, %dma_start3A_37] : memref<10240x1024xi32, #tpu.memory_space<hbm>> -> memref<10240x1024xi32, #tpu.memory_space<hbm>>
    tpu.enqueue_indirect_dma source(%dma_start3A_38 : memref<10240x1024xi32, #tpu.memory_space<hbm>>) target(%arg6 : memref<32x1024xi32, #tpu.memory_space<vmem>>) offsets(%dma_start3A_35 : memref<32xi32, #tpu.memory_space<vmem>>) semaphore(%arg8 : memref<!tpu.dma_semaphore, #tpu.memory_space<semaphore_mem>>)
    %dma_wait3A_39 = arith.constant 1 : i32
    %dma_wait3A_40 = arith.constant 0 : i32
    %dma_wait3A_41 = tpu.memref_slice %arg5[%dma_wait3A_39, %dma_wait3A_40] : memref<8x32xi32, #tpu.memory_space<vmem>> -> memref<1x32xi32, #tpu.memory_space<vmem>>
    %dma_wait3A_42 = tpu.memref_squeeze %dma_wait3A_41 : memref<1x32xi32, #tpu.memory_space<vmem>> -> memref<32xi32, #tpu.memory_space<vmem>>
    %dma_wait3A_43 = arith.constant 0 : i32
    %dma_wait3A_44 = arith.constant 0 : i32
    %dma_wait3A_45 = tpu.memref_slice %arg2[%dma_wait3A_43, %dma_wait3A_44] : memref<10240x1024xi32, #tpu.memory_space<hbm>> -> memref<10240x1024xi32, #tpu.memory_space<hbm>>
    tpu.wait_indirect_dma semaphore(%arg9 : memref<!tpu.dma_semaphore, #tpu.memory_space<semaphore_mem>>) src(%dma_wait3A_45 : memref<10240x1024xi32, #tpu.memory_space<hbm>>) dst(%arg7 : memref<32x1024xi32, #tpu.memory_space<vmem>>)
    %add3A_46 = arith.constant 32 : i32
    %add3A_47 = arith.addi %mul3A_2, %add3A_46 : i32
    "tpu.region"() ({
      %run_scoped3A_152 = tpu.sem_alloc : memref<!tpu.dma_semaphore, #tpu.memory_space<semaphore_mem>>
      %dma_start3A_153 = arith.constant 0 : i32
      %dma_start3A_154 = tpu.memref_slice %arg4[%add3A_47, %dma_start3A_153] : memref<8192x1024xi32, #tpu.memory_space<hbm>> -> memref<32x1024xi32, #tpu.memory_space<hbm>>
      %dma_start3A_155 = arith.constant 0 : i32
      %dma_start3A_156 = tpu.memref_slice %arg4[%add3A_47, %dma_start3A_155] : memref<8192x1024xi32, #tpu.memory_space<hbm>> -> memref<32x1024xi32, #tpu.memory_space<hbm>>
      tpu.enqueue_dma source(%arg7 : memref<32x1024xi32, #tpu.memory_space<vmem>>) target(%dma_start3A_156 : memref<32x1024xi32, #tpu.memory_space<hbm>>) target_semaphore(%run_scoped3A_152 : memref<!tpu.dma_semaphore, #tpu.memory_space<semaphore_mem>>)
      %dma_wait3A_157 = arith.constant 0 : i32
      %dma_wait3A_158 = tpu.memref_slice %arg4[%add3A_47, %dma_wait3A_157] : memref<8192x1024xi32, #tpu.memory_space<hbm>> -> memref<32x1024xi32, #tpu.memory_space<hbm>>
      %dma_wait3A_159 = arith.constant 0 : i32
      %dma_wait3A_160 = tpu.memref_slice %arg4[%add3A_47, %dma_wait3A_159] : memref<8192x1024xi32, #tpu.memory_space<hbm>> -> memref<32x1024xi32, #tpu.memory_space<hbm>>
      tpu.wait_dma2 semaphore(%run_scoped3A_152 : memref<!tpu.dma_semaphore, #tpu.memory_space<semaphore_mem>>) src(%arg7 : memref<32x1024xi32, #tpu.memory_space<vmem>>) dst(%dma_wait3A_160 : memref<32x1024xi32, #tpu.memory_space<hbm>>)
      tpu.yield
    }) : () -> ()
    %add3A_48 = arith.constant 96 : i32
    %add3A_49 = arith.addi %mul3A_2, %add3A_48 : i32
    %run_scoped3A_50 = arith.constant 3 : i32
    "tpu.region"() ({
      %run_scoped3A_152 = tpu.sem_alloc : memref<!tpu.dma_semaphore, #tpu.memory_space<semaphore_mem>>
      %dma_start3A_153 = arith.constant 0 : i32
      %dma_start3A_154 = tpu.memref_slice %arg5[%run_scoped3A_50, %dma_start3A_153] : memref<8x32xi32, #tpu.memory_space<vmem>> -> memref<1x32xi32, #tpu.memory_space<vmem>>
      %dma_start3A_155 = tpu.memref_squeeze %dma_start3A_154 : memref<1x32xi32, #tpu.memory_space<vmem>> -> memref<32xi32, #tpu.memory_space<vmem>>
      %dma_start3A_156 = tpu.memref_slice %arg3[%add3A_49] : memref<8192xi32, #tpu.memory_space<hbm>> -> memref<32xi32, #tpu.memory_space<hbm>>
      %dma_start3A_157 = arith.constant 0 : i32
      %dma_start3A_158 = tpu.memref_slice %arg5[%run_scoped3A_50, %dma_start3A_157] : memref<8x32xi32, #tpu.memory_space<vmem>> -> memref<1x32xi32, #tpu.memory_space<vmem>>
      %dma_start3A_159 = tpu.memref_squeeze %dma_start3A_158 : memref<1x32xi32, #tpu.memory_space<vmem>> -> memref<32xi32, #tpu.memory_space<vmem>>
      %dma_start3A_160 = tpu.memref_slice %arg3[%add3A_49] : memref<8192xi32, #tpu.memory_space<hbm>> -> memref<32xi32, #tpu.memory_space<hbm>>
      tpu.enqueue_dma source(%dma_start3A_160 : memref<32xi32, #tpu.memory_space<hbm>>) target(%dma_start3A_159 : memref<32xi32, #tpu.memory_space<vmem>>) target_semaphore(%run_scoped3A_152 : memref<!tpu.dma_semaphore, #tpu.memory_space<semaphore_mem>>)
      %dma_wait3A_161 = arith.constant 0 : i32
      %dma_wait3A_162 = tpu.memref_slice %arg5[%run_scoped3A_50, %dma_wait3A_161] : memref<8x32xi32, #tpu.memory_space<vmem>> -> memref<1x32xi32, #tpu.memory_space<vmem>>
      %dma_wait3A_163 = tpu.memref_squeeze %dma_wait3A_162 : memref<1x32xi32, #tpu.memory_space<vmem>> -> memref<32xi32, #tpu.memory_space<vmem>>
      %dma_wait3A_164 = tpu.memref_slice %arg3[%add3A_49] : memref<8192xi32, #tpu.memory_space<hbm>> -> memref<32xi32, #tpu.memory_space<hbm>>
      %dma_wait3A_165 = arith.constant 0 : i32
      %dma_wait3A_166 = tpu.memref_slice %arg5[%run_scoped3A_50, %dma_wait3A_165] : memref<8x32xi32, #tpu.memory_space<vmem>> -> memref<1x32xi32, #tpu.memory_space<vmem>>
      %dma_wait3A_167 = tpu.memref_squeeze %dma_wait3A_166 : memref<1x32xi32, #tpu.memory_space<vmem>> -> memref<32xi32, #tpu.memory_space<vmem>>
      %dma_wait3A_168 = tpu.memref_slice %arg3[%add3A_49] : memref<8192xi32, #tpu.memory_space<hbm>> -> memref<32xi32, #tpu.memory_space<hbm>>
      tpu.wait_dma2 semaphore(%run_scoped3A_152 : memref<!tpu.dma_semaphore, #tpu.memory_space<semaphore_mem>>) src(%dma_wait3A_168 : memref<32xi32, #tpu.memory_space<hbm>>) dst(%dma_wait3A_167 : memref<32xi32, #tpu.memory_space<vmem>>)
      tpu.yield
    }) : () -> ()
    %dma_start3A_51 = arith.constant 3 : i32
    %dma_start3A_52 = arith.constant 0 : i32
    %dma_start3A_53 = tpu.memref_slice %arg5[%dma_start3A_51, %dma_start3A_52] : memref<8x32xi32, #tpu.memory_space<vmem>> -> memref<1x32xi32, #tpu.memory_space<vmem>>
    %dma_start3A_54 = tpu.memref_squeeze %dma_start3A_53 : memref<1x32xi32, #tpu.memory_space<vmem>> -> memref<32xi32, #tpu.memory_space<vmem>>
    %dma_start3A_55 = arith.constant 0 : i32
    %dma_start3A_56 = arith.constant 0 : i32
    %dma_start3A_57 = tpu.memref_slice %arg2[%dma_start3A_55, %dma_start3A_56] : memref<10240x1024xi32, #tpu.memory_space<hbm>> -> memref<10240x1024xi32, #tpu.memory_space<hbm>>
    tpu.enqueue_indirect_dma source(%dma_start3A_57 : memref<10240x1024xi32, #tpu.memory_space<hbm>>) target(%arg7 : memref<32x1024xi32, #tpu.memory_space<vmem>>) offsets(%dma_start3A_54 : memref<32xi32, #tpu.memory_space<vmem>>) semaphore(%arg9 : memref<!tpu.dma_semaphore, #tpu.memory_space<semaphore_mem>>)
    %dma_wait3A_58 = arith.constant 2 : i32
    %dma_wait3A_59 = arith.constant 0 : i32
    %dma_wait3A_60 = tpu.memref_slice %arg5[%dma_wait3A_58, %dma_wait3A_59] : memref<8x32xi32, #tpu.memory_space<vmem>> -> memref<1x32xi32, #tpu.memory_space<vmem>>
    %dma_wait3A_61 = tpu.memref_squeeze %dma_wait3A_60 : memref<1x32xi32, #tpu.memory_space<vmem>> -> memref<32xi32, #tpu.memory_space<vmem>>
    %dma_wait3A_62 = arith.constant 0 : i32
    %dma_wait3A_63 = arith.constant 0 : i32
    %dma_wait3A_64 = tpu.memref_slice %arg2[%dma_wait3A_62, %dma_wait3A_63] : memref<10240x1024xi32, #tpu.memory_space<hbm>> -> memref<10240x1024xi32, #tpu.memory_space<hbm>>
    tpu.wait_indirect_dma semaphore(%arg8 : memref<!tpu.dma_semaphore, #tpu.memory_space<semaphore_mem>>) src(%dma_wait3A_64 : memref<10240x1024xi32, #tpu.memory_space<hbm>>) dst(%arg6 : memref<32x1024xi32, #tpu.memory_space<vmem>>)
    %add3A_65 = arith.constant 64 : i32
    %add3A_66 = arith.addi %mul3A_2, %add3A_65 : i32
    "tpu.region"() ({
      %run_scoped3A_152 = tpu.sem_alloc : memref<!tpu.dma_semaphore, #tpu.memory_space<semaphore_mem>>
      %dma_start3A_153 = arith.constant 0 : i32
      %dma_start3A_154 = tpu.memref_slice %arg4[%add3A_66, %dma_start3A_153] : memref<8192x1024xi32, #tpu.memory_space<hbm>> -> memref<32x1024xi32, #tpu.memory_space<hbm>>
      %dma_start3A_155 = arith.constant 0 : i32
      %dma_start3A_156 = tpu.memref_slice %arg4[%add3A_66, %dma_start3A_155] : memref<8192x1024xi32, #tpu.memory_space<hbm>> -> memref<32x1024xi32, #tpu.memory_space<hbm>>
      tpu.enqueue_dma source(%arg6 : memref<32x1024xi32, #tpu.memory_space<vmem>>) target(%dma_start3A_156 : memref<32x1024xi32, #tpu.memory_space<hbm>>) target_semaphore(%run_scoped3A_152 : memref<!tpu.dma_semaphore, #tpu.memory_space<semaphore_mem>>)
      %dma_wait3A_157 = arith.constant 0 : i32
      %dma_wait3A_158 = tpu.memref_slice %arg4[%add3A_66, %dma_wait3A_157] : memref<8192x1024xi32, #tpu.memory_space<hbm>> -> memref<32x1024xi32, #tpu.memory_space<hbm>>
      %dma_wait3A_159 = arith.constant 0 : i32
      %dma_wait3A_160 = tpu.memref_slice %arg4[%add3A_66, %dma_wait3A_159] : memref<8192x1024xi32, #tpu.memory_space<hbm>> -> memref<32x1024xi32, #tpu.memory_space<hbm>>
      tpu.wait_dma2 semaphore(%run_scoped3A_152 : memref<!tpu.dma_semaphore, #tpu.memory_space<semaphore_mem>>) src(%arg6 : memref<32x1024xi32, #tpu.memory_space<vmem>>) dst(%dma_wait3A_160 : memref<32x1024xi32, #tpu.memory_space<hbm>>)
      tpu.yield
    }) : () -> ()
    %add3A_67 = arith.constant 128 : i32
    %add3A_68 = arith.addi %mul3A_2, %add3A_67 : i32
    %run_scoped3A_69 = arith.constant 4 : i32
    "tpu.region"() ({
      %run_scoped3A_152 = tpu.sem_alloc : memref<!tpu.dma_semaphore, #tpu.memory_space<semaphore_mem>>
      %dma_start3A_153 = arith.constant 0 : i32
      %dma_start3A_154 = tpu.memref_slice %arg5[%run_scoped3A_69, %dma_start3A_153] : memref<8x32xi32, #tpu.memory_space<vmem>> -> memref<1x32xi32, #tpu.memory_space<vmem>>
      %dma_start3A_155 = tpu.memref_squeeze %dma_start3A_154 : memref<1x32xi32, #tpu.memory_space<vmem>> -> memref<32xi32, #tpu.memory_space<vmem>>
      %dma_start3A_156 = tpu.memref_slice %arg3[%add3A_68] : memref<8192xi32, #tpu.memory_space<hbm>> -> memref<32xi32, #tpu.memory_space<hbm>>
      %dma_start3A_157 = arith.constant 0 : i32
      %dma_start3A_158 = tpu.memref_slice %arg5[%run_scoped3A_69, %dma_start3A_157] : memref<8x32xi32, #tpu.memory_space<vmem>> -> memref<1x32xi32, #tpu.memory_space<vmem>>
      %dma_start3A_159 = tpu.memref_squeeze %dma_start3A_158 : memref<1x32xi32, #tpu.memory_space<vmem>> -> memref<32xi32, #tpu.memory_space<vmem>>
      %dma_start3A_160 = tpu.memref_slice %arg3[%add3A_68] : memref<8192xi32, #tpu.memory_space<hbm>> -> memref<32xi32, #tpu.memory_space<hbm>>
      tpu.enqueue_dma source(%dma_start3A_160 : memref<32xi32, #tpu.memory_space<hbm>>) target(%dma_start3A_159 : memref<32xi32, #tpu.memory_space<vmem>>) target_semaphore(%run_scoped3A_152 : memref<!tpu.dma_semaphore, #tpu.memory_space<semaphore_mem>>)
      %dma_wait3A_161 = arith.constant 0 : i32
      %dma_wait3A_162 = tpu.memref_slice %arg5[%run_scoped3A_69, %dma_wait3A_161] : memref<8x32xi32, #tpu.memory_space<vmem>> -> memref<1x32xi32, #tpu.memory_space<vmem>>
      %dma_wait3A_163 = tpu.memref_squeeze %dma_wait3A_162 : memref<1x32xi32, #tpu.memory_space<vmem>> -> memref<32xi32, #tpu.memory_space<vmem>>
      %dma_wait3A_164 = tpu.memref_slice %arg3[%add3A_68] : memref<8192xi32, #tpu.memory_space<hbm>> -> memref<32xi32, #tpu.memory_space<hbm>>
      %dma_wait3A_165 = arith.constant 0 : i32
      %dma_wait3A_166 = tpu.memref_slice %arg5[%run_scoped3A_69, %dma_wait3A_165] : memref<8x32xi32, #tpu.memory_space<vmem>> -> memref<1x32xi32, #tpu.memory_space<vmem>>
      %dma_wait3A_167 = tpu.memref_squeeze %dma_wait3A_166 : memref<1x32xi32, #tpu.memory_space<vmem>> -> memref<32xi32, #tpu.memory_space<vmem>>
      %dma_wait3A_168 = tpu.memref_slice %arg3[%add3A_68] : memref<8192xi32, #tpu.memory_space<hbm>> -> memref<32xi32, #tpu.memory_space<hbm>>
      tpu.wait_dma2 semaphore(%run_scoped3A_152 : memref<!tpu.dma_semaphore, #tpu.memory_space<semaphore_mem>>) src(%dma_wait3A_168 : memref<32xi32, #tpu.memory_space<hbm>>) dst(%dma_wait3A_167 : memref<32xi32, #tpu.memory_space<vmem>>)
      tpu.yield
    }) : () -> ()
    %dma_start3A_70 = arith.constant 4 : i32
    %dma_start3A_71 = arith.constant 0 : i32
    %dma_start3A_72 = tpu.memref_slice %arg5[%dma_start3A_70, %dma_start3A_71] : memref<8x32xi32, #tpu.memory_space<vmem>> -> memref<1x32xi32, #tpu.memory_space<vmem>>
    %dma_start3A_73 = tpu.memref_squeeze %dma_start3A_72 : memref<1x32xi32, #tpu.memory_space<vmem>> -> memref<32xi32, #tpu.memory_space<vmem>>
    %dma_start3A_74 = arith.constant 0 : i32
    %dma_start3A_75 = arith.constant 0 : i32
    %dma_start3A_76 = tpu.memref_slice %arg2[%dma_start3A_74, %dma_start3A_75] : memref<10240x1024xi32, #tpu.memory_space<hbm>> -> memref<10240x1024xi32, #tpu.memory_space<hbm>>
    tpu.enqueue_indirect_dma source(%dma_start3A_76 : memref<10240x1024xi32, #tpu.memory_space<hbm>>) target(%arg6 : memref<32x1024xi32, #tpu.memory_space<vmem>>) offsets(%dma_start3A_73 : memref<32xi32, #tpu.memory_space<vmem>>) semaphore(%arg8 : memref<!tpu.dma_semaphore, #tpu.memory_space<semaphore_mem>>)
    %dma_wait3A_77 = arith.constant 3 : i32
    %dma_wait3A_78 = arith.constant 0 : i32
    %dma_wait3A_79 = tpu.memref_slice %arg5[%dma_wait3A_77, %dma_wait3A_78] : memref<8x32xi32, #tpu.memory_space<vmem>> -> memref<1x32xi32, #tpu.memory_space<vmem>>
    %dma_wait3A_80 = tpu.memref_squeeze %dma_wait3A_79 : memref<1x32xi32, #tpu.memory_space<vmem>> -> memref<32xi32, #tpu.memory_space<vmem>>
    %dma_wait3A_81 = arith.constant 0 : i32
    %dma_wait3A_82 = arith.constant 0 : i32
    %dma_wait3A_83 = tpu.memref_slice %arg2[%dma_wait3A_81, %dma_wait3A_82] : memref<10240x1024xi32, #tpu.memory_space<hbm>> -> memref<10240x1024xi32, #tpu.memory_space<hbm>>
    tpu.wait_indirect_dma semaphore(%arg9 : memref<!tpu.dma_semaphore, #tpu.memory_space<semaphore_mem>>) src(%dma_wait3A_83 : memref<10240x1024xi32, #tpu.memory_space<hbm>>) dst(%arg7 : memref<32x1024xi32, #tpu.memory_space<vmem>>)
    %add3A_84 = arith.constant 96 : i32
    %add3A_85 = arith.addi %mul3A_2, %add3A_84 : i32
    "tpu.region"() ({
      %run_scoped3A_152 = tpu.sem_alloc : memref<!tpu.dma_semaphore, #tpu.memory_space<semaphore_mem>>
      %dma_start3A_153 = arith.constant 0 : i32
      %dma_start3A_154 = tpu.memref_slice %arg4[%add3A_85, %dma_start3A_153] : memref<8192x1024xi32, #tpu.memory_space<hbm>> -> memref<32x1024xi32, #tpu.memory_space<hbm>>
      %dma_start3A_155 = arith.constant 0 : i32
      %dma_start3A_156 = tpu.memref_slice %arg4[%add3A_85, %dma_start3A_155] : memref<8192x1024xi32, #tpu.memory_space<hbm>> -> memref<32x1024xi32, #tpu.memory_space<hbm>>
      tpu.enqueue_dma source(%arg7 : memref<32x1024xi32, #tpu.memory_space<vmem>>) target(%dma_start3A_156 : memref<32x1024xi32, #tpu.memory_space<hbm>>) target_semaphore(%run_scoped3A_152 : memref<!tpu.dma_semaphore, #tpu.memory_space<semaphore_mem>>)
      %dma_wait3A_157 = arith.constant 0 : i32
      %dma_wait3A_158 = tpu.memref_slice %arg4[%add3A_85, %dma_wait3A_157] : memref<8192x1024xi32, #tpu.memory_space<hbm>> -> memref<32x1024xi32, #tpu.memory_space<hbm>>
      %dma_wait3A_159 = arith.constant 0 : i32
      %dma_wait3A_160 = tpu.memref_slice %arg4[%add3A_85, %dma_wait3A_159] : memref<8192x1024xi32, #tpu.memory_space<hbm>> -> memref<32x1024xi32, #tpu.memory_space<hbm>>
      tpu.wait_dma2 semaphore(%run_scoped3A_152 : memref<!tpu.dma_semaphore, #tpu.memory_space<semaphore_mem>>) src(%arg7 : memref<32x1024xi32, #tpu.memory_space<vmem>>) dst(%dma_wait3A_160 : memref<32x1024xi32, #tpu.memory_space<hbm>>)
      tpu.yield
    }) : () -> ()
    %add3A_86 = arith.constant 160 : i32
    %add3A_87 = arith.addi %mul3A_2, %add3A_86 : i32
    %run_scoped3A_88 = arith.constant 5 : i32
    "tpu.region"() ({
      %run_scoped3A_152 = tpu.sem_alloc : memref<!tpu.dma_semaphore, #tpu.memory_space<semaphore_mem>>
      %dma_start3A_153 = arith.constant 0 : i32
      %dma_start3A_154 = tpu.memref_slice %arg5[%run_scoped3A_88, %dma_start3A_153] : memref<8x32xi32, #tpu.memory_space<vmem>> -> memref<1x32xi32, #tpu.memory_space<vmem>>
      %dma_start3A_155 = tpu.memref_squeeze %dma_start3A_154 : memref<1x32xi32, #tpu.memory_space<vmem>> -> memref<32xi32, #tpu.memory_space<vmem>>
      %dma_start3A_156 = tpu.memref_slice %arg3[%add3A_87] : memref<8192xi32, #tpu.memory_space<hbm>> -> memref<32xi32, #tpu.memory_space<hbm>>
      %dma_start3A_157 = arith.constant 0 : i32
      %dma_start3A_158 = tpu.memref_slice %arg5[%run_scoped3A_88, %dma_start3A_157] : memref<8x32xi32, #tpu.memory_space<vmem>> -> memref<1x32xi32, #tpu.memory_space<vmem>>
      %dma_start3A_159 = tpu.memref_squeeze %dma_start3A_158 : memref<1x32xi32, #tpu.memory_space<vmem>> -> memref<32xi32, #tpu.memory_space<vmem>>
      %dma_start3A_160 = tpu.memref_slice %arg3[%add3A_87] : memref<8192xi32, #tpu.memory_space<hbm>> -> memref<32xi32, #tpu.memory_space<hbm>>
      tpu.enqueue_dma source(%dma_start3A_160 : memref<32xi32, #tpu.memory_space<hbm>>) target(%dma_start3A_159 : memref<32xi32, #tpu.memory_space<vmem>>) target_semaphore(%run_scoped3A_152 : memref<!tpu.dma_semaphore, #tpu.memory_space<semaphore_mem>>)
      %dma_wait3A_161 = arith.constant 0 : i32
      %dma_wait3A_162 = tpu.memref_slice %arg5[%run_scoped3A_88, %dma_wait3A_161] : memref<8x32xi32, #tpu.memory_space<vmem>> -> memref<1x32xi32, #tpu.memory_space<vmem>>
      %dma_wait3A_163 = tpu.memref_squeeze %dma_wait3A_162 : memref<1x32xi32, #tpu.memory_space<vmem>> -> memref<32xi32, #tpu.memory_space<vmem>>
      %dma_wait3A_164 = tpu.memref_slice %arg3[%add3A_87] : memref<8192xi32, #tpu.memory_space<hbm>> -> memref<32xi32, #tpu.memory_space<hbm>>
      %dma_wait3A_165 = arith.constant 0 : i32
      %dma_wait3A_166 = tpu.memref_slice %arg5[%run_scoped3A_88, %dma_wait3A_165] : memref<8x32xi32, #tpu.memory_space<vmem>> -> memref<1x32xi32, #tpu.memory_space<vmem>>
      %dma_wait3A_167 = tpu.memref_squeeze %dma_wait3A_166 : memref<1x32xi32, #tpu.memory_space<vmem>> -> memref<32xi32, #tpu.memory_space<vmem>>
      %dma_wait3A_168 = tpu.memref_slice %arg3[%add3A_87] : memref<8192xi32, #tpu.memory_space<hbm>> -> memref<32xi32, #tpu.memory_space<hbm>>
      tpu.wait_dma2 semaphore(%run_scoped3A_152 : memref<!tpu.dma_semaphore, #tpu.memory_space<semaphore_mem>>) src(%dma_wait3A_168 : memref<32xi32, #tpu.memory_space<hbm>>) dst(%dma_wait3A_167 : memref<32xi32, #tpu.memory_space<vmem>>)
      tpu.yield
    }) : () -> ()
    %dma_start3A_89 = arith.constant 5 : i32
    %dma_start3A_90 = arith.constant 0 : i32
    %dma_start3A_91 = tpu.memref_slice %arg5[%dma_start3A_89, %dma_start3A_90] : memref<8x32xi32, #tpu.memory_space<vmem>> -> memref<1x32xi32, #tpu.memory_space<vmem>>
    %dma_start3A_92 = tpu.memref_squeeze %dma_start3A_91 : memref<1x32xi32, #tpu.memory_space<vmem>> -> memref<32xi32, #tpu.memory_space<vmem>>
    %dma_start3A_93 = arith.constant 0 : i32
    %dma_start3A_94 = arith.constant 0 : i32
    %dma_start3A_95 = tpu.memref_slice %arg2[%dma_start3A_93, %dma_start3A_94] : memref<10240x1024xi32, #tpu.memory_space<hbm>> -> memref<10240x1024xi32, #tpu.memory_space<hbm>>
    tpu.enqueue_indirect_dma source(%dma_start3A_95 : memref<10240x1024xi32, #tpu.memory_space<hbm>>) target(%arg7 : memref<32x1024xi32, #tpu.memory_space<vmem>>) offsets(%dma_start3A_92 : memref<32xi32, #tpu.memory_space<vmem>>) semaphore(%arg9 : memref<!tpu.dma_semaphore, #tpu.memory_space<semaphore_mem>>)
    %dma_wait3A_96 = arith.constant 4 : i32
    %dma_wait3A_97 = arith.constant 0 : i32
    %dma_wait3A_98 = tpu.memref_slice %arg5[%dma_wait3A_96, %dma_wait3A_97] : memref<8x32xi32, #tpu.memory_space<vmem>> -> memref<1x32xi32, #tpu.memory_space<vmem>>
    %dma_wait3A_99 = tpu.memref_squeeze %dma_wait3A_98 : memref<1x32xi32, #tpu.memory_space<vmem>> -> memref<32xi32, #tpu.memory_space<vmem>>
    %dma_wait3A_100 = arith.constant 0 : i32
    %dma_wait3A_101 = arith.constant 0 : i32
    %dma_wait3A_102 = tpu.memref_slice %arg2[%dma_wait3A_100, %dma_wait3A_101] : memref<10240x1024xi32, #tpu.memory_space<hbm>> -> memref<10240x1024xi32, #tpu.memory_space<hbm>>
    tpu.wait_indirect_dma semaphore(%arg8 : memref<!tpu.dma_semaphore, #tpu.memory_space<semaphore_mem>>) src(%dma_wait3A_102 : memref<10240x1024xi32, #tpu.memory_space<hbm>>) dst(%arg6 : memref<32x1024xi32, #tpu.memory_space<vmem>>)
    %add3A_103 = arith.constant 128 : i32
    %add3A_104 = arith.addi %mul3A_2, %add3A_103 : i32
    "tpu.region"() ({
      %run_scoped3A_152 = tpu.sem_alloc : memref<!tpu.dma_semaphore, #tpu.memory_space<semaphore_mem>>
      %dma_start3A_153 = arith.constant 0 : i32
      %dma_start3A_154 = tpu.memref_slice %arg4[%add3A_104, %dma_start3A_153] : memref<8192x1024xi32, #tpu.memory_space<hbm>> -> memref<32x1024xi32, #tpu.memory_space<hbm>>
      %dma_start3A_155 = arith.constant 0 : i32
      %dma_start3A_156 = tpu.memref_slice %arg4[%add3A_104, %dma_start3A_155] : memref<8192x1024xi32, #tpu.memory_space<hbm>> -> memref<32x1024xi32, #tpu.memory_space<hbm>>
      tpu.enqueue_dma source(%arg6 : memref<32x1024xi32, #tpu.memory_space<vmem>>) target(%dma_start3A_156 : memref<32x1024xi32, #tpu.memory_space<hbm>>) target_semaphore(%run_scoped3A_152 : memref<!tpu.dma_semaphore, #tpu.memory_space<semaphore_mem>>)
      %dma_wait3A_157 = arith.constant 0 : i32
      %dma_wait3A_158 = tpu.memref_slice %arg4[%add3A_104, %dma_wait3A_157] : memref<8192x1024xi32, #tpu.memory_space<hbm>> -> memref<32x1024xi32, #tpu.memory_space<hbm>>
      %dma_wait3A_159 = arith.constant 0 : i32
      %dma_wait3A_160 = tpu.memref_slice %arg4[%add3A_104, %dma_wait3A_159] : memref<8192x1024xi32, #tpu.memory_space<hbm>> -> memref<32x1024xi32, #tpu.memory_space<hbm>>
      tpu.wait_dma2 semaphore(%run_scoped3A_152 : memref<!tpu.dma_semaphore, #tpu.memory_space<semaphore_mem>>) src(%arg6 : memref<32x1024xi32, #tpu.memory_space<vmem>>) dst(%dma_wait3A_160 : memref<32x1024xi32, #tpu.memory_space<hbm>>)
      tpu.yield
    }) : () -> ()
    %add3A_105 = arith.constant 192 : i32
    %add3A_106 = arith.addi %mul3A_2, %add3A_105 : i32
    %run_scoped3A_107 = arith.constant 6 : i32
    "tpu.region"() ({
      %run_scoped3A_152 = tpu.sem_alloc : memref<!tpu.dma_semaphore, #tpu.memory_space<semaphore_mem>>
      %dma_start3A_153 = arith.constant 0 : i32
      %dma_start3A_154 = tpu.memref_slice %arg5[%run_scoped3A_107, %dma_start3A_153] : memref<8x32xi32, #tpu.memory_space<vmem>> -> memref<1x32xi32, #tpu.memory_space<vmem>>
      %dma_start3A_155 = tpu.memref_squeeze %dma_start3A_154 : memref<1x32xi32, #tpu.memory_space<vmem>> -> memref<32xi32, #tpu.memory_space<vmem>>
      %dma_start3A_156 = tpu.memref_slice %arg3[%add3A_106] : memref<8192xi32, #tpu.memory_space<hbm>> -> memref<32xi32, #tpu.memory_space<hbm>>
      %dma_start3A_157 = arith.constant 0 : i32
      %dma_start3A_158 = tpu.memref_slice %arg5[%run_scoped3A_107, %dma_start3A_157] : memref<8x32xi32, #tpu.memory_space<vmem>> -> memref<1x32xi32, #tpu.memory_space<vmem>>
      %dma_start3A_159 = tpu.memref_squeeze %dma_start3A_158 : memref<1x32xi32, #tpu.memory_space<vmem>> -> memref<32xi32, #tpu.memory_space<vmem>>
      %dma_start3A_160 = tpu.memref_slice %arg3[%add3A_106] : memref<8192xi32, #tpu.memory_space<hbm>> -> memref<32xi32, #tpu.memory_space<hbm>>
      tpu.enqueue_dma source(%dma_start3A_160 : memref<32xi32, #tpu.memory_space<hbm>>) target(%dma_start3A_159 : memref<32xi32, #tpu.memory_space<vmem>>) target_semaphore(%run_scoped3A_152 : memref<!tpu.dma_semaphore, #tpu.memory_space<semaphore_mem>>)
      %dma_wait3A_161 = arith.constant 0 : i32
      %dma_wait3A_162 = tpu.memref_slice %arg5[%run_scoped3A_107, %dma_wait3A_161] : memref<8x32xi32, #tpu.memory_space<vmem>> -> memref<1x32xi32, #tpu.memory_space<vmem>>
      %dma_wait3A_163 = tpu.memref_squeeze %dma_wait3A_162 : memref<1x32xi32, #tpu.memory_space<vmem>> -> memref<32xi32, #tpu.memory_space<vmem>>
      %dma_wait3A_164 = tpu.memref_slice %arg3[%add3A_106] : memref<8192xi32, #tpu.memory_space<hbm>> -> memref<32xi32, #tpu.memory_space<hbm>>
      %dma_wait3A_165 = arith.constant 0 : i32
      %dma_wait3A_166 = tpu.memref_slice %arg5[%run_scoped3A_107, %dma_wait3A_165] : memref<8x32xi32, #tpu.memory_space<vmem>> -> memref<1x32xi32, #tpu.memory_space<vmem>>
      %dma_wait3A_167 = tpu.memref_squeeze %dma_wait3A_166 : memref<1x32xi32, #tpu.memory_space<vmem>> -> memref<32xi32, #tpu.memory_space<vmem>>
      %dma_wait3A_168 = tpu.memref_slice %arg3[%add3A_106] : memref<8192xi32, #tpu.memory_space<hbm>> -> memref<32xi32, #tpu.memory_space<hbm>>
      tpu.wait_dma2 semaphore(%run_scoped3A_152 : memref<!tpu.dma_semaphore, #tpu.memory_space<semaphore_mem>>) src(%dma_wait3A_168 : memref<32xi32, #tpu.memory_space<hbm>>) dst(%dma_wait3A_167 : memref<32xi32, #tpu.memory_space<vmem>>)
      tpu.yield
    }) : () -> ()
    %dma_start3A_108 = arith.constant 6 : i32
    %dma_start3A_109 = arith.constant 0 : i32
    %dma_start3A_110 = tpu.memref_slice %arg5[%dma_start3A_108, %dma_start3A_109] : memref<8x32xi32, #tpu.memory_space<vmem>> -> memref<1x32xi32, #tpu.memory_space<vmem>>
    %dma_start3A_111 = tpu.memref_squeeze %dma_start3A_110 : memref<1x32xi32, #tpu.memory_space<vmem>> -> memref<32xi32, #tpu.memory_space<vmem>>
    %dma_start3A_112 = arith.constant 0 : i32
    %dma_start3A_113 = arith.constant 0 : i32
    %dma_start3A_114 = tpu.memref_slice %arg2[%dma_start3A_112, %dma_start3A_113] : memref<10240x1024xi32, #tpu.memory_space<hbm>> -> memref<10240x1024xi32, #tpu.memory_space<hbm>>
    tpu.enqueue_indirect_dma source(%dma_start3A_114 : memref<10240x1024xi32, #tpu.memory_space<hbm>>) target(%arg6 : memref<32x1024xi32, #tpu.memory_space<vmem>>) offsets(%dma_start3A_111 : memref<32xi32, #tpu.memory_space<vmem>>) semaphore(%arg8 : memref<!tpu.dma_semaphore, #tpu.memory_space<semaphore_mem>>)
    %dma_wait3A_115 = arith.constant 5 : i32
    %dma_wait3A_116 = arith.constant 0 : i32
    %dma_wait3A_117 = tpu.memref_slice %arg5[%dma_wait3A_115, %dma_wait3A_116] : memref<8x32xi32, #tpu.memory_space<vmem>> -> memref<1x32xi32, #tpu.memory_space<vmem>>
    %dma_wait3A_118 = tpu.memref_squeeze %dma_wait3A_117 : memref<1x32xi32, #tpu.memory_space<vmem>> -> memref<32xi32, #tpu.memory_space<vmem>>
    %dma_wait3A_119 = arith.constant 0 : i32
    %dma_wait3A_120 = arith.constant 0 : i32
    %dma_wait3A_121 = tpu.memref_slice %arg2[%dma_wait3A_119, %dma_wait3A_120] : memref<10240x1024xi32, #tpu.memory_space<hbm>> -> memref<10240x1024xi32, #tpu.memory_space<hbm>>
    tpu.wait_indirect_dma semaphore(%arg9 : memref<!tpu.dma_semaphore, #tpu.memory_space<semaphore_mem>>) src(%dma_wait3A_121 : memref<10240x1024xi32, #tpu.memory_space<hbm>>) dst(%arg7 : memref<32x1024xi32, #tpu.memory_space<vmem>>)
    %add3A_122 = arith.constant 160 : i32
    %add3A_123 = arith.addi %mul3A_2, %add3A_122 : i32
    "tpu.region"() ({
      %run_scoped3A_152 = tpu.sem_alloc : memref<!tpu.dma_semaphore, #tpu.memory_space<semaphore_mem>>
      %dma_start3A_153 = arith.constant 0 : i32
      %dma_start3A_154 = tpu.memref_slice %arg4[%add3A_123, %dma_start3A_153] : memref<8192x1024xi32, #tpu.memory_space<hbm>> -> memref<32x1024xi32, #tpu.memory_space<hbm>>
      %dma_start3A_155 = arith.constant 0 : i32
      %dma_start3A_156 = tpu.memref_slice %arg4[%add3A_123, %dma_start3A_155] : memref<8192x1024xi32, #tpu.memory_space<hbm>> -> memref<32x1024xi32, #tpu.memory_space<hbm>>
      tpu.enqueue_dma source(%arg7 : memref<32x1024xi32, #tpu.memory_space<vmem>>) target(%dma_start3A_156 : memref<32x1024xi32, #tpu.memory_space<hbm>>) target_semaphore(%run_scoped3A_152 : memref<!tpu.dma_semaphore, #tpu.memory_space<semaphore_mem>>)
      %dma_wait3A_157 = arith.constant 0 : i32
      %dma_wait3A_158 = tpu.memref_slice %arg4[%add3A_123, %dma_wait3A_157] : memref<8192x1024xi32, #tpu.memory_space<hbm>> -> memref<32x1024xi32, #tpu.memory_space<hbm>>
      %dma_wait3A_159 = arith.constant 0 : i32
      %dma_wait3A_160 = tpu.memref_slice %arg4[%add3A_123, %dma_wait3A_159] : memref<8192x1024xi32, #tpu.memory_space<hbm>> -> memref<32x1024xi32, #tpu.memory_space<hbm>>
      tpu.wait_dma2 semaphore(%run_scoped3A_152 : memref<!tpu.dma_semaphore, #tpu.memory_space<semaphore_mem>>) src(%arg7 : memref<32x1024xi32, #tpu.memory_space<vmem>>) dst(%dma_wait3A_160 : memref<32x1024xi32, #tpu.memory_space<hbm>>)
      tpu.yield
    }) : () -> ()
    %add3A_124 = arith.constant 224 : i32
    %add3A_125 = arith.addi %mul3A_2, %add3A_124 : i32
    %run_scoped3A_126 = arith.constant 7 : i32
    "tpu.region"() ({
      %run_scoped3A_152 = tpu.sem_alloc : memref<!tpu.dma_semaphore, #tpu.memory_space<semaphore_mem>>
      %dma_start3A_153 = arith.constant 0 : i32
      %dma_start3A_154 = tpu.memref_slice %arg5[%run_scoped3A_126, %dma_start3A_153] : memref<8x32xi32, #tpu.memory_space<vmem>> -> memref<1x32xi32, #tpu.memory_space<vmem>>
      %dma_start3A_155 = tpu.memref_squeeze %dma_start3A_154 : memref<1x32xi32, #tpu.memory_space<vmem>> -> memref<32xi32, #tpu.memory_space<vmem>>
      %dma_start3A_156 = tpu.memref_slice %arg3[%add3A_125] : memref<8192xi32, #tpu.memory_space<hbm>> -> memref<32xi32, #tpu.memory_space<hbm>>
      %dma_start3A_157 = arith.constant 0 : i32
      %dma_start3A_158 = tpu.memref_slice %arg5[%run_scoped3A_126, %dma_start3A_157] : memref<8x32xi32, #tpu.memory_space<vmem>> -> memref<1x32xi32, #tpu.memory_space<vmem>>
      %dma_start3A_159 = tpu.memref_squeeze %dma_start3A_158 : memref<1x32xi32, #tpu.memory_space<vmem>> -> memref<32xi32, #tpu.memory_space<vmem>>
      %dma_start3A_160 = tpu.memref_slice %arg3[%add3A_125] : memref<8192xi32, #tpu.memory_space<hbm>> -> memref<32xi32, #tpu.memory_space<hbm>>
      tpu.enqueue_dma source(%dma_start3A_160 : memref<32xi32, #tpu.memory_space<hbm>>) target(%dma_start3A_159 : memref<32xi32, #tpu.memory_space<vmem>>) target_semaphore(%run_scoped3A_152 : memref<!tpu.dma_semaphore, #tpu.memory_space<semaphore_mem>>)
      %dma_wait3A_161 = arith.constant 0 : i32
      %dma_wait3A_162 = tpu.memref_slice %arg5[%run_scoped3A_126, %dma_wait3A_161] : memref<8x32xi32, #tpu.memory_space<vmem>> -> memref<1x32xi32, #tpu.memory_space<vmem>>
      %dma_wait3A_163 = tpu.memref_squeeze %dma_wait3A_162 : memref<1x32xi32, #tpu.memory_space<vmem>> -> memref<32xi32, #tpu.memory_space<vmem>>
      %dma_wait3A_164 = tpu.memref_slice %arg3[%add3A_125] : memref<8192xi32, #tpu.memory_space<hbm>> -> memref<32xi32, #tpu.memory_space<hbm>>
      %dma_wait3A_165 = arith.constant 0 : i32
      %dma_wait3A_166 = tpu.memref_slice %arg5[%run_scoped3A_126, %dma_wait3A_165] : memref<8x32xi32, #tpu.memory_space<vmem>> -> memref<1x32xi32, #tpu.memory_space<vmem>>
      %dma_wait3A_167 = tpu.memref_squeeze %dma_wait3A_166 : memref<1x32xi32, #tpu.memory_space<vmem>> -> memref<32xi32, #tpu.memory_space<vmem>>
      %dma_wait3A_168 = tpu.memref_slice %arg3[%add3A_125] : memref<8192xi32, #tpu.memory_space<hbm>> -> memref<32xi32, #tpu.memory_space<hbm>>
      tpu.wait_dma2 semaphore(%run_scoped3A_152 : memref<!tpu.dma_semaphore, #tpu.memory_space<semaphore_mem>>) src(%dma_wait3A_168 : memref<32xi32, #tpu.memory_space<hbm>>) dst(%dma_wait3A_167 : memref<32xi32, #tpu.memory_space<vmem>>)
      tpu.yield
    }) : () -> ()
    %dma_start3A_127 = arith.constant 7 : i32
    %dma_start3A_128 = arith.constant 0 : i32
    %dma_start3A_129 = tpu.memref_slice %arg5[%dma_start3A_127, %dma_start3A_128] : memref<8x32xi32, #tpu.memory_space<vmem>> -> memref<1x32xi32, #tpu.memory_space<vmem>>
    %dma_start3A_130 = tpu.memref_squeeze %dma_start3A_129 : memref<1x32xi32, #tpu.memory_space<vmem>> -> memref<32xi32, #tpu.memory_space<vmem>>
    %dma_start3A_131 = arith.constant 0 : i32
    %dma_start3A_132 = arith.constant 0 : i32
    %dma_start3A_133 = tpu.memref_slice %arg2[%dma_start3A_131, %dma_start3A_132] : memref<10240x1024xi32, #tpu.memory_space<hbm>> -> memref<10240x1024xi32, #tpu.memory_space<hbm>>
    tpu.enqueue_indirect_dma source(%dma_start3A_133 : memref<10240x1024xi32, #tpu.memory_space<hbm>>) target(%arg7 : memref<32x1024xi32, #tpu.memory_space<vmem>>) offsets(%dma_start3A_130 : memref<32xi32, #tpu.memory_space<vmem>>) semaphore(%arg9 : memref<!tpu.dma_semaphore, #tpu.memory_space<semaphore_mem>>)
    %dma_wait3A_134 = arith.constant 6 : i32
    %dma_wait3A_135 = arith.constant 0 : i32
    %dma_wait3A_136 = tpu.memref_slice %arg5[%dma_wait3A_134, %dma_wait3A_135] : memref<8x32xi32, #tpu.memory_space<vmem>> -> memref<1x32xi32, #tpu.memory_space<vmem>>
    %dma_wait3A_137 = tpu.memref_squeeze %dma_wait3A_136 : memref<1x32xi32, #tpu.memory_space<vmem>> -> memref<32xi32, #tpu.memory_space<vmem>>
    %dma_wait3A_138 = arith.constant 0 : i32
    %dma_wait3A_139 = arith.constant 0 : i32
    %dma_wait3A_140 = tpu.memref_slice %arg2[%dma_wait3A_138, %dma_wait3A_139] : memref<10240x1024xi32, #tpu.memory_space<hbm>> -> memref<10240x1024xi32, #tpu.memory_space<hbm>>
    tpu.wait_indirect_dma semaphore(%arg8 : memref<!tpu.dma_semaphore, #tpu.memory_space<semaphore_mem>>) src(%dma_wait3A_140 : memref<10240x1024xi32, #tpu.memory_space<hbm>>) dst(%arg6 : memref<32x1024xi32, #tpu.memory_space<vmem>>)
    %add3A_141 = arith.constant 192 : i32
    %add3A_142 = arith.addi %mul3A_2, %add3A_141 : i32
    "tpu.region"() ({
      %run_scoped3A_152 = tpu.sem_alloc : memref<!tpu.dma_semaphore, #tpu.memory_space<semaphore_mem>>
      %dma_start3A_153 = arith.constant 0 : i32
      %dma_start3A_154 = tpu.memref_slice %arg4[%add3A_142, %dma_start3A_153] : memref<8192x1024xi32, #tpu.memory_space<hbm>> -> memref<32x1024xi32, #tpu.memory_space<hbm>>
      %dma_start3A_155 = arith.constant 0 : i32
      %dma_start3A_156 = tpu.memref_slice %arg4[%add3A_142, %dma_start3A_155] : memref<8192x1024xi32, #tpu.memory_space<hbm>> -> memref<32x1024xi32, #tpu.memory_space<hbm>>
      tpu.enqueue_dma source(%arg6 : memref<32x1024xi32, #tpu.memory_space<vmem>>) target(%dma_start3A_156 : memref<32x1024xi32, #tpu.memory_space<hbm>>) target_semaphore(%run_scoped3A_152 : memref<!tpu.dma_semaphore, #tpu.memory_space<semaphore_mem>>)
      %dma_wait3A_157 = arith.constant 0 : i32
      %dma_wait3A_158 = tpu.memref_slice %arg4[%add3A_142, %dma_wait3A_157] : memref<8192x1024xi32, #tpu.memory_space<hbm>> -> memref<32x1024xi32, #tpu.memory_space<hbm>>
      %dma_wait3A_159 = arith.constant 0 : i32
      %dma_wait3A_160 = tpu.memref_slice %arg4[%add3A_142, %dma_wait3A_159] : memref<8192x1024xi32, #tpu.memory_space<hbm>> -> memref<32x1024xi32, #tpu.memory_space<hbm>>
      tpu.wait_dma2 semaphore(%run_scoped3A_152 : memref<!tpu.dma_semaphore, #tpu.memory_space<semaphore_mem>>) src(%arg6 : memref<32x1024xi32, #tpu.memory_space<vmem>>) dst(%dma_wait3A_160 : memref<32x1024xi32, #tpu.memory_space<hbm>>)
      tpu.yield
    }) : () -> ()
    %dma_wait3A_143 = arith.constant 7 : i32
    %dma_wait3A_144 = arith.constant 0 : i32
    %dma_wait3A_145 = tpu.memref_slice %arg5[%dma_wait3A_143, %dma_wait3A_144] : memref<8x32xi32, #tpu.memory_space<vmem>> -> memref<1x32xi32, #tpu.memory_space<vmem>>
    %dma_wait3A_146 = tpu.memref_squeeze %dma_wait3A_145 : memref<1x32xi32, #tpu.memory_space<vmem>> -> memref<32xi32, #tpu.memory_space<vmem>>
    %dma_wait3A_147 = arith.constant 0 : i32
    %dma_wait3A_148 = arith.constant 0 : i32
    %dma_wait3A_149 = tpu.memref_slice %arg2[%dma_wait3A_147, %dma_wait3A_148] : memref<10240x1024xi32, #tpu.memory_space<hbm>> -> memref<10240x1024xi32, #tpu.memory_space<hbm>>
    tpu.wait_indirect_dma semaphore(%arg9 : memref<!tpu.dma_semaphore, #tpu.memory_space<semaphore_mem>>) src(%dma_wait3A_149 : memref<10240x1024xi32, #tpu.memory_space<hbm>>) dst(%arg7 : memref<32x1024xi32, #tpu.memory_space<vmem>>)
    %add3A_150 = arith.constant 224 : i32
    %add3A_151 = arith.addi %mul3A_2, %add3A_150 : i32
    "tpu.region"() ({
      %run_scoped3A_152 = tpu.sem_alloc : memref<!tpu.dma_semaphore, #tpu.memory_space<semaphore_mem>>
      %dma_start3A_153 = arith.constant 0 : i32
      %dma_start3A_154 = tpu.memref_slice %arg4[%add3A_151, %dma_start3A_153] : memref<8192x1024xi32, #tpu.memory_space<hbm>> -> memref<32x1024xi32, #tpu.memory_space<hbm>>
      %dma_start3A_155 = arith.constant 0 : i32
      %dma_start3A_156 = tpu.memref_slice %arg4[%add3A_151, %dma_start3A_155] : memref<8192x1024xi32, #tpu.memory_space<hbm>> -> memref<32x1024xi32, #tpu.memory_space<hbm>>
      tpu.enqueue_dma source(%arg7 : memref<32x1024xi32, #tpu.memory_space<vmem>>) target(%dma_start3A_156 : memref<32x1024xi32, #tpu.memory_space<hbm>>) target_semaphore(%run_scoped3A_152 : memref<!tpu.dma_semaphore, #tpu.memory_space<semaphore_mem>>)
      %dma_wait3A_157 = arith.constant 0 : i32
      %dma_wait3A_158 = tpu.memref_slice %arg4[%add3A_151, %dma_wait3A_157] : memref<8192x1024xi32, #tpu.memory_space<hbm>> -> memref<32x1024xi32, #tpu.memory_space<hbm>>
      %dma_wait3A_159 = arith.constant 0 : i32
      %dma_wait3A_160 = tpu.memref_slice %arg4[%add3A_151, %dma_wait3A_159] : memref<8192x1024xi32, #tpu.memory_space<hbm>> -> memref<32x1024xi32, #tpu.memory_space<hbm>>
      tpu.wait_dma2 semaphore(%run_scoped3A_152 : memref<!tpu.dma_semaphore, #tpu.memory_space<semaphore_mem>>) src(%arg7 : memref<32x1024xi32, #tpu.memory_space<vmem>>) dst(%dma_wait3A_160 : memref<32x1024xi32, #tpu.memory_space<hbm>>)
      tpu.yield
    }) : () -> ()
    return
  }
}

#map = affine_map<(d0, d1) -> (0, 0)>
module attributes {stable_mosaic.version = 14 : i64} {
  func.func @k(%arg0: i32, %arg1: i32, %arg2: memref<4096x512xi32, #tpu.memory_space<hbm>>, %arg3: memref<2x4096xi32, #tpu.memory_space<hbm>>, %arg4: memref<10240x512xi32, #tpu.memory_space<hbm>>, %arg5: memref<2x64xi32, #tpu.memory_space<vmem>>, %arg6: memref<64x512xi32, #tpu.memory_space<vmem>>, %arg7: memref<!tpu.dma_semaphore, #tpu.memory_space<semaphore_mem>>, %arg8: memref<!tpu.dma_semaphore, #tpu.memory_space<semaphore_mem>>) attributes {dimension_semantics = [#tpu.dimension_semantics<core_parallel>, #tpu.dimension_semantics<subcore_parallel>], iteration_bounds = array<i64: 2, 16>, scalar_prefetch = 0 : i64, scratch_operands = 4 : i64, tpu.core_type = #tpu.core_type<sc_vector_subcore>, window_params = [{transform_indices = #map}, {transform_indices = #map}, {transform_indices = #map}]} {
    %mul3A = arith.constant 2 : i32
    %mul3A_0 = arith.muli %arg1, %mul3A : i32
    %add3A = arith.addi %mul3A_0, %arg0 : i32
    %mul3A_1 = arith.constant 128 : i32
    %mul3A_2 = arith.muli %add3A, %mul3A_1 : i32
    %add3A_3 = arith.constant 0 : i32
    %add3A_4 = arith.addi %mul3A_2, %add3A_3 : i32
    "tpu.region"() ({
      %run_scoped3A_70 = tpu.sem_alloc : memref<!tpu.dma_semaphore, #tpu.memory_space<semaphore_mem>>
      %dma_start3A_71 = arith.constant 0 : i32
      %dma_start3A_72 = tpu.memref_slice %arg2[%add3A_4, %dma_start3A_71] : memref<4096x512xi32, #tpu.memory_space<hbm>> -> memref<64x512xi32, #tpu.memory_space<hbm>>
      %dma_start3A_73 = arith.constant 0 : i32
      %dma_start3A_74 = tpu.memref_slice %arg2[%add3A_4, %dma_start3A_73] : memref<4096x512xi32, #tpu.memory_space<hbm>> -> memref<64x512xi32, #tpu.memory_space<hbm>>
      tpu.enqueue_dma source(%dma_start3A_74 : memref<64x512xi32, #tpu.memory_space<hbm>>) target(%arg6 : memref<64x512xi32, #tpu.memory_space<vmem>>) target_semaphore(%run_scoped3A_70 : memref<!tpu.dma_semaphore, #tpu.memory_space<semaphore_mem>>)
      %dma_wait3A_75 = arith.constant 0 : i32
      %dma_wait3A_76 = tpu.memref_slice %arg2[%add3A_4, %dma_wait3A_75] : memref<4096x512xi32, #tpu.memory_space<hbm>> -> memref<64x512xi32, #tpu.memory_space<hbm>>
      %dma_wait3A_77 = arith.constant 0 : i32
      %dma_wait3A_78 = tpu.memref_slice %arg2[%add3A_4, %dma_wait3A_77] : memref<4096x512xi32, #tpu.memory_space<hbm>> -> memref<64x512xi32, #tpu.memory_space<hbm>>
      tpu.wait_dma2 semaphore(%run_scoped3A_70 : memref<!tpu.dma_semaphore, #tpu.memory_space<semaphore_mem>>) src(%dma_wait3A_78 : memref<64x512xi32, #tpu.memory_space<hbm>>) dst(%arg6 : memref<64x512xi32, #tpu.memory_space<vmem>>)
      tpu.yield
    }) : () -> ()
    %run_scoped3A = arith.constant 0 : i32
    %run_scoped3A_5 = arith.constant 0 : i32
    "tpu.region"() ({
      %run_scoped3A_70 = tpu.sem_alloc : memref<!tpu.dma_semaphore, #tpu.memory_space<semaphore_mem>>
      %dma_start3A_71 = arith.constant 0 : i32
      %dma_start3A_72 = tpu.memref_slice %arg5[%run_scoped3A_5, %dma_start3A_71] : memref<2x64xi32, #tpu.memory_space<vmem>> -> memref<1x64xi32, #tpu.memory_space<vmem>>
      %dma_start3A_73 = tpu.memref_squeeze %dma_start3A_72 : memref<1x64xi32, #tpu.memory_space<vmem>> -> memref<64xi32, #tpu.memory_space<vmem>>
      %dma_start3A_74 = tpu.memref_slice %arg3[%run_scoped3A, %add3A_4] : memref<2x4096xi32, #tpu.memory_space<hbm>> -> memref<1x64xi32, #tpu.memory_space<hbm>>
      %dma_start3A_75 = tpu.memref_squeeze %dma_start3A_74 : memref<1x64xi32, #tpu.memory_space<hbm>> -> memref<64xi32, #tpu.memory_space<hbm>>
      %dma_start3A_76 = arith.constant 0 : i32
      %dma_start3A_77 = tpu.memref_slice %arg5[%run_scoped3A_5, %dma_start3A_76] : memref<2x64xi32, #tpu.memory_space<vmem>> -> memref<1x64xi32, #tpu.memory_space<vmem>>
      %dma_start3A_78 = tpu.memref_squeeze %dma_start3A_77 : memref<1x64xi32, #tpu.memory_space<vmem>> -> memref<64xi32, #tpu.memory_space<vmem>>
      %dma_start3A_79 = tpu.memref_slice %arg3[%run_scoped3A, %add3A_4] : memref<2x4096xi32, #tpu.memory_space<hbm>> -> memref<1x64xi32, #tpu.memory_space<hbm>>
      %dma_start3A_80 = tpu.memref_squeeze %dma_start3A_79 : memref<1x64xi32, #tpu.memory_space<hbm>> -> memref<64xi32, #tpu.memory_space<hbm>>
      tpu.enqueue_dma source(%dma_start3A_80 : memref<64xi32, #tpu.memory_space<hbm>>) target(%dma_start3A_78 : memref<64xi32, #tpu.memory_space<vmem>>) target_semaphore(%run_scoped3A_70 : memref<!tpu.dma_semaphore, #tpu.memory_space<semaphore_mem>>)
      %dma_wait3A_81 = arith.constant 0 : i32
      %dma_wait3A_82 = tpu.memref_slice %arg5[%run_scoped3A_5, %dma_wait3A_81] : memref<2x64xi32, #tpu.memory_space<vmem>> -> memref<1x64xi32, #tpu.memory_space<vmem>>
      %dma_wait3A_83 = tpu.memref_squeeze %dma_wait3A_82 : memref<1x64xi32, #tpu.memory_space<vmem>> -> memref<64xi32, #tpu.memory_space<vmem>>
      %dma_wait3A_84 = tpu.memref_slice %arg3[%run_scoped3A, %add3A_4] : memref<2x4096xi32, #tpu.memory_space<hbm>> -> memref<1x64xi32, #tpu.memory_space<hbm>>
      %dma_wait3A_85 = tpu.memref_squeeze %dma_wait3A_84 : memref<1x64xi32, #tpu.memory_space<hbm>> -> memref<64xi32, #tpu.memory_space<hbm>>
      %dma_wait3A_86 = arith.constant 0 : i32
      %dma_wait3A_87 = tpu.memref_slice %arg5[%run_scoped3A_5, %dma_wait3A_86] : memref<2x64xi32, #tpu.memory_space<vmem>> -> memref<1x64xi32, #tpu.memory_space<vmem>>
      %dma_wait3A_88 = tpu.memref_squeeze %dma_wait3A_87 : memref<1x64xi32, #tpu.memory_space<vmem>> -> memref<64xi32, #tpu.memory_space<vmem>>
      %dma_wait3A_89 = tpu.memref_slice %arg3[%run_scoped3A, %add3A_4] : memref<2x4096xi32, #tpu.memory_space<hbm>> -> memref<1x64xi32, #tpu.memory_space<hbm>>
      %dma_wait3A_90 = tpu.memref_squeeze %dma_wait3A_89 : memref<1x64xi32, #tpu.memory_space<hbm>> -> memref<64xi32, #tpu.memory_space<hbm>>
      tpu.wait_dma2 semaphore(%run_scoped3A_70 : memref<!tpu.dma_semaphore, #tpu.memory_space<semaphore_mem>>) src(%dma_wait3A_90 : memref<64xi32, #tpu.memory_space<hbm>>) dst(%dma_wait3A_88 : memref<64xi32, #tpu.memory_space<vmem>>)
      tpu.yield
    }) : () -> ()
    %run_scoped3A_6 = arith.constant 1 : i32
    %run_scoped3A_7 = arith.constant 1 : i32
    "tpu.region"() ({
      %run_scoped3A_70 = tpu.sem_alloc : memref<!tpu.dma_semaphore, #tpu.memory_space<semaphore_mem>>
      %dma_start3A_71 = arith.constant 0 : i32
      %dma_start3A_72 = tpu.memref_slice %arg5[%run_scoped3A_7, %dma_start3A_71] : memref<2x64xi32, #tpu.memory_space<vmem>> -> memref<1x64xi32, #tpu.memory_space<vmem>>
      %dma_start3A_73 = tpu.memref_squeeze %dma_start3A_72 : memref<1x64xi32, #tpu.memory_space<vmem>> -> memref<64xi32, #tpu.memory_space<vmem>>
      %dma_start3A_74 = tpu.memref_slice %arg3[%run_scoped3A_6, %add3A_4] : memref<2x4096xi32, #tpu.memory_space<hbm>> -> memref<1x64xi32, #tpu.memory_space<hbm>>
      %dma_start3A_75 = tpu.memref_squeeze %dma_start3A_74 : memref<1x64xi32, #tpu.memory_space<hbm>> -> memref<64xi32, #tpu.memory_space<hbm>>
      %dma_start3A_76 = arith.constant 0 : i32
      %dma_start3A_77 = tpu.memref_slice %arg5[%run_scoped3A_7, %dma_start3A_76] : memref<2x64xi32, #tpu.memory_space<vmem>> -> memref<1x64xi32, #tpu.memory_space<vmem>>
      %dma_start3A_78 = tpu.memref_squeeze %dma_start3A_77 : memref<1x64xi32, #tpu.memory_space<vmem>> -> memref<64xi32, #tpu.memory_space<vmem>>
      %dma_start3A_79 = tpu.memref_slice %arg3[%run_scoped3A_6, %add3A_4] : memref<2x4096xi32, #tpu.memory_space<hbm>> -> memref<1x64xi32, #tpu.memory_space<hbm>>
      %dma_start3A_80 = tpu.memref_squeeze %dma_start3A_79 : memref<1x64xi32, #tpu.memory_space<hbm>> -> memref<64xi32, #tpu.memory_space<hbm>>
      tpu.enqueue_dma source(%dma_start3A_80 : memref<64xi32, #tpu.memory_space<hbm>>) target(%dma_start3A_78 : memref<64xi32, #tpu.memory_space<vmem>>) target_semaphore(%run_scoped3A_70 : memref<!tpu.dma_semaphore, #tpu.memory_space<semaphore_mem>>)
      %dma_wait3A_81 = arith.constant 0 : i32
      %dma_wait3A_82 = tpu.memref_slice %arg5[%run_scoped3A_7, %dma_wait3A_81] : memref<2x64xi32, #tpu.memory_space<vmem>> -> memref<1x64xi32, #tpu.memory_space<vmem>>
      %dma_wait3A_83 = tpu.memref_squeeze %dma_wait3A_82 : memref<1x64xi32, #tpu.memory_space<vmem>> -> memref<64xi32, #tpu.memory_space<vmem>>
      %dma_wait3A_84 = tpu.memref_slice %arg3[%run_scoped3A_6, %add3A_4] : memref<2x4096xi32, #tpu.memory_space<hbm>> -> memref<1x64xi32, #tpu.memory_space<hbm>>
      %dma_wait3A_85 = tpu.memref_squeeze %dma_wait3A_84 : memref<1x64xi32, #tpu.memory_space<hbm>> -> memref<64xi32, #tpu.memory_space<hbm>>
      %dma_wait3A_86 = arith.constant 0 : i32
      %dma_wait3A_87 = tpu.memref_slice %arg5[%run_scoped3A_7, %dma_wait3A_86] : memref<2x64xi32, #tpu.memory_space<vmem>> -> memref<1x64xi32, #tpu.memory_space<vmem>>
      %dma_wait3A_88 = tpu.memref_squeeze %dma_wait3A_87 : memref<1x64xi32, #tpu.memory_space<vmem>> -> memref<64xi32, #tpu.memory_space<vmem>>
      %dma_wait3A_89 = tpu.memref_slice %arg3[%run_scoped3A_6, %add3A_4] : memref<2x4096xi32, #tpu.memory_space<hbm>> -> memref<1x64xi32, #tpu.memory_space<hbm>>
      %dma_wait3A_90 = tpu.memref_squeeze %dma_wait3A_89 : memref<1x64xi32, #tpu.memory_space<hbm>> -> memref<64xi32, #tpu.memory_space<hbm>>
      tpu.wait_dma2 semaphore(%run_scoped3A_70 : memref<!tpu.dma_semaphore, #tpu.memory_space<semaphore_mem>>) src(%dma_wait3A_90 : memref<64xi32, #tpu.memory_space<hbm>>) dst(%dma_wait3A_88 : memref<64xi32, #tpu.memory_space<vmem>>)
      tpu.yield
    }) : () -> ()
    %dma_start3A = arith.constant 0 : i32
    %dma_start3A_8 = arith.constant 0 : i32
    %dma_start3A_9 = tpu.memref_slice %arg5[%dma_start3A, %dma_start3A_8] : memref<2x64xi32, #tpu.memory_space<vmem>> -> memref<1x64xi32, #tpu.memory_space<vmem>>
    %dma_start3A_10 = tpu.memref_squeeze %dma_start3A_9 : memref<1x64xi32, #tpu.memory_space<vmem>> -> memref<64xi32, #tpu.memory_space<vmem>>
    %dma_start3A_11 = arith.constant 0 : i32
    %dma_start3A_12 = arith.constant 0 : i32
    %dma_start3A_13 = tpu.memref_slice %arg4[%dma_start3A_11, %dma_start3A_12] : memref<10240x512xi32, #tpu.memory_space<hbm>> -> memref<10240x512xi32, #tpu.memory_space<hbm>>
    tpu.enqueue_indirect_dma source(%arg6 : memref<64x512xi32, #tpu.memory_space<vmem>>) target(%dma_start3A_13 : memref<10240x512xi32, #tpu.memory_space<hbm>>) offsets(%dma_start3A_10 : memref<64xi32, #tpu.memory_space<vmem>>) semaphore(%arg7 : memref<!tpu.dma_semaphore, #tpu.memory_space<semaphore_mem>>)
    %dma_start3A_14 = arith.constant 1 : i32
    %dma_start3A_15 = arith.constant 0 : i32
    %dma_start3A_16 = tpu.memref_slice %arg5[%dma_start3A_14, %dma_start3A_15] : memref<2x64xi32, #tpu.memory_space<vmem>> -> memref<1x64xi32, #tpu.memory_space<vmem>>
    %dma_start3A_17 = tpu.memref_squeeze %dma_start3A_16 : memref<1x64xi32, #tpu.memory_space<vmem>> -> memref<64xi32, #tpu.memory_space<vmem>>
    %dma_start3A_18 = arith.constant 0 : i32
    %dma_start3A_19 = arith.constant 0 : i32
    %dma_start3A_20 = tpu.memref_slice %arg4[%dma_start3A_18, %dma_start3A_19] : memref<10240x512xi32, #tpu.memory_space<hbm>> -> memref<10240x512xi32, #tpu.memory_space<hbm>>
    tpu.enqueue_indirect_dma source(%arg6 : memref<64x512xi32, #tpu.memory_space<vmem>>) target(%dma_start3A_20 : memref<10240x512xi32, #tpu.memory_space<hbm>>) offsets(%dma_start3A_17 : memref<64xi32, #tpu.memory_space<vmem>>) semaphore(%arg8 : memref<!tpu.dma_semaphore, #tpu.memory_space<semaphore_mem>>)
    %dma_wait3A = arith.constant 0 : i32
    %dma_wait3A_21 = arith.constant 0 : i32
    %dma_wait3A_22 = tpu.memref_slice %arg5[%dma_wait3A, %dma_wait3A_21] : memref<2x64xi32, #tpu.memory_space<vmem>> -> memref<1x64xi32, #tpu.memory_space<vmem>>
    %dma_wait3A_23 = tpu.memref_squeeze %dma_wait3A_22 : memref<1x64xi32, #tpu.memory_space<vmem>> -> memref<64xi32, #tpu.memory_space<vmem>>
    %dma_wait3A_24 = arith.constant 0 : i32
    %dma_wait3A_25 = arith.constant 0 : i32
    %dma_wait3A_26 = tpu.memref_slice %arg4[%dma_wait3A_24, %dma_wait3A_25] : memref<10240x512xi32, #tpu.memory_space<hbm>> -> memref<10240x512xi32, #tpu.memory_space<hbm>>
    tpu.wait_indirect_dma semaphore(%arg7 : memref<!tpu.dma_semaphore, #tpu.memory_space<semaphore_mem>>) src(%arg6 : memref<64x512xi32, #tpu.memory_space<vmem>>) dst(%dma_wait3A_26 : memref<10240x512xi32, #tpu.memory_space<hbm>>)
    %dma_wait3A_27 = arith.constant 1 : i32
    %dma_wait3A_28 = arith.constant 0 : i32
    %dma_wait3A_29 = tpu.memref_slice %arg5[%dma_wait3A_27, %dma_wait3A_28] : memref<2x64xi32, #tpu.memory_space<vmem>> -> memref<1x64xi32, #tpu.memory_space<vmem>>
    %dma_wait3A_30 = tpu.memref_squeeze %dma_wait3A_29 : memref<1x64xi32, #tpu.memory_space<vmem>> -> memref<64xi32, #tpu.memory_space<vmem>>
    %dma_wait3A_31 = arith.constant 0 : i32
    %dma_wait3A_32 = arith.constant 0 : i32
    %dma_wait3A_33 = tpu.memref_slice %arg4[%dma_wait3A_31, %dma_wait3A_32] : memref<10240x512xi32, #tpu.memory_space<hbm>> -> memref<10240x512xi32, #tpu.memory_space<hbm>>
    tpu.wait_indirect_dma semaphore(%arg8 : memref<!tpu.dma_semaphore, #tpu.memory_space<semaphore_mem>>) src(%arg6 : memref<64x512xi32, #tpu.memory_space<vmem>>) dst(%dma_wait3A_33 : memref<10240x512xi32, #tpu.memory_space<hbm>>)
    %mul3A_34 = arith.constant 128 : i32
    %mul3A_35 = arith.muli %add3A, %mul3A_34 : i32
    %add3A_36 = arith.constant 64 : i32
    %add3A_37 = arith.addi %mul3A_35, %add3A_36 : i32
    "tpu.region"() ({
      %run_scoped3A_70 = tpu.sem_alloc : memref<!tpu.dma_semaphore, #tpu.memory_space<semaphore_mem>>
      %dma_start3A_71 = arith.constant 0 : i32
      %dma_start3A_72 = tpu.memref_slice %arg2[%add3A_37, %dma_start3A_71] : memref<4096x512xi32, #tpu.memory_space<hbm>> -> memref<64x512xi32, #tpu.memory_space<hbm>>
      %dma_start3A_73 = arith.constant 0 : i32
      %dma_start3A_74 = tpu.memref_slice %arg2[%add3A_37, %dma_start3A_73] : memref<4096x512xi32, #tpu.memory_space<hbm>> -> memref<64x512xi32, #tpu.memory_space<hbm>>
      tpu.enqueue_dma source(%dma_start3A_74 : memref<64x512xi32, #tpu.memory_space<hbm>>) target(%arg6 : memref<64x512xi32, #tpu.memory_space<vmem>>) target_semaphore(%run_scoped3A_70 : memref<!tpu.dma_semaphore, #tpu.memory_space<semaphore_mem>>)
      %dma_wait3A_75 = arith.constant 0 : i32
      %dma_wait3A_76 = tpu.memref_slice %arg2[%add3A_37, %dma_wait3A_75] : memref<4096x512xi32, #tpu.memory_space<hbm>> -> memref<64x512xi32, #tpu.memory_space<hbm>>
      %dma_wait3A_77 = arith.constant 0 : i32
      %dma_wait3A_78 = tpu.memref_slice %arg2[%add3A_37, %dma_wait3A_77] : memref<4096x512xi32, #tpu.memory_space<hbm>> -> memref<64x512xi32, #tpu.memory_space<hbm>>
      tpu.wait_dma2 semaphore(%run_scoped3A_70 : memref<!tpu.dma_semaphore, #tpu.memory_space<semaphore_mem>>) src(%dma_wait3A_78 : memref<64x512xi32, #tpu.memory_space<hbm>>) dst(%arg6 : memref<64x512xi32, #tpu.memory_space<vmem>>)
      tpu.yield
    }) : () -> ()
    %run_scoped3A_38 = arith.constant 0 : i32
    %run_scoped3A_39 = arith.constant 0 : i32
    "tpu.region"() ({
      %run_scoped3A_70 = tpu.sem_alloc : memref<!tpu.dma_semaphore, #tpu.memory_space<semaphore_mem>>
      %dma_start3A_71 = arith.constant 0 : i32
      %dma_start3A_72 = tpu.memref_slice %arg5[%run_scoped3A_39, %dma_start3A_71] : memref<2x64xi32, #tpu.memory_space<vmem>> -> memref<1x64xi32, #tpu.memory_space<vmem>>
      %dma_start3A_73 = tpu.memref_squeeze %dma_start3A_72 : memref<1x64xi32, #tpu.memory_space<vmem>> -> memref<64xi32, #tpu.memory_space<vmem>>
      %dma_start3A_74 = tpu.memref_slice %arg3[%run_scoped3A_38, %add3A_37] : memref<2x4096xi32, #tpu.memory_space<hbm>> -> memref<1x64xi32, #tpu.memory_space<hbm>>
      %dma_start3A_75 = tpu.memref_squeeze %dma_start3A_74 : memref<1x64xi32, #tpu.memory_space<hbm>> -> memref<64xi32, #tpu.memory_space<hbm>>
      %dma_start3A_76 = arith.constant 0 : i32
      %dma_start3A_77 = tpu.memref_slice %arg5[%run_scoped3A_39, %dma_start3A_76] : memref<2x64xi32, #tpu.memory_space<vmem>> -> memref<1x64xi32, #tpu.memory_space<vmem>>
      %dma_start3A_78 = tpu.memref_squeeze %dma_start3A_77 : memref<1x64xi32, #tpu.memory_space<vmem>> -> memref<64xi32, #tpu.memory_space<vmem>>
      %dma_start3A_79 = tpu.memref_slice %arg3[%run_scoped3A_38, %add3A_37] : memref<2x4096xi32, #tpu.memory_space<hbm>> -> memref<1x64xi32, #tpu.memory_space<hbm>>
      %dma_start3A_80 = tpu.memref_squeeze %dma_start3A_79 : memref<1x64xi32, #tpu.memory_space<hbm>> -> memref<64xi32, #tpu.memory_space<hbm>>
      tpu.enqueue_dma source(%dma_start3A_80 : memref<64xi32, #tpu.memory_space<hbm>>) target(%dma_start3A_78 : memref<64xi32, #tpu.memory_space<vmem>>) target_semaphore(%run_scoped3A_70 : memref<!tpu.dma_semaphore, #tpu.memory_space<semaphore_mem>>)
      %dma_wait3A_81 = arith.constant 0 : i32
      %dma_wait3A_82 = tpu.memref_slice %arg5[%run_scoped3A_39, %dma_wait3A_81] : memref<2x64xi32, #tpu.memory_space<vmem>> -> memref<1x64xi32, #tpu.memory_space<vmem>>
      %dma_wait3A_83 = tpu.memref_squeeze %dma_wait3A_82 : memref<1x64xi32, #tpu.memory_space<vmem>> -> memref<64xi32, #tpu.memory_space<vmem>>
      %dma_wait3A_84 = tpu.memref_slice %arg3[%run_scoped3A_38, %add3A_37] : memref<2x4096xi32, #tpu.memory_space<hbm>> -> memref<1x64xi32, #tpu.memory_space<hbm>>
      %dma_wait3A_85 = tpu.memref_squeeze %dma_wait3A_84 : memref<1x64xi32, #tpu.memory_space<hbm>> -> memref<64xi32, #tpu.memory_space<hbm>>
      %dma_wait3A_86 = arith.constant 0 : i32
      %dma_wait3A_87 = tpu.memref_slice %arg5[%run_scoped3A_39, %dma_wait3A_86] : memref<2x64xi32, #tpu.memory_space<vmem>> -> memref<1x64xi32, #tpu.memory_space<vmem>>
      %dma_wait3A_88 = tpu.memref_squeeze %dma_wait3A_87 : memref<1x64xi32, #tpu.memory_space<vmem>> -> memref<64xi32, #tpu.memory_space<vmem>>
      %dma_wait3A_89 = tpu.memref_slice %arg3[%run_scoped3A_38, %add3A_37] : memref<2x4096xi32, #tpu.memory_space<hbm>> -> memref<1x64xi32, #tpu.memory_space<hbm>>
      %dma_wait3A_90 = tpu.memref_squeeze %dma_wait3A_89 : memref<1x64xi32, #tpu.memory_space<hbm>> -> memref<64xi32, #tpu.memory_space<hbm>>
      tpu.wait_dma2 semaphore(%run_scoped3A_70 : memref<!tpu.dma_semaphore, #tpu.memory_space<semaphore_mem>>) src(%dma_wait3A_90 : memref<64xi32, #tpu.memory_space<hbm>>) dst(%dma_wait3A_88 : memref<64xi32, #tpu.memory_space<vmem>>)
      tpu.yield
    }) : () -> ()
    %run_scoped3A_40 = arith.constant 1 : i32
    %run_scoped3A_41 = arith.constant 1 : i32
    "tpu.region"() ({
      %run_scoped3A_70 = tpu.sem_alloc : memref<!tpu.dma_semaphore, #tpu.memory_space<semaphore_mem>>
      %dma_start3A_71 = arith.constant 0 : i32
      %dma_start3A_72 = tpu.memref_slice %arg5[%run_scoped3A_41, %dma_start3A_71] : memref<2x64xi32, #tpu.memory_space<vmem>> -> memref<1x64xi32, #tpu.memory_space<vmem>>
      %dma_start3A_73 = tpu.memref_squeeze %dma_start3A_72 : memref<1x64xi32, #tpu.memory_space<vmem>> -> memref<64xi32, #tpu.memory_space<vmem>>
      %dma_start3A_74 = tpu.memref_slice %arg3[%run_scoped3A_40, %add3A_37] : memref<2x4096xi32, #tpu.memory_space<hbm>> -> memref<1x64xi32, #tpu.memory_space<hbm>>
      %dma_start3A_75 = tpu.memref_squeeze %dma_start3A_74 : memref<1x64xi32, #tpu.memory_space<hbm>> -> memref<64xi32, #tpu.memory_space<hbm>>
      %dma_start3A_76 = arith.constant 0 : i32
      %dma_start3A_77 = tpu.memref_slice %arg5[%run_scoped3A_41, %dma_start3A_76] : memref<2x64xi32, #tpu.memory_space<vmem>> -> memref<1x64xi32, #tpu.memory_space<vmem>>
      %dma_start3A_78 = tpu.memref_squeeze %dma_start3A_77 : memref<1x64xi32, #tpu.memory_space<vmem>> -> memref<64xi32, #tpu.memory_space<vmem>>
      %dma_start3A_79 = tpu.memref_slice %arg3[%run_scoped3A_40, %add3A_37] : memref<2x4096xi32, #tpu.memory_space<hbm>> -> memref<1x64xi32, #tpu.memory_space<hbm>>
      %dma_start3A_80 = tpu.memref_squeeze %dma_start3A_79 : memref<1x64xi32, #tpu.memory_space<hbm>> -> memref<64xi32, #tpu.memory_space<hbm>>
      tpu.enqueue_dma source(%dma_start3A_80 : memref<64xi32, #tpu.memory_space<hbm>>) target(%dma_start3A_78 : memref<64xi32, #tpu.memory_space<vmem>>) target_semaphore(%run_scoped3A_70 : memref<!tpu.dma_semaphore, #tpu.memory_space<semaphore_mem>>)
      %dma_wait3A_81 = arith.constant 0 : i32
      %dma_wait3A_82 = tpu.memref_slice %arg5[%run_scoped3A_41, %dma_wait3A_81] : memref<2x64xi32, #tpu.memory_space<vmem>> -> memref<1x64xi32, #tpu.memory_space<vmem>>
      %dma_wait3A_83 = tpu.memref_squeeze %dma_wait3A_82 : memref<1x64xi32, #tpu.memory_space<vmem>> -> memref<64xi32, #tpu.memory_space<vmem>>
      %dma_wait3A_84 = tpu.memref_slice %arg3[%run_scoped3A_40, %add3A_37] : memref<2x4096xi32, #tpu.memory_space<hbm>> -> memref<1x64xi32, #tpu.memory_space<hbm>>
      %dma_wait3A_85 = tpu.memref_squeeze %dma_wait3A_84 : memref<1x64xi32, #tpu.memory_space<hbm>> -> memref<64xi32, #tpu.memory_space<hbm>>
      %dma_wait3A_86 = arith.constant 0 : i32
      %dma_wait3A_87 = tpu.memref_slice %arg5[%run_scoped3A_41, %dma_wait3A_86] : memref<2x64xi32, #tpu.memory_space<vmem>> -> memref<1x64xi32, #tpu.memory_space<vmem>>
      %dma_wait3A_88 = tpu.memref_squeeze %dma_wait3A_87 : memref<1x64xi32, #tpu.memory_space<vmem>> -> memref<64xi32, #tpu.memory_space<vmem>>
      %dma_wait3A_89 = tpu.memref_slice %arg3[%run_scoped3A_40, %add3A_37] : memref<2x4096xi32, #tpu.memory_space<hbm>> -> memref<1x64xi32, #tpu.memory_space<hbm>>
      %dma_wait3A_90 = tpu.memref_squeeze %dma_wait3A_89 : memref<1x64xi32, #tpu.memory_space<hbm>> -> memref<64xi32, #tpu.memory_space<hbm>>
      tpu.wait_dma2 semaphore(%run_scoped3A_70 : memref<!tpu.dma_semaphore, #tpu.memory_space<semaphore_mem>>) src(%dma_wait3A_90 : memref<64xi32, #tpu.memory_space<hbm>>) dst(%dma_wait3A_88 : memref<64xi32, #tpu.memory_space<vmem>>)
      tpu.yield
    }) : () -> ()
    %dma_start3A_42 = arith.constant 0 : i32
    %dma_start3A_43 = arith.constant 0 : i32
    %dma_start3A_44 = tpu.memref_slice %arg5[%dma_start3A_42, %dma_start3A_43] : memref<2x64xi32, #tpu.memory_space<vmem>> -> memref<1x64xi32, #tpu.memory_space<vmem>>
    %dma_start3A_45 = tpu.memref_squeeze %dma_start3A_44 : memref<1x64xi32, #tpu.memory_space<vmem>> -> memref<64xi32, #tpu.memory_space<vmem>>
    %dma_start3A_46 = arith.constant 0 : i32
    %dma_start3A_47 = arith.constant 0 : i32
    %dma_start3A_48 = tpu.memref_slice %arg4[%dma_start3A_46, %dma_start3A_47] : memref<10240x512xi32, #tpu.memory_space<hbm>> -> memref<10240x512xi32, #tpu.memory_space<hbm>>
    tpu.enqueue_indirect_dma source(%arg6 : memref<64x512xi32, #tpu.memory_space<vmem>>) target(%dma_start3A_48 : memref<10240x512xi32, #tpu.memory_space<hbm>>) offsets(%dma_start3A_45 : memref<64xi32, #tpu.memory_space<vmem>>) semaphore(%arg7 : memref<!tpu.dma_semaphore, #tpu.memory_space<semaphore_mem>>)
    %dma_start3A_49 = arith.constant 1 : i32
    %dma_start3A_50 = arith.constant 0 : i32
    %dma_start3A_51 = tpu.memref_slice %arg5[%dma_start3A_49, %dma_start3A_50] : memref<2x64xi32, #tpu.memory_space<vmem>> -> memref<1x64xi32, #tpu.memory_space<vmem>>
    %dma_start3A_52 = tpu.memref_squeeze %dma_start3A_51 : memref<1x64xi32, #tpu.memory_space<vmem>> -> memref<64xi32, #tpu.memory_space<vmem>>
    %dma_start3A_53 = arith.constant 0 : i32
    %dma_start3A_54 = arith.constant 0 : i32
    %dma_start3A_55 = tpu.memref_slice %arg4[%dma_start3A_53, %dma_start3A_54] : memref<10240x512xi32, #tpu.memory_space<hbm>> -> memref<10240x512xi32, #tpu.memory_space<hbm>>
    tpu.enqueue_indirect_dma source(%arg6 : memref<64x512xi32, #tpu.memory_space<vmem>>) target(%dma_start3A_55 : memref<10240x512xi32, #tpu.memory_space<hbm>>) offsets(%dma_start3A_52 : memref<64xi32, #tpu.memory_space<vmem>>) semaphore(%arg8 : memref<!tpu.dma_semaphore, #tpu.memory_space<semaphore_mem>>)
    %dma_wait3A_56 = arith.constant 0 : i32
    %dma_wait3A_57 = arith.constant 0 : i32
    %dma_wait3A_58 = tpu.memref_slice %arg5[%dma_wait3A_56, %dma_wait3A_57] : memref<2x64xi32, #tpu.memory_space<vmem>> -> memref<1x64xi32, #tpu.memory_space<vmem>>
    %dma_wait3A_59 = tpu.memref_squeeze %dma_wait3A_58 : memref<1x64xi32, #tpu.memory_space<vmem>> -> memref<64xi32, #tpu.memory_space<vmem>>
    %dma_wait3A_60 = arith.constant 0 : i32
    %dma_wait3A_61 = arith.constant 0 : i32
    %dma_wait3A_62 = tpu.memref_slice %arg4[%dma_wait3A_60, %dma_wait3A_61] : memref<10240x512xi32, #tpu.memory_space<hbm>> -> memref<10240x512xi32, #tpu.memory_space<hbm>>
    tpu.wait_indirect_dma semaphore(%arg7 : memref<!tpu.dma_semaphore, #tpu.memory_space<semaphore_mem>>) src(%arg6 : memref<64x512xi32, #tpu.memory_space<vmem>>) dst(%dma_wait3A_62 : memref<10240x512xi32, #tpu.memory_space<hbm>>)
    %dma_wait3A_63 = arith.constant 1 : i32
    %dma_wait3A_64 = arith.constant 0 : i32
    %dma_wait3A_65 = tpu.memref_slice %arg5[%dma_wait3A_63, %dma_wait3A_64] : memref<2x64xi32, #tpu.memory_space<vmem>> -> memref<1x64xi32, #tpu.memory_space<vmem>>
    %dma_wait3A_66 = tpu.memref_squeeze %dma_wait3A_65 : memref<1x64xi32, #tpu.memory_space<vmem>> -> memref<64xi32, #tpu.memory_space<vmem>>
    %dma_wait3A_67 = arith.constant 0 : i32
    %dma_wait3A_68 = arith.constant 0 : i32
    %dma_wait3A_69 = tpu.memref_slice %arg4[%dma_wait3A_67, %dma_wait3A_68] : memref<10240x512xi32, #tpu.memory_space<hbm>> -> memref<10240x512xi32, #tpu.memory_space<hbm>>
    tpu.wait_indirect_dma semaphore(%arg8 : memref<!tpu.dma_semaphore, #tpu.memory_space<semaphore_mem>>) src(%arg6 : memref<64x512xi32, #tpu.memory_space<vmem>>) dst(%dma_wait3A_69 : memref<10240x512xi32, #tpu.memory_space<hbm>>)
    return
  }
}

module attributes {stable_mosaic.version = 14 : i64} {
  func.func @_gate_route_body(%arg0: i32, %arg1: memref<256x1024xf32, #tpu.memory_space<vmem>>, %arg2: memref<256x1xi32, #tpu.memory_space<vmem>>, %arg3: memref<1024x512xf32, #tpu.memory_space<vmem>>, %arg4: memref<1x512xf32, #tpu.memory_space<vmem>>, %arg5: memref<512x256xf32, #tpu.memory_space<vmem>>, %arg6: memref<1x256xf32, #tpu.memory_space<vmem>>, %arg7: memref<256x8xf32, #tpu.memory_space<vmem>>, %arg8: memref<1x8xf32, #tpu.memory_space<vmem>>, %arg9: memref<3x128xf32, #tpu.memory_space<vmem>>, %arg10: memref<128x8xf32, #tpu.memory_space<vmem>>, %arg11: memref<1x8xf32, #tpu.memory_space<vmem>>, %arg12: memref<256x512xi32, #tpu.memory_space<vmem>>, %arg13: memref<4096x2xi32, #tpu.memory_space<vmem>>, %arg14: memref<4096x2xf32, #tpu.memory_space<vmem>>, %arg15: memref<40x1xi32, #tpu.memory_space<vmem>>, %arg16: memref<40x1xi32, #tpu.memory_space<vmem>>, %arg17: memref<4096x8xf32, #tpu.memory_space<vmem>>) attributes {dimension_semantics = [#tpu.dimension_semantics<arbitrary>], iteration_bounds = array<i64: 17>, scalar_prefetch = 0 : i64, scratch_operands = 1 : i64, tpu.core_type = #tpu.core_type<tc>, window_params = [{transform_indices = @transform_0, window_bounds = array<i64: 256, 1024>}, {transform_indices = @transform_1, window_bounds = array<i64: 256, 1>}, {pipeline_mode = #tpu.pipeline_mode<synchronous>, transform_indices = @transform_2, window_bounds = array<i64: 1024, 512>}, {pipeline_mode = #tpu.pipeline_mode<synchronous>, transform_indices = @transform_3, window_bounds = array<i64: 1, 512>}, {pipeline_mode = #tpu.pipeline_mode<synchronous>, transform_indices = @transform_4, window_bounds = array<i64: 512, 256>}, {pipeline_mode = #tpu.pipeline_mode<synchronous>, transform_indices = @transform_5, window_bounds = array<i64: 1, 256>}, {pipeline_mode = #tpu.pipeline_mode<synchronous>, transform_indices = @transform_6, window_bounds = array<i64: 256, 8>}, {pipeline_mode = #tpu.pipeline_mode<synchronous>, transform_indices = @transform_7, window_bounds = array<i64: 1, 8>}, {pipeline_mode = #tpu.pipeline_mode<synchronous>, transform_indices = @transform_8, window_bounds = array<i64: 3, 128>}, {pipeline_mode = #tpu.pipeline_mode<synchronous>, transform_indices = @transform_9, window_bounds = array<i64: 128, 8>}, {pipeline_mode = #tpu.pipeline_mode<synchronous>, transform_indices = @transform_10, window_bounds = array<i64: 1, 8>}, {transform_indices = @transform_11, window_bounds = array<i64: 256, 512>}, {pipeline_mode = #tpu.pipeline_mode<synchronous>, transform_indices = @transform_12, window_bounds = array<i64: 4096, 2>}, {pipeline_mode = #tpu.pipeline_mode<synchronous>, transform_indices = @transform_13, window_bounds = array<i64: 4096, 2>}, {pipeline_mode = #tpu.pipeline_mode<synchronous>, transform_indices = @transform_14, window_bounds = array<i64: 40, 1>}, {pipeline_mode = #tpu.pipeline_mode<synchronous>, transform_indices = @transform_15, window_bounds = array<i64: 40, 1>}]} {
    %lt3A = arith.constant 16 : i32
    %lt3A_0 = arith.cmpi slt, %arg0, %lt3A : i32
    %convert_element_type3A = arith.extui %lt3A_0 : i1 to i32
    %cond3A = arith.constant 0 : i32
    %cond3A_1 = arith.cmpi ne, %convert_element_type3A, %cond3A : i32
    scf.if %cond3A_1 {
      %get3A = arith.constant 0 : index
      %get3A_6 = arith.constant 0 : index
      %get3A_7 = vector.load %arg1[%get3A, %get3A_6] : memref<256x1024xf32, #tpu.memory_space<vmem>>, vector<256x1024xf32>
      %slice3A = vector.extract_strided_slice %get3A_7 {offsets = [0, 0], sizes = [256, 512], strides = [1, 1]} : vector<256x1024xf32> to vector<256x512xf32>
      %slice3A_8 = vector.extract_strided_slice %get3A_7 {offsets = [0, 512], sizes = [256, 512], strides = [1, 1]} : vector<256x1024xf32> to vector<256x512xf32>
      %bitcast_convert_type3A = tpu.bitcast %slice3A : vector<256x512xf32> -> vector<256x512xi32>
      %bitcast_convert_type3A_9 = tpu.bitcast %slice3A_8 : vector<256x512xf32> -> vector<256x512xi32>
      %add3A = arith.constant 32768 : i32
      %add3A_10 = vector.broadcast %add3A : i32 to vector<256x512xi32>
      %add3A_11 = arith.addi %bitcast_convert_type3A, %add3A_10 : vector<256x512xi32>
      %shift_right_logical3A = arith.constant 16 : i32
      %shift_right_logical3A_12 = vector.broadcast %shift_right_logical3A : i32 to vector<256x512xi32>
      %shift_right_logical3A_13 = arith.shrui %add3A_11, %shift_right_logical3A_12 : vector<256x512xi32>
      %add3A_14 = arith.constant 32768 : i32
      %add3A_15 = vector.broadcast %add3A_14 : i32 to vector<256x512xi32>
      %add3A_16 = arith.addi %bitcast_convert_type3A_9, %add3A_15 : vector<256x512xi32>
      %shift_right_logical3A_17 = arith.constant 16 : i32
      %shift_right_logical3A_18 = vector.broadcast %shift_right_logical3A_17 : i32 to vector<256x512xi32>
      %shift_right_logical3A_19 = arith.shrui %add3A_16, %shift_right_logical3A_18 : vector<256x512xi32>
      %shift_left3A = arith.constant 16 : i32
      %shift_left3A_20 = vector.broadcast %shift_left3A : i32 to vector<256x512xi32>
      %shift_left3A_21 = arith.shli %shift_right_logical3A_19, %shift_left3A_20 : vector<256x512xi32>
      %or3A = arith.ori %shift_right_logical3A_13, %shift_left3A_21 : vector<256x512xi32>
      %bitcast_convert_type3A_22 = tpu.bitcast %or3A : vector<256x512xi32> -> vector<256x512xi32>
      %swap3A = arith.constant 0 : index
      %swap3A_23 = arith.constant 0 : index
      %swap3A_24 = vector.load %arg12[%swap3A, %swap3A_23] : memref<256x512xi32, #tpu.memory_space<vmem>>, vector<256x512xi32>
      tpu.vector_store %arg12[%swap3A, %swap3A_23], %bitcast_convert_type3A_22 {strides = array<i32>} : memref<256x512xi32, #tpu.memory_space<vmem>>, vector<256x512xi32>,
      %get3A_25 = arith.constant 0 : index
      %get3A_26 = arith.constant 0 : index
      %get3A_27 = vector.load %arg3[%get3A_25, %get3A_26] : memref<1024x512xf32, #tpu.memory_space<vmem>>, vector<1024x512xf32>
      %dot_general3A = arith.constant dense<0.000000e+00> : vector<256x512xf32>
      %dot_general3A_28 = tpu.matmul %get3A_7, %get3A_27, %dot_general3A {dimension_numbers = #tpu.dot_dimension_numbers<[1], [0], [0], [1], [0, 0, 1, 1], [], []>, transpose_lhs_hint = false} : vector<256x1024xf32>, vector<1024x512xf32>, vector<256x512xf32> -> vector<256x512xf32>
      %get3A_29 = arith.constant 0 : index
      %get3A_30 = arith.constant 0 : index
      %get3A_31 = vector.load %arg4[%get3A_29, %get3A_30] : memref<1x512xf32, #tpu.memory_space<vmem>>, vector<1x512xf32>
      %add3A_32 = vector.broadcast %get3A_31 : vector<1x512xf32> to vector<256x512xf32>
      %add3A_33 = arith.addf %dot_general3A_28, %add3A_32 : vector<256x512xf32>
      %max3A = arith.constant 0.000000e+00 : f32
      %max3A_34 = vector.broadcast %max3A : f32 to vector<256x512xf32>
      %max3A_35 = arith.maximumf %add3A_33, %max3A_34 : vector<256x512xf32>
      %get3A_36 = arith.constant 0 : index
      %get3A_37 = arith.constant 0 : index
      %get3A_38 = vector.load %arg5[%get3A_36, %get3A_37] : memref<512x256xf32, #tpu.memory_space<vmem>>, vector<512x256xf32>
      %dot_general3A_39 = arith.constant dense<0.000000e+00> : vector<256x256xf32>
      %dot_general3A_40 = tpu.matmul %max3A_35, %get3A_38, %dot_general3A_39 {dimension_numbers = #tpu.dot_dimension_numbers<[1], [0], [0], [1], [0, 0, 1, 1], [], []>, transpose_lhs_hint = false} : vector<256x512xf32>, vector<512x256xf32>, vector<256x256xf32> -> vector<256x256xf32>
      %get3A_41 = arith.constant 0 : index
      %get3A_42 = arith.constant 0 : index
      %get3A_43 = vector.load %arg6[%get3A_41, %get3A_42] : memref<1x256xf32, #tpu.memory_space<vmem>>, vector<1x256xf32>
      %add3A_44 = vector.broadcast %get3A_43 : vector<1x256xf32> to vector<256x256xf32>
      %add3A_45 = arith.addf %dot_general3A_40, %add3A_44 : vector<256x256xf32>
      %max3A_46 = arith.constant 0.000000e+00 : f32
      %max3A_47 = vector.broadcast %max3A_46 : f32 to vector<256x256xf32>
      %max3A_48 = arith.maximumf %add3A_45, %max3A_47 : vector<256x256xf32>
      %get3A_49 = arith.constant 0 : index
      %get3A_50 = arith.constant 0 : index
      %get3A_51 = vector.load %arg7[%get3A_49, %get3A_50] : memref<256x8xf32, #tpu.memory_space<vmem>>, vector<256x8xf32>
      %dot_general3A_52 = arith.constant dense<0.000000e+00> : vector<256x8xf32>
      %dot_general3A_53 = tpu.matmul %max3A_48, %get3A_51, %dot_general3A_52 {dimension_numbers = #tpu.dot_dimension_numbers<[1], [0], [0], [1], [0, 0, 1, 1], [], []>, transpose_lhs_hint = false} : vector<256x256xf32>, vector<256x8xf32>, vector<256x8xf32> -> vector<256x8xf32>
      %get3A_54 = arith.constant 0 : index
      %get3A_55 = arith.constant 0 : index
      %get3A_56 = vector.load %arg8[%get3A_54, %get3A_55] : memref<1x8xf32, #tpu.memory_space<vmem>>, vector<1x8xf32>
      %add3A_57 = vector.broadcast %get3A_56 : vector<1x8xf32> to vector<256x8xf32>
      %add3A_58 = arith.addf %dot_general3A_53, %add3A_57 : vector<256x8xf32>
      %get3A_59 = arith.constant 0 : index
      %get3A_60 = arith.constant 0 : index
      %get3A_61 = vector.load %arg9[%get3A_59, %get3A_60] : memref<3x128xf32, #tpu.memory_space<vmem>>, vector<3x128xf32>
      %get3A_62 = arith.constant 0 : index
      %get3A_63 = arith.constant 0 : index
      %get3A_64 = vector.load %arg10[%get3A_62, %get3A_63] : memref<128x8xf32, #tpu.memory_space<vmem>>, vector<128x8xf32>
      %dot_general3A_65 = arith.constant dense<0.000000e+00> : vector<3x8xf32>
      %dot_general3A_66 = tpu.matmul %get3A_61, %get3A_64, %dot_general3A_65 {dimension_numbers = #tpu.dot_dimension_numbers<[1], [0], [0], [1], [0, 0, 1, 1], [], []>, transpose_lhs_hint = false} : vector<3x128xf32>, vector<128x8xf32>, vector<3x8xf32> -> vector<3x8xf32>
      %get3A_67 = arith.constant 0 : index
      %get3A_68 = arith.constant 0 : index
      %get3A_69 = vector.load %arg11[%get3A_67, %get3A_68] : memref<1x8xf32, #tpu.memory_space<vmem>>, vector<1x8xf32>
      %add3A_70 = vector.broadcast %get3A_69 : vector<1x8xf32> to vector<3x8xf32>
      %add3A_71 = arith.addf %dot_general3A_66, %add3A_70 : vector<3x8xf32>
      %get3A_72 = arith.constant 0 : index
      %get3A_73 = arith.constant 0 : index
      %get3A_74 = vector.load %arg2[%get3A_72, %get3A_73] : memref<256x1xi32, #tpu.memory_space<vmem>>, vector<256x1xi32>
      %eq3A_75 = arith.constant 0 : i32
      %eq3A_76 = vector.broadcast %eq3A_75 : i32 to vector<256x1xi32>
      %eq3A_77 = arith.cmpi eq, %get3A_74, %eq3A_76 : vector<256x1xi32>
      %jit3A = arith.constant 1.000000e+00 : f32
      %jit3A_78 = arith.constant 0.000000e+00 : f32
      %broadcast_in_dim3A = vector.broadcast %jit3A : f32 to vector<256x1xf32>
      %broadcast_in_dim3A_79 = vector.broadcast %jit3A_78 : f32 to vector<256x1xf32>
      %select_n3A = arith.select %eq3A_77, %broadcast_in_dim3A, %broadcast_in_dim3A_79 : vector<256x1xi1>, vector<256x1xf32>
      %slice3A_80 = vector.extract_strided_slice %add3A_71 {offsets = [0, 0], sizes = [1, 8], strides = [1, 1]} : vector<3x8xf32> to vector<1x8xf32>
      %mul3A = vector.broadcast %select_n3A : vector<256x1xf32> to vector<256x8xf32>
      %mul3A_81 = vector.broadcast %slice3A_80 : vector<1x8xf32> to vector<256x8xf32>
      %mul3A_82 = arith.mulf %mul3A, %mul3A_81 : vector<256x8xf32>
      %add3A_83 = arith.addf %add3A_58, %mul3A_82 : vector<256x8xf32>
      %eq3A_84 = arith.constant 1 : i32
      %eq3A_85 = vector.broadcast %eq3A_84 : i32 to vector<256x1xi32>
      %eq3A_86 = arith.cmpi eq, %get3A_74, %eq3A_85 : vector<256x1xi32>
      %jit3A_87 = arith.constant 1.000000e+00 : f32
      %jit3A_88 = arith.constant 0.000000e+00 : f32
      %broadcast_in_dim3A_89 = vector.broadcast %jit3A_87 : f32 to vector<256x1xf32>
      %broadcast_in_dim3A_90 = vector.broadcast %jit3A_88 : f32 to vector<256x1xf32>
      %select_n3A_91 = arith.select %eq3A_86, %broadcast_in_dim3A_89, %broadcast_in_dim3A_90 : vector<256x1xi1>, vector<256x1xf32>
      %slice3A_92 = vector.extract_strided_slice %add3A_71 {offsets = [1, 0], sizes = [1, 8], strides = [1, 1]} : vector<3x8xf32> to vector<1x8xf32>
      %mul3A_93 = vector.broadcast %select_n3A_91 : vector<256x1xf32> to vector<256x8xf32>
      %mul3A_94 = vector.broadcast %slice3A_92 : vector<1x8xf32> to vector<256x8xf32>
      %mul3A_95 = arith.mulf %mul3A_93, %mul3A_94 : vector<256x8xf32>
      %add3A_96 = arith.addf %add3A_83, %mul3A_95 : vector<256x8xf32>
      %eq3A_97 = arith.constant 2 : i32
      %eq3A_98 = vector.broadcast %eq3A_97 : i32 to vector<256x1xi32>
      %eq3A_99 = arith.cmpi eq, %get3A_74, %eq3A_98 : vector<256x1xi32>
      %jit3A_100 = arith.constant 1.000000e+00 : f32
      %jit3A_101 = arith.constant 0.000000e+00 : f32
      %broadcast_in_dim3A_102 = vector.broadcast %jit3A_100 : f32 to vector<256x1xf32>
      %broadcast_in_dim3A_103 = vector.broadcast %jit3A_101 : f32 to vector<256x1xf32>
      %select_n3A_104 = arith.select %eq3A_99, %broadcast_in_dim3A_102, %broadcast_in_dim3A_103 : vector<256x1xi1>, vector<256x1xf32>
      %slice3A_105 = vector.extract_strided_slice %add3A_71 {offsets = [2, 0], sizes = [1, 8], strides = [1, 1]} : vector<3x8xf32> to vector<1x8xf32>
      %mul3A_106 = vector.broadcast %select_n3A_104 : vector<256x1xf32> to vector<256x8xf32>
      %mul3A_107 = vector.broadcast %slice3A_105 : vector<1x8xf32> to vector<256x8xf32>
      %mul3A_108 = arith.mulf %mul3A_106, %mul3A_107 : vector<256x8xf32>
      %add3A_109 = arith.addf %add3A_96, %mul3A_108 : vector<256x8xf32>
      %mul3A_110 = arith.constant 256 : i32
      %mul3A_111 = arith.muli %arg0, %mul3A_110 : i32
      %swap3A_112 = arith.index_cast %mul3A_111 : i32 to index
      %swap3A_113 = arith.constant 0 : index
      %swap3A_114 = vector.load %arg17[%swap3A_112, %swap3A_113] : memref<4096x8xf32, #tpu.memory_space<vmem>>, vector<256x8xf32>
      tpu.vector_store %arg17[%swap3A_112, %swap3A_113], %add3A_109 {strides = array<i32>} : memref<4096x8xf32, #tpu.memory_space<vmem>>, vector<256x8xf32>,
    } else {
    }
    %eq3A = arith.constant 16 : i32
    %eq3A_2 = arith.cmpi eq, %arg0, %eq3A : i32
    %convert_element_type3A_3 = arith.extui %eq3A_2 : i1 to i32
    %cond3A_4 = arith.constant 0 : i32
    %cond3A_5 = arith.cmpi ne, %convert_element_type3A_3, %cond3A_4 : i32
    scf.if %cond3A_5 {
      %get3A = arith.constant 0 : index
      %get3A_6 = arith.constant 0 : index
      %get3A_7 = vector.load %arg17[%get3A, %get3A_6] : memref<4096x8xf32, #tpu.memory_space<vmem>>, vector<4096x8xf32>
      %iota3A = tpu.iota {dimensions = array<i32: 1>} : vector<4096x8xi32>
      %reduce_max3A = arith.constant dense<0xFF800000> : vector<4096xf32>
      %reduce_max3A_8 = vector.multi_reduction <maximumf>, %get3A_7, %reduce_max3A [1] : vector<4096x8xf32> to vector<4096xf32>
      %broadcast_in_dim3A = vector.shape_cast %reduce_max3A_8 : vector<4096xf32> to vector<4096x1xf32>
      %eq3A_9 = vector.broadcast %broadcast_in_dim3A : vector<4096x1xf32> to vector<4096x8xf32>
      %eq3A_10 = arith.cmpf oeq, %get3A_7, %eq3A_9 : vector<4096x8xf32>
      %jit3A = arith.constant 8 : i32
      %broadcast_in_dim3A_11 = vector.broadcast %jit3A : i32 to vector<4096x8xi32>
      %select_n3A = arith.select %eq3A_10, %iota3A, %broadcast_in_dim3A_11 : vector<4096x8xi1>, vector<4096x8xi32>
      %reduce_min3A = arith.constant dense<2147483647> : vector<4096xi32>
      %reduce_min3A_12 = vector.multi_reduction <minsi>, %select_n3A, %reduce_min3A [1] : vector<4096x8xi32> to vector<4096xi32>
      %broadcast_in_dim3A_13 = vector.shape_cast %reduce_min3A_12 : vector<4096xi32> to vector<4096x1xi32>
      %eq3A_14 = vector.broadcast %broadcast_in_dim3A_13 : vector<4096x1xi32> to vector<4096x8xi32>
      %eq3A_15 = arith.cmpi eq, %iota3A, %eq3A_14 : vector<4096x8xi32>
      %jit3A_16 = arith.constant -1.000000e+30 : f32
      %broadcast_in_dim3A_17 = vector.broadcast %jit3A_16 : f32 to vector<4096x8xf32>
      %select_n3A_18 = arith.select %eq3A_15, %broadcast_in_dim3A_17, %get3A_7 : vector<4096x8xi1>, vector<4096x8xf32>
      %reduce_max3A_19 = arith.constant dense<0xFF800000> : vector<4096xf32>
      %reduce_max3A_20 = vector.multi_reduction <maximumf>, %select_n3A_18, %reduce_max3A_19 [1] : vector<4096x8xf32> to vector<4096xf32>
      %broadcast_in_dim3A_21 = vector.shape_cast %reduce_max3A_20 : vector<4096xf32> to vector<4096x1xf32>
      %eq3A_22 = vector.broadcast %broadcast_in_dim3A_21 : vector<4096x1xf32> to vector<4096x8xf32>
      %eq3A_23 = arith.cmpf oeq, %select_n3A_18, %eq3A_22 : vector<4096x8xf32>
      %jit3A_24 = arith.constant 8 : i32
      %broadcast_in_dim3A_25 = vector.broadcast %jit3A_24 : i32 to vector<4096x8xi32>
      %select_n3A_26 = arith.select %eq3A_23, %iota3A, %broadcast_in_dim3A_25 : vector<4096x8xi1>, vector<4096x8xi32>
      %reduce_min3A_27 = arith.constant dense<2147483647> : vector<4096xi32>
      %reduce_min3A_28 = vector.multi_reduction <minsi>, %select_n3A_26, %reduce_min3A_27 [1] : vector<4096x8xi32> to vector<4096xi32>
      %broadcast_in_dim3A_29 = vector.shape_cast %reduce_min3A_28 : vector<4096xi32> to vector<4096x1xi32>
      %sub3A = arith.subf %broadcast_in_dim3A_21, %broadcast_in_dim3A : vector<4096x1xf32>
      %exp3A = math.exp %sub3A : vector<4096x1xf32>
      %add3A = arith.constant 1.000000e+00 : f32
      %add3A_30 = vector.broadcast %add3A : f32 to vector<4096x1xf32>
      %add3A_31 = arith.addf %add3A_30, %exp3A : vector<4096x1xf32>
      %div3A = arith.constant 1.000000e+00 : f32
      %div3A_32 = vector.broadcast %div3A : f32 to vector<4096x1xf32>
      %div3A_33 = arith.divf %div3A_32, %add3A_31 : vector<4096x1xf32>
      %swap3A = arith.constant 0 : index
      %swap3A_34 = arith.constant 0 : index
      %swap3A_35 = vector.load %arg14[%swap3A, %swap3A_34] : memref<4096x2xf32, #tpu.memory_space<vmem>>, vector<4096x1xf32>
      tpu.vector_store %arg14[%swap3A, %swap3A_34], %div3A_33 {strides = array<i32>} : memref<4096x2xf32, #tpu.memory_space<vmem>>, vector<4096x1xf32>,
      %add3A_36 = arith.constant 1.000000e+00 : f32
      %add3A_37 = vector.broadcast %add3A_36 : f32 to vector<4096x1xf32>
      %add3A_38 = arith.addf %add3A_37, %exp3A : vector<4096x1xf32>
      %div3A_39 = arith.divf %exp3A, %add3A_38 : vector<4096x1xf32>
      %swap3A_40 = arith.constant 0 : index
      %swap3A_41 = arith.constant 1 : index
      %swap3A_42 = vector.load %arg14[%swap3A_40, %swap3A_41] : memref<4096x2xf32, #tpu.memory_space<vmem>>, vector<4096x1xf32>
      tpu.vector_store %arg14[%swap3A_40, %swap3A_41], %div3A_39 {strides = array<i32>} : memref<4096x2xf32, #tpu.memory_space<vmem>>, vector<4096x1xf32>,
      %eq3A_43 = vector.broadcast %broadcast_in_dim3A_13 : vector<4096x1xi32> to vector<4096x8xi32>
      %eq3A_44 = arith.cmpi eq, %iota3A, %eq3A_43 : vector<4096x8xi32>
      %jit3A_45 = arith.constant 1.000000e+00 : f32
      %jit3A_46 = arith.constant 0.000000e+00 : f32
      %broadcast_in_dim3A_47 = vector.broadcast %jit3A_45 : f32 to vector<4096x8xf32>
      %broadcast_in_dim3A_48 = vector.broadcast %jit3A_46 : f32 to vector<4096x8xf32>
      %select_n3A_49 = arith.select %eq3A_44, %broadcast_in_dim3A_47, %broadcast_in_dim3A_48 : vector<4096x8xi1>, vector<4096x8xf32>
      %eq3A_50 = vector.broadcast %broadcast_in_dim3A_29 : vector<4096x1xi32> to vector<4096x8xi32>
      %eq3A_51 = arith.cmpi eq, %iota3A, %eq3A_50 : vector<4096x8xi32>
      %jit3A_52 = arith.constant 1.000000e+00 : f32
      %jit3A_53 = arith.constant 0.000000e+00 : f32
      %broadcast_in_dim3A_54 = vector.broadcast %jit3A_52 : f32 to vector<4096x8xf32>
      %broadcast_in_dim3A_55 = vector.broadcast %jit3A_53 : f32 to vector<4096x8xf32>
      %select_n3A_56 = arith.select %eq3A_51, %broadcast_in_dim3A_54, %broadcast_in_dim3A_55 : vector<4096x8xi1>, vector<4096x8xf32>
      %add3A_57 = arith.addf %select_n3A_49, %select_n3A_56 : vector<4096x8xf32>
      %iota3A_58 = tpu.iota {dimensions = array<i32: 0>} : vector<512x512xi32>
      %iota3A_59 = tpu.iota {dimensions = array<i32: 1>} : vector<512x512xi32>
      %gt3A = arith.cmpi sgt, %iota3A_58, %iota3A_59 : vector<512x512xi32>
      %jit3A_60 = arith.constant 1.000000e+00 : f32
      %jit3A_61 = arith.constant 0.000000e+00 : f32
      %broadcast_in_dim3A_62 = vector.broadcast %jit3A_60 : f32 to vector<512x512xf32>
      %broadcast_in_dim3A_63 = vector.broadcast %jit3A_61 : f32 to vector<512x512xf32>
      %select_n3A_64 = arith.select %gt3A, %broadcast_in_dim3A_62, %broadcast_in_dim3A_63 : vector<512x512xi1>, vector<512x512xf32>
      %broadcast_in_dim3A_65 = arith.constant 0.000000e+00 : f32
      %broadcast_in_dim3A_66 = vector.broadcast %broadcast_in_dim3A_65 : f32 to vector<1x8xf32>
      %slice3A = vector.extract_strided_slice %add3A_57 {offsets = [0, 0], sizes = [512, 8], strides = [1, 1]} : vector<4096x8xf32> to vector<512x8xf32>
      %dot_general3A = arith.constant dense<0.000000e+00> : vector<512x8xf32>
      %dot_general3A_67 = tpu.matmul %select_n3A_64, %slice3A, %dot_general3A {dimension_numbers = #tpu.dot_dimension_numbers<[1], [0], [0], [1], [0, 0, 1, 1], [], []>, transpose_lhs_hint = false} : vector<512x512xf32>, vector<512x8xf32>, vector<512x8xf32> -> vector<512x8xf32>
      %add3A_68 = vector.broadcast %broadcast_in_dim3A_66 : vector<1x8xf32> to vector<512x8xf32>
      %add3A_69 = arith.addf %dot_general3A_67, %add3A_68 : vector<512x8xf32>
      %reduce_sum3A = arith.constant dense<0.000000e+00> : vector<8xf32>
      %reduce_sum3A_70 = vector.multi_reduction <add>, %slice3A, %reduce_sum3A [0] : vector<512x8xf32> to vector<8xf32>
      %broadcast_in_dim3A_71 = vector.shape_cast %reduce_sum3A_70 : vector<8xf32> to vector<1x8xf32>
      %add3A_72 = arith.addf %broadcast_in_dim3A_66, %broadcast_in_dim3A_71 : vector<1x8xf32>
      %slice3A_73 = vector.extract_strided_slice %add3A_57 {offsets = [512, 0], sizes = [512, 8], strides = [1, 1]} : vector<4096x8xf32> to vector<512x8xf32>
      %dot_general3A_74 = arith.constant dense<0.000000e+00> : vector<512x8xf32>
      %dot_general3A_75 = tpu.matmul %select_n3A_64, %slice3A_73, %dot_general3A_74 {dimension_numbers = #tpu.dot_dimension_numbers<[1], [0], [0], [1], [0, 0, 1, 1], [], []>, transpose_lhs_hint = false} : vector<512x512xf32>, vector<512x8xf32>, vector<512x8xf32> -> vector<512x8xf32>
      %add3A_76 = vector.broadcast %add3A_72 : vector<1x8xf32> to vector<512x8xf32>
      %add3A_77 = arith.addf %dot_general3A_75, %add3A_76 : vector<512x8xf32>
      %reduce_sum3A_78 = arith.constant dense<0.000000e+00> : vector<8xf32>
      %reduce_sum3A_79 = vector.multi_reduction <add>, %slice3A_73, %reduce_sum3A_78 [0] : vector<512x8xf32> to vector<8xf32>
      %broadcast_in_dim3A_80 = vector.shape_cast %reduce_sum3A_79 : vector<8xf32> to vector<1x8xf32>
      %add3A_81 = arith.addf %add3A_72, %broadcast_in_dim3A_80 : vector<1x8xf32>
      %slice3A_82 = vector.extract_strided_slice %add3A_57 {offsets = [1024, 0], sizes = [512, 8], strides = [1, 1]} : vector<4096x8xf32> to vector<512x8xf32>
      %dot_general3A_83 = arith.constant dense<0.000000e+00> : vector<512x8xf32>
      %dot_general3A_84 = tpu.matmul %select_n3A_64, %slice3A_82, %dot_general3A_83 {dimension_numbers = #tpu.dot_dimension_numbers<[1], [0], [0], [1], [0, 0, 1, 1], [], []>, transpose_lhs_hint = false} : vector<512x512xf32>, vector<512x8xf32>, vector<512x8xf32> -> vector<512x8xf32>
      %add3A_85 = vector.broadcast %add3A_81 : vector<1x8xf32> to vector<512x8xf32>
      %add3A_86 = arith.addf %dot_general3A_84, %add3A_85 : vector<512x8xf32>
      %reduce_sum3A_87 = arith.constant dense<0.000000e+00> : vector<8xf32>
      %reduce_sum3A_88 = vector.multi_reduction <add>, %slice3A_82, %reduce_sum3A_87 [0] : vector<512x8xf32> to vector<8xf32>
      %broadcast_in_dim3A_89 = vector.shape_cast %reduce_sum3A_88 : vector<8xf32> to vector<1x8xf32>
      %add3A_90 = arith.addf %add3A_81, %broadcast_in_dim3A_89 : vector<1x8xf32>
      %slice3A_91 = vector.extract_strided_slice %add3A_57 {offsets = [1536, 0], sizes = [512, 8], strides = [1, 1]} : vector<4096x8xf32> to vector<512x8xf32>
      %dot_general3A_92 = arith.constant dense<0.000000e+00> : vector<512x8xf32>
      %dot_general3A_93 = tpu.matmul %select_n3A_64, %slice3A_91, %dot_general3A_92 {dimension_numbers = #tpu.dot_dimension_numbers<[1], [0], [0], [1], [0, 0, 1, 1], [], []>, transpose_lhs_hint = false} : vector<512x512xf32>, vector<512x8xf32>, vector<512x8xf32> -> vector<512x8xf32>
      %add3A_94 = vector.broadcast %add3A_90 : vector<1x8xf32> to vector<512x8xf32>
      %add3A_95 = arith.addf %dot_general3A_93, %add3A_94 : vector<512x8xf32>
      %reduce_sum3A_96 = arith.constant dense<0.000000e+00> : vector<8xf32>
      %reduce_sum3A_97 = vector.multi_reduction <add>, %slice3A_91, %reduce_sum3A_96 [0] : vector<512x8xf32> to vector<8xf32>
      %broadcast_in_dim3A_98 = vector.shape_cast %reduce_sum3A_97 : vector<8xf32> to vector<1x8xf32>
      %add3A_99 = arith.addf %add3A_90, %broadcast_in_dim3A_98 : vector<1x8xf32>
      %slice3A_100 = vector.extract_strided_slice %add3A_57 {offsets = [2048, 0], sizes = [512, 8], strides = [1, 1]} : vector<4096x8xf32> to vector<512x8xf32>
      %dot_general3A_101 = arith.constant dense<0.000000e+00> : vector<512x8xf32>
      %dot_general3A_102 = tpu.matmul %select_n3A_64, %slice3A_100, %dot_general3A_101 {dimension_numbers = #tpu.dot_dimension_numbers<[1], [0], [0], [1], [0, 0, 1, 1], [], []>, transpose_lhs_hint = false} : vector<512x512xf32>, vector<512x8xf32>, vector<512x8xf32> -> vector<512x8xf32>
      %add3A_103 = vector.broadcast %add3A_99 : vector<1x8xf32> to vector<512x8xf32>
      %add3A_104 = arith.addf %dot_general3A_102, %add3A_103 : vector<512x8xf32>
      %reduce_sum3A_105 = arith.constant dense<0.000000e+00> : vector<8xf32>
      %reduce_sum3A_106 = vector.multi_reduction <add>, %slice3A_100, %reduce_sum3A_105 [0] : vector<512x8xf32> to vector<8xf32>
      %broadcast_in_dim3A_107 = vector.shape_cast %reduce_sum3A_106 : vector<8xf32> to vector<1x8xf32>
      %add3A_108 = arith.addf %add3A_99, %broadcast_in_dim3A_107 : vector<1x8xf32>
      %slice3A_109 = vector.extract_strided_slice %add3A_57 {offsets = [2560, 0], sizes = [512, 8], strides = [1, 1]} : vector<4096x8xf32> to vector<512x8xf32>
      %dot_general3A_110 = arith.constant dense<0.000000e+00> : vector<512x8xf32>
      %dot_general3A_111 = tpu.matmul %select_n3A_64, %slice3A_109, %dot_general3A_110 {dimension_numbers = #tpu.dot_dimension_numbers<[1], [0], [0], [1], [0, 0, 1, 1], [], []>, transpose_lhs_hint = false} : vector<512x512xf32>, vector<512x8xf32>, vector<512x8xf32> -> vector<512x8xf32>
      %add3A_112 = vector.broadcast %add3A_108 : vector<1x8xf32> to vector<512x8xf32>
      %add3A_113 = arith.addf %dot_general3A_111, %add3A_112 : vector<512x8xf32>
      %reduce_sum3A_114 = arith.constant dense<0.000000e+00> : vector<8xf32>
      %reduce_sum3A_115 = vector.multi_reduction <add>, %slice3A_109, %reduce_sum3A_114 [0] : vector<512x8xf32> to vector<8xf32>
      %broadcast_in_dim3A_116 = vector.shape_cast %reduce_sum3A_115 : vector<8xf32> to vector<1x8xf32>
      %add3A_117 = arith.addf %add3A_108, %broadcast_in_dim3A_116 : vector<1x8xf32>
      %slice3A_118 = vector.extract_strided_slice %add3A_57 {offsets = [3072, 0], sizes = [512, 8], strides = [1, 1]} : vector<4096x8xf32> to vector<512x8xf32>
      %dot_general3A_119 = arith.constant dense<0.000000e+00> : vector<512x8xf32>
      %dot_general3A_120 = tpu.matmul %select_n3A_64, %slice3A_118, %dot_general3A_119 {dimension_numbers = #tpu.dot_dimension_numbers<[1], [0], [0], [1], [0, 0, 1, 1], [], []>, transpose_lhs_hint = false} : vector<512x512xf32>, vector<512x8xf32>, vector<512x8xf32> -> vector<512x8xf32>
      %add3A_121 = vector.broadcast %add3A_117 : vector<1x8xf32> to vector<512x8xf32>
      %add3A_122 = arith.addf %dot_general3A_120, %add3A_121 : vector<512x8xf32>
      %reduce_sum3A_123 = arith.constant dense<0.000000e+00> : vector<8xf32>
      %reduce_sum3A_124 = vector.multi_reduction <add>, %slice3A_118, %reduce_sum3A_123 [0] : vector<512x8xf32> to vector<8xf32>
      %broadcast_in_dim3A_125 = vector.shape_cast %reduce_sum3A_124 : vector<8xf32> to vector<1x8xf32>
      %add3A_126 = arith.addf %add3A_117, %broadcast_in_dim3A_125 : vector<1x8xf32>
      %slice3A_127 = vector.extract_strided_slice %add3A_57 {offsets = [3584, 0], sizes = [512, 8], strides = [1, 1]} : vector<4096x8xf32> to vector<512x8xf32>
      %dot_general3A_128 = arith.constant dense<0.000000e+00> : vector<512x8xf32>
      %dot_general3A_129 = tpu.matmul %select_n3A_64, %slice3A_127, %dot_general3A_128 {dimension_numbers = #tpu.dot_dimension_numbers<[1], [0], [0], [1], [0, 0, 1, 1], [], []>, transpose_lhs_hint = false} : vector<512x512xf32>, vector<512x8xf32>, vector<512x8xf32> -> vector<512x8xf32>
      %add3A_130 = vector.broadcast %add3A_126 : vector<1x8xf32> to vector<512x8xf32>
      %add3A_131 = arith.addf %dot_general3A_129, %add3A_130 : vector<512x8xf32>
      %reduce_sum3A_132 = arith.constant dense<0.000000e+00> : vector<8xf32>
      %reduce_sum3A_133 = vector.multi_reduction <add>, %slice3A_127, %reduce_sum3A_132 [0] : vector<512x8xf32> to vector<8xf32>
      %broadcast_in_dim3A_134 = vector.shape_cast %reduce_sum3A_133 : vector<8xf32> to vector<1x8xf32>
      %add3A_135 = arith.addf %add3A_126, %broadcast_in_dim3A_134 : vector<1x8xf32>
      %concatenate3A = tpu.concatenate %add3A_69, %add3A_77, %add3A_86, %add3A_95, %add3A_104, %add3A_113, %add3A_122, %add3A_131 in 0 : vector<512x8xf32>, vector<512x8xf32>, vector<512x8xf32>, vector<512x8xf32>, vector<512x8xf32>, vector<512x8xf32>, vector<512x8xf32>, vector<512x8xf32> -> vector<4096x8xf32>
      %convert_element_type3A_136 = arith.fptosi %concatenate3A : vector<4096x8xf32> to vector<4096x8xi32>
      %convert_element_type3A_137 = arith.fptosi %add3A_135 : vector<1x8xf32> to vector<1x8xi32>
      %add3A_138 = arith.constant 255 : i32
      %add3A_139 = vector.broadcast %add3A_138 : i32 to vector<1x8xi32>
      %add3A_140 = arith.addi %convert_element_type3A_137, %add3A_139 : vector<1x8xi32>
      %jit3A_141 = arith.constant 256 : i32
      %div3A_142 = vector.broadcast %jit3A_141 : i32 to vector<1x8xi32>
      %div3A_143 = arith.divsi %add3A_140, %div3A_142 : vector<1x8xi32>
      %sign3A = arith.constant 0 : i32
      %sign3A_144 = vector.broadcast %sign3A : i32 to vector<1x8xi32>
      %sign3A_145 = arith.cmpi sgt, %add3A_140, %sign3A_144 : vector<1x8xi32>
      %sign3A_146 = arith.extui %sign3A_145 : vector<1x8xi1> to vector<1x8xi32>
      %sign3A_147 = arith.constant 0 : i32
      %sign3A_148 = vector.broadcast %sign3A_147 : i32 to vector<1x8xi32>
      %sign3A_149 = arith.cmpi slt, %add3A_140, %sign3A_148 : vector<1x8xi32>
      %sign3A_150 = arith.extui %sign3A_149 : vector<1x8xi1> to vector<1x8xi32>
      %sign3A_151 = arith.subi %sign3A_146, %sign3A_150 : vector<1x8xi32>
      %sign3A_152 = arith.constant 0 : i32
      %sign3A_153 = arith.cmpi sgt, %jit3A_141, %sign3A_152 : i32
      %sign3A_154 = arith.extui %sign3A_153 : i1 to i32
      %sign3A_155 = arith.constant 0 : i32
      %sign3A_156 = arith.cmpi slt, %jit3A_141, %sign3A_155 : i32
      %sign3A_157 = arith.extui %sign3A_156 : i1 to i32
      %sign3A_158 = arith.subi %sign3A_154, %sign3A_157 : i32
      %ne3A = vector.broadcast %sign3A_158 : i32 to vector<1x8xi32>
      %ne3A_159 = arith.cmpi ne, %sign3A_151, %ne3A : vector<1x8xi32>
      %rem3A = vector.broadcast %jit3A_141 : i32 to vector<1x8xi32>
      %rem3A_160 = arith.remsi %add3A_140, %rem3A : vector<1x8xi32>
      %ne3A_161 = arith.constant 0 : i32
      %ne3A_162 = vector.broadcast %ne3A_161 : i32 to vector<1x8xi32>
      %ne3A_163 = arith.cmpi ne, %rem3A_160, %ne3A_162 : vector<1x8xi32>
      %and3A = arith.andi %ne3A_159, %ne3A_163 : vector<1x8xi1>
      %sub3A_164 = arith.constant 1 : i32
      %sub3A_165 = vector.broadcast %sub3A_164 : i32 to vector<1x8xi32>
      %sub3A_166 = arith.subi %div3A_143, %sub3A_165 : vector<1x8xi32>
      %select_n3A_167 = arith.select %and3A, %sub3A_166, %div3A_143 : vector<1x8xi1>, vector<1x8xi32>
      %mul3A = arith.constant 256 : i32
      %mul3A_168 = vector.broadcast %mul3A : i32 to vector<1x8xi32>
      %mul3A_169 = arith.muli %select_n3A_167, %mul3A_168 : vector<1x8xi32>
      %broadcast_in_dim3A_170 = arith.constant 0 : i32
      %broadcast_in_dim3A_171 = vector.broadcast %broadcast_in_dim3A_170 : i32 to vector<1x1xi32>
      %slice3A_172 = vector.extract_strided_slice %mul3A_169 {offsets = [0, 0], sizes = [1, 7], strides = [1, 1]} : vector<1x8xi32> to vector<1x7xi32>
      %concatenate3A_173 = tpu.concatenate %broadcast_in_dim3A_171, %slice3A_172 in 1 : vector<1x1xi32>, vector<1x7xi32> -> vector<1x8xi32>
      %add3A_174 = arith.addi %mul3A_169, %concatenate3A_173 : vector<1x8xi32>
      %broadcast_in_dim3A_175 = arith.constant 0 : i32
      %broadcast_in_dim3A_176 = vector.broadcast %broadcast_in_dim3A_175 : i32 to vector<1x2xi32>
      %slice3A_177 = vector.extract_strided_slice %add3A_174 {offsets = [0, 0], sizes = [1, 6], strides = [1, 1]} : vector<1x8xi32> to vector<1x6xi32>
      %concatenate3A_178 = tpu.concatenate %broadcast_in_dim3A_176, %slice3A_177 in 1 : vector<1x2xi32>, vector<1x6xi32> -> vector<1x8xi32>
      %add3A_179 = arith.addi %add3A_174, %concatenate3A_178 : vector<1x8xi32>
      %broadcast_in_dim3A_180 = arith.constant 0 : i32
      %broadcast_in_dim3A_181 = vector.broadcast %broadcast_in_dim3A_180 : i32 to vector<1x4xi32>
      %slice3A_182 = vector.extract_strided_slice %add3A_179 {offsets = [0, 0], sizes = [1, 4], strides = [1, 1]} : vector<1x8xi32> to vector<1x4xi32>
      %concatenate3A_183 = tpu.concatenate %broadcast_in_dim3A_181, %slice3A_182 in 1 : vector<1x4xi32>, vector<1x4xi32> -> vector<1x8xi32>
      %add3A_184 = arith.addi %add3A_179, %concatenate3A_183 : vector<1x8xi32>
      %sub3A_185 = arith.subi %add3A_184, %mul3A_169 : vector<1x8xi32>
      %broadcast_in_dim3A_186 = vector.shape_cast %sub3A_185 : vector<1x8xi32> to vector<1x8xi32>
      %broadcast_in_dim3A_187 = vector.broadcast %broadcast_in_dim3A_186 : vector<1x8xi32> to vector<4096x8xi32>
      %eq3A_188 = vector.broadcast %broadcast_in_dim3A_13 : vector<4096x1xi32> to vector<4096x8xi32>
      %eq3A_189 = arith.cmpi eq, %iota3A, %eq3A_188 : vector<4096x8xi32>
      %add3A_190 = arith.addi %convert_element_type3A_136, %broadcast_in_dim3A_187 : vector<4096x8xi32>
      %jit3A_191 = arith.constant 0 : i32
      %broadcast_in_dim3A_192 = vector.broadcast %jit3A_191 : i32 to vector<4096x8xi32>
      %select_n3A_193 = arith.select %eq3A_189, %add3A_190, %broadcast_in_dim3A_192 : vector<4096x8xi1>, vector<4096x8xi32>
      %reduce_sum3A_194 = arith.constant dense<0> : vector<4096xi32>
      %reduce_sum3A_195 = vector.multi_reduction <add>, %select_n3A_193, %reduce_sum3A_194 [1] : vector<4096x8xi32> to vector<4096xi32>
      %broadcast_in_dim3A_196 = vector.shape_cast %reduce_sum3A_195 : vector<4096xi32> to vector<4096x1xi32>
      %swap3A_197 = arith.constant 0 : index
      %swap3A_198 = arith.constant 0 : index
      %swap3A_199 = vector.load %arg13[%swap3A_197, %swap3A_198] : memref<4096x2xi32, #tpu.memory_space<vmem>>, vector<4096x1xi32>
      tpu.vector_store %arg13[%swap3A_197, %swap3A_198], %broadcast_in_dim3A_196 {strides = array<i32>} : memref<4096x2xi32, #tpu.memory_space<vmem>>, vector<4096x1xi32>,
      %eq3A_200 = vector.broadcast %broadcast_in_dim3A_29 : vector<4096x1xi32> to vector<4096x8xi32>
      %eq3A_201 = arith.cmpi eq, %iota3A, %eq3A_200 : vector<4096x8xi32>
      %add3A_202 = arith.addi %convert_element_type3A_136, %broadcast_in_dim3A_187 : vector<4096x8xi32>
      %jit3A_203 = arith.constant 0 : i32
      %broadcast_in_dim3A_204 = vector.broadcast %jit3A_203 : i32 to vector<4096x8xi32>
      %select_n3A_205 = arith.select %eq3A_201, %add3A_202, %broadcast_in_dim3A_204 : vector<4096x8xi1>, vector<4096x8xi32>
      %reduce_sum3A_206 = arith.constant dense<0> : vector<4096xi32>
      %reduce_sum3A_207 = vector.multi_reduction <add>, %select_n3A_205, %reduce_sum3A_206 [1] : vector<4096x8xi32> to vector<4096xi32>
      %broadcast_in_dim3A_208 = vector.shape_cast %reduce_sum3A_207 : vector<4096xi32> to vector<4096x1xi32>
      %swap3A_209 = arith.constant 0 : index
      %swap3A_210 = arith.constant 1 : index
      %swap3A_211 = vector.load %arg13[%swap3A_209, %swap3A_210] : memref<4096x2xi32, #tpu.memory_space<vmem>>, vector<4096x1xi32>
      tpu.vector_store %arg13[%swap3A_209, %swap3A_210], %broadcast_in_dim3A_208 {strides = array<i32>} : memref<4096x2xi32, #tpu.memory_space<vmem>>, vector<4096x1xi32>,
      %iota3A_212 = tpu.iota {dimensions = array<i32: 0>} : vector<40x1xi32>
      %mul3A_213 = arith.constant 256 : i32
      %mul3A_214 = vector.broadcast %mul3A_213 : i32 to vector<40x1xi32>
      %mul3A_215 = arith.muli %iota3A_212, %mul3A_214 : vector<40x1xi32>
      %broadcast_in_dim3A_216 = vector.shape_cast %sub3A_185 : vector<1x8xi32> to vector<1x8xi32>
      %broadcast_in_dim3A_217 = vector.broadcast %broadcast_in_dim3A_216 : vector<1x8xi32> to vector<40x8xi32>
      %ge3A = vector.broadcast %mul3A_215 : vector<40x1xi32> to vector<40x8xi32>
      %ge3A_218 = arith.cmpi sge, %ge3A, %broadcast_in_dim3A_217 : vector<40x8xi32>
      %jit3A_219 = arith.constant 1 : i32
      %jit3A_220 = arith.constant 0 : i32
      %broadcast_in_dim3A_221 = vector.broadcast %jit3A_219 : i32 to vector<40x8xi32>
      %broadcast_in_dim3A_222 = vector.broadcast %jit3A_220 : i32 to vector<40x8xi32>
      %select_n3A_223 = arith.select %ge3A_218, %broadcast_in_dim3A_221, %broadcast_in_dim3A_222 : vector<40x8xi1>, vector<40x8xi32>
      %reduce_sum3A_224 = arith.constant dense<0> : vector<40xi32>
      %reduce_sum3A_225 = vector.multi_reduction <add>, %select_n3A_223, %reduce_sum3A_224 [1] : vector<40x8xi32> to vector<40xi32>
      %broadcast_in_dim3A_226 = vector.shape_cast %reduce_sum3A_225 : vector<40xi32> to vector<40x1xi32>
      %sub3A_227 = arith.constant 1 : i32
      %sub3A_228 = vector.broadcast %sub3A_227 : i32 to vector<40x1xi32>
      %sub3A_229 = arith.subi %broadcast_in_dim3A_226, %sub3A_228 : vector<40x1xi32>
      %iota3A_230 = tpu.iota {dimensions = array<i32: 1>} : vector<40x8xi32>
      %add3A_231 = arith.addi %sub3A_185, %convert_element_type3A_137 : vector<1x8xi32>
      %broadcast_in_dim3A_232 = vector.shape_cast %add3A_231 : vector<1x8xi32> to vector<1x8xi32>
      %broadcast_in_dim3A_233 = vector.broadcast %broadcast_in_dim3A_232 : vector<1x8xi32> to vector<40x8xi32>
      %eq3A_234 = vector.broadcast %sub3A_229 : vector<40x1xi32> to vector<40x8xi32>
      %eq3A_235 = arith.cmpi eq, %iota3A_230, %eq3A_234 : vector<40x8xi32>
      %jit3A_236 = arith.constant 0 : i32
      %broadcast_in_dim3A_237 = vector.broadcast %jit3A_236 : i32 to vector<40x8xi32>
      %select_n3A_238 = arith.select %eq3A_235, %broadcast_in_dim3A_233, %broadcast_in_dim3A_237 : vector<40x8xi1>, vector<40x8xi32>
      %reduce_sum3A_239 = arith.constant dense<0> : vector<40xi32>
      %reduce_sum3A_240 = vector.multi_reduction <add>, %select_n3A_238, %reduce_sum3A_239 [1] : vector<40x8xi32> to vector<40xi32>
      %broadcast_in_dim3A_241 = vector.shape_cast %reduce_sum3A_240 : vector<40xi32> to vector<40x1xi32>
      %swap3A_242 = arith.constant 0 : index
      %swap3A_243 = arith.constant 0 : index
      %swap3A_244 = vector.load %arg15[%swap3A_242, %swap3A_243] : memref<40x1xi32, #tpu.memory_space<vmem>>, vector<40x1xi32>
      tpu.vector_store %arg15[%swap3A_242, %swap3A_243], %sub3A_229 {strides = array<i32>} : memref<40x1xi32, #tpu.memory_space<vmem>>, vector<40x1xi32>,
      %lt3A_245 = arith.cmpi slt, %mul3A_215, %broadcast_in_dim3A_241 : vector<40x1xi32>
      %jit3A_246 = arith.constant 1 : i32
      %jit3A_247 = arith.constant 0 : i32
      %broadcast_in_dim3A_248 = vector.broadcast %jit3A_246 : i32 to vector<40x1xi32>
      %broadcast_in_dim3A_249 = vector.broadcast %jit3A_247 : i32 to vector<40x1xi32>
      %select_n3A_250 = arith.select %lt3A_245, %broadcast_in_dim3A_248, %broadcast_in_dim3A_249 : vector<40x1xi1>, vector<40x1xi32>
      %swap3A_251 = arith.constant 0 : index
      %swap3A_252 = arith.constant 0 : index
      %swap3A_253 = vector.load %arg16[%swap3A_251, %swap3A_252] : memref<40x1xi32, #tpu.memory_space<vmem>>, vector<40x1xi32>
      tpu.vector_store %arg16[%swap3A_251, %swap3A_252], %select_n3A_250 {strides = array<i32>} : memref<40x1xi32, #tpu.memory_space<vmem>>, vector<40x1xi32>,
    } else {
    }
    return
  }
  func.func @transform_0(%arg0: i32) -> (i32, i32) {
    %min3A = arith.constant 15 : i32
    %min3A_0 = arith.minsi %arg0, %min3A : i32
    %c0_i32 = arith.constant 0 : i32
    %c0_i32_1 = arith.constant 0 : i32
    return %min3A_0, %c0_i32 : i32, i32
  }
  func.func @transform_1(%arg0: i32) -> (i32, i32) {
    %min3A = arith.constant 15 : i32
    %min3A_0 = arith.minsi %arg0, %min3A : i32
    %c0_i32 = arith.constant 0 : i32
    %c0_i32_1 = arith.constant 0 : i32
    return %min3A_0, %c0_i32 : i32, i32
  }
  func.func @transform_2(%arg0: i32) -> (i32, i32) {
    %c0_i32 = arith.constant 0 : i32
    %c0_i32_0 = arith.constant 0 : i32
    %c0_i32_1 = arith.constant 0 : i32
    return %c0_i32, %c0_i32_0 : i32, i32
  }
  func.func @transform_3(%arg0: i32) -> (i32, i32) {
    %c0_i32 = arith.constant 0 : i32
    %c0_i32_0 = arith.constant 0 : i32
    %c0_i32_1 = arith.constant 0 : i32
    return %c0_i32, %c0_i32_0 : i32, i32
  }
  func.func @transform_4(%arg0: i32) -> (i32, i32) {
    %c0_i32 = arith.constant 0 : i32
    %c0_i32_0 = arith.constant 0 : i32
    %c0_i32_1 = arith.constant 0 : i32
    return %c0_i32, %c0_i32_0 : i32, i32
  }
  func.func @transform_5(%arg0: i32) -> (i32, i32) {
    %c0_i32 = arith.constant 0 : i32
    %c0_i32_0 = arith.constant 0 : i32
    %c0_i32_1 = arith.constant 0 : i32
    return %c0_i32, %c0_i32_0 : i32, i32
  }
  func.func @transform_6(%arg0: i32) -> (i32, i32) {
    %c0_i32 = arith.constant 0 : i32
    %c0_i32_0 = arith.constant 0 : i32
    %c0_i32_1 = arith.constant 0 : i32
    return %c0_i32, %c0_i32_0 : i32, i32
  }
  func.func @transform_7(%arg0: i32) -> (i32, i32) {
    %c0_i32 = arith.constant 0 : i32
    %c0_i32_0 = arith.constant 0 : i32
    %c0_i32_1 = arith.constant 0 : i32
    return %c0_i32, %c0_i32_0 : i32, i32
  }
  func.func @transform_8(%arg0: i32) -> (i32, i32) {
    %c0_i32 = arith.constant 0 : i32
    %c0_i32_0 = arith.constant 0 : i32
    %c0_i32_1 = arith.constant 0 : i32
    return %c0_i32, %c0_i32_0 : i32, i32
  }
  func.func @transform_9(%arg0: i32) -> (i32, i32) {
    %c0_i32 = arith.constant 0 : i32
    %c0_i32_0 = arith.constant 0 : i32
    %c0_i32_1 = arith.constant 0 : i32
    return %c0_i32, %c0_i32_0 : i32, i32
  }
  func.func @transform_10(%arg0: i32) -> (i32, i32) {
    %c0_i32 = arith.constant 0 : i32
    %c0_i32_0 = arith.constant 0 : i32
    %c0_i32_1 = arith.constant 0 : i32
    return %c0_i32, %c0_i32_0 : i32, i32
  }
  func.func @transform_11(%arg0: i32) -> (i32, i32) {
    %min3A = arith.constant 15 : i32
    %min3A_0 = arith.minsi %arg0, %min3A : i32
    %c0_i32 = arith.constant 0 : i32
    %c0_i32_1 = arith.constant 0 : i32
    return %min3A_0, %c0_i32 : i32, i32
  }
  func.func @transform_12(%arg0: i32) -> (i32, i32) {
    %c0_i32 = arith.constant 0 : i32
    %c0_i32_0 = arith.constant 0 : i32
    %c0_i32_1 = arith.constant 0 : i32
    return %c0_i32, %c0_i32_0 : i32, i32
  }
  func.func @transform_13(%arg0: i32) -> (i32, i32) {
    %c0_i32 = arith.constant 0 : i32
    %c0_i32_0 = arith.constant 0 : i32
    %c0_i32_1 = arith.constant 0 : i32
    return %c0_i32, %c0_i32_0 : i32, i32
  }
  func.func @transform_14(%arg0: i32) -> (i32, i32) {
    %c0_i32 = arith.constant 0 : i32
    %c0_i32_0 = arith.constant 0 : i32
    %c0_i32_1 = arith.constant 0 : i32
    return %c0_i32, %c0_i32_0 : i32, i32
  }
  func.func @transform_15(%arg0: i32) -> (i32, i32) {
    %c0_i32 = arith.constant 0 : i32
    %c0_i32_0 = arith.constant 0 : i32
    %c0_i32_1 = arith.constant 0 : i32
    return %c0_i32, %c0_i32_0 : i32, i32
  }
}

module attributes {stable_mosaic.version = 14 : i64} {
  func.func @_expert_body(%arg0: i32, %arg1: memref<40xi32, #tpu.memory_space<smem>>, %arg2: memref<40xi32, #tpu.memory_space<smem>>, %arg3: memref<256x512xi32, #tpu.memory_space<vmem>>, %arg4: memref<1x1024x2048xf32, #tpu.memory_space<vmem>>, %arg5: memref<1x1x2048xf32, #tpu.memory_space<vmem>>, %arg6: memref<256x1024xi32, #tpu.memory_space<vmem>>) attributes {dimension_semantics = [#tpu.dimension_semantics<arbitrary>], iteration_bounds = array<i64: 40>, scalar_prefetch = 2 : i64, scratch_operands = 0 : i64, tpu.core_type = #tpu.core_type<tc>, window_params = [{transform_indices = @transform_0, window_bounds = array<i64: 256, 512>}, {transform_indices = @transform_1, window_bounds = array<i64: 1, 1024, 2048>}, {transform_indices = @transform_2, window_bounds = array<i64: 1, 1, 2048>}, {transform_indices = @transform_3, window_bounds = array<i64: 256, 1024>}]} {
    %get3A = arith.index_cast %arg0 : i32 to index
    %get3A_0 = memref.load %arg2[%get3A] : memref<40xi32, #tpu.memory_space<smem>>
    %eq3A = arith.constant 1 : i32
    %eq3A_1 = arith.cmpi eq, %get3A_0, %eq3A : i32
    %convert_element_type3A = arith.extui %eq3A_1 : i1 to i32
    %cond3A = arith.constant 0 : i32
    %cond3A_2 = arith.cmpi ne, %convert_element_type3A, %cond3A : i32
    scf.if %cond3A_2 {
      %get3A_3 = arith.constant 0 : index
      %get3A_4 = arith.constant 0 : index
      %get3A_5 = vector.load %arg3[%get3A_3, %get3A_4] : memref<256x512xi32, #tpu.memory_space<vmem>>, vector<256x512xi32>
      %bitcast_convert_type3A = tpu.bitcast %get3A_5 : vector<256x512xi32> -> vector<256x512xi32>
      %shift_left3A = arith.constant 16 : i32
      %shift_left3A_6 = vector.broadcast %shift_left3A : i32 to vector<256x512xi32>
      %shift_left3A_7 = arith.shli %bitcast_convert_type3A, %shift_left3A_6 : vector<256x512xi32>
      %bitcast_convert_type3A_8 = tpu.bitcast %shift_left3A_7 : vector<256x512xi32> -> vector<256x512xf32>
      %and3A = arith.constant -65536 : i32
      %and3A_9 = vector.broadcast %and3A : i32 to vector<256x512xi32>
      %and3A_10 = arith.andi %bitcast_convert_type3A, %and3A_9 : vector<256x512xi32>
      %bitcast_convert_type3A_11 = tpu.bitcast %and3A_10 : vector<256x512xi32> -> vector<256x512xf32>
      %get3A_12 = arith.constant 0 : index
      %get3A_13 = arith.constant 0 : index
      %get3A_14 = arith.constant 0 : index
      %get3A_15 = vector.load %arg4[%get3A_12, %get3A_13, %get3A_14] : memref<1x1024x2048xf32, #tpu.memory_space<vmem>>, vector<1x1024x2048xf32>
      %get3A_16 = vector.shape_cast %get3A_15 : vector<1x1024x2048xf32> to vector<1024x2048xf32>
      %slice3A = vector.extract_strided_slice %get3A_16 {offsets = [0, 0], sizes = [512, 2048], strides = [1, 1]} : vector<1024x2048xf32> to vector<512x2048xf32>
      %dot_general3A = arith.constant dense<0.000000e+00> : vector<256x2048xf32>
      %dot_general3A_17 = tpu.matmul %bitcast_convert_type3A_8, %slice3A, %dot_general3A {dimension_numbers = #tpu.dot_dimension_numbers<[1], [0], [0], [1], [0, 0, 1, 1], [], []>, transpose_lhs_hint = false} : vector<256x512xf32>, vector<512x2048xf32>, vector<256x2048xf32> -> vector<256x2048xf32>
      %slice3A_18 = vector.extract_strided_slice %get3A_16 {offsets = [512, 0], sizes = [512, 2048], strides = [1, 1]} : vector<1024x2048xf32> to vector<512x2048xf32>
      %dot_general3A_19 = arith.constant dense<0.000000e+00> : vector<256x2048xf32>
      %dot_general3A_20 = tpu.matmul %bitcast_convert_type3A_11, %slice3A_18, %dot_general3A_19 {dimension_numbers = #tpu.dot_dimension_numbers<[1], [0], [0], [1], [0, 0, 1, 1], [], []>, transpose_lhs_hint = false} : vector<256x512xf32>, vector<512x2048xf32>, vector<256x2048xf32> -> vector<256x2048xf32>
      %add3A = arith.addf %dot_general3A_17, %dot_general3A_20 : vector<256x2048xf32>
      %get3A_21 = arith.constant 0 : index
      %get3A_22 = arith.constant 0 : index
      %get3A_23 = arith.constant 0 : index
      %get3A_24 = vector.load %arg5[%get3A_21, %get3A_22, %get3A_23] : memref<1x1x2048xf32, #tpu.memory_space<vmem>>, vector<1x1x2048xf32>
      %get3A_25 = vector.shape_cast %get3A_24 : vector<1x1x2048xf32> to vector<1x2048xf32>
      %add3A_26 = vector.broadcast %get3A_25 : vector<1x2048xf32> to vector<256x2048xf32>
      %add3A_27 = arith.addf %add3A, %add3A_26 : vector<256x2048xf32>
      %max3A = arith.constant 0.000000e+00 : f32
      %max3A_28 = vector.broadcast %max3A : f32 to vector<256x2048xf32>
      %max3A_29 = arith.maximumf %add3A_27, %max3A_28 : vector<256x2048xf32>
      %slice3A_30 = vector.extract_strided_slice %max3A_29 {offsets = [0, 0], sizes = [256, 1024], strides = [1, 1]} : vector<256x2048xf32> to vector<256x1024xf32>
      %slice3A_31 = vector.extract_strided_slice %max3A_29 {offsets = [0, 1024], sizes = [256, 1024], strides = [1, 1]} : vector<256x2048xf32> to vector<256x1024xf32>
      %bitcast_convert_type3A_32 = tpu.bitcast %slice3A_30 : vector<256x1024xf32> -> vector<256x1024xi32>
      %bitcast_convert_type3A_33 = tpu.bitcast %slice3A_31 : vector<256x1024xf32> -> vector<256x1024xi32>
      %add3A_34 = arith.constant 32768 : i32
      %add3A_35 = vector.broadcast %add3A_34 : i32 to vector<256x1024xi32>
      %add3A_36 = arith.addi %bitcast_convert_type3A_32, %add3A_35 : vector<256x1024xi32>
      %shift_right_logical3A = arith.constant 16 : i32
      %shift_right_logical3A_37 = vector.broadcast %shift_right_logical3A : i32 to vector<256x1024xi32>
      %shift_right_logical3A_38 = arith.shrui %add3A_36, %shift_right_logical3A_37 : vector<256x1024xi32>
      %add3A_39 = arith.constant 32768 : i32
      %add3A_40 = vector.broadcast %add3A_39 : i32 to vector<256x1024xi32>
      %add3A_41 = arith.addi %bitcast_convert_type3A_33, %add3A_40 : vector<256x1024xi32>
      %shift_right_logical3A_42 = arith.constant 16 : i32
      %shift_right_logical3A_43 = vector.broadcast %shift_right_logical3A_42 : i32 to vector<256x1024xi32>
      %shift_right_logical3A_44 = arith.shrui %add3A_41, %shift_right_logical3A_43 : vector<256x1024xi32>
      %shift_left3A_45 = arith.constant 16 : i32
      %shift_left3A_46 = vector.broadcast %shift_left3A_45 : i32 to vector<256x1024xi32>
      %shift_left3A_47 = arith.shli %shift_right_logical3A_44, %shift_left3A_46 : vector<256x1024xi32>
      %or3A = arith.ori %shift_right_logical3A_38, %shift_left3A_47 : vector<256x1024xi32>
      %bitcast_convert_type3A_48 = tpu.bitcast %or3A : vector<256x1024xi32> -> vector<256x1024xi32>
      %swap3A = arith.constant 0 : index
      %swap3A_49 = arith.constant 0 : index
      %swap3A_50 = vector.load %arg6[%swap3A, %swap3A_49] : memref<256x1024xi32, #tpu.memory_space<vmem>>, vector<256x1024xi32>
      tpu.vector_store %arg6[%swap3A, %swap3A_49], %bitcast_convert_type3A_48 {strides = array<i32>} : memref<256x1024xi32, #tpu.memory_space<vmem>>, vector<256x1024xi32>,
    } else {
    }
    return
  }
  func.func @transform_0(%arg0: i32, %arg1: memref<40xi32, #tpu.memory_space<smem>>, %arg2: memref<40xi32, #tpu.memory_space<smem>>) -> (i32, i32) {
    %c0_i32 = arith.constant 0 : i32
    %c0_i32_0 = arith.constant 0 : i32
    return %arg0, %c0_i32 : i32, i32
  }
  func.func @transform_1(%arg0: i32, %arg1: memref<40xi32, #tpu.memory_space<smem>>, %arg2: memref<40xi32, #tpu.memory_space<smem>>) -> (i32, i32, i32) {
    %get3A = arith.index_cast %arg0 : i32 to index
    %get3A_0 = memref.load %arg1[%get3A] : memref<40xi32, #tpu.memory_space<smem>>
    %c0_i32 = arith.constant 0 : i32
    %c0_i32_1 = arith.constant 0 : i32
    %c0_i32_2 = arith.constant 0 : i32
    return %get3A_0, %c0_i32, %c0_i32_1 : i32, i32, i32
  }
  func.func @transform_2(%arg0: i32, %arg1: memref<40xi32, #tpu.memory_space<smem>>, %arg2: memref<40xi32, #tpu.memory_space<smem>>) -> (i32, i32, i32) {
    %get3A = arith.index_cast %arg0 : i32 to index
    %get3A_0 = memref.load %arg1[%get3A] : memref<40xi32, #tpu.memory_space<smem>>
    %c0_i32 = arith.constant 0 : i32
    %c0_i32_1 = arith.constant 0 : i32
    %c0_i32_2 = arith.constant 0 : i32
    return %get3A_0, %c0_i32, %c0_i32_1 : i32, i32, i32
  }
  func.func @transform_3(%arg0: i32, %arg1: memref<40xi32, #tpu.memory_space<smem>>, %arg2: memref<40xi32, #tpu.memory_space<smem>>) -> (i32, i32) {
    %c0_i32 = arith.constant 0 : i32
    %c0_i32_0 = arith.constant 0 : i32
    return %arg0, %c0_i32 : i32, i32
  }
}

module attributes {stable_mosaic.version = 14 : i64} {
  func.func @_proj_body(%arg0: i32, %arg1: memref<512x1024xi32, #tpu.memory_space<vmem>>, %arg2: memref<512x1024xi32, #tpu.memory_space<vmem>>, %arg3: memref<512x2xf32, #tpu.memory_space<vmem>>, %arg4: memref<2048x1024xf32, #tpu.memory_space<vmem>>, %arg5: memref<1x1024xf32, #tpu.memory_space<vmem>>, %arg6: memref<512x1024xf32, #tpu.memory_space<vmem>>) attributes {dimension_semantics = [#tpu.dimension_semantics<arbitrary>], iteration_bounds = array<i64: 8>, scalar_prefetch = 0 : i64, scratch_operands = 0 : i64, tpu.core_type = #tpu.core_type<tc>, window_params = [{transform_indices = @transform_0, window_bounds = array<i64: 512, 1024>}, {transform_indices = @transform_1, window_bounds = array<i64: 512, 1024>}, {transform_indices = @transform_2, window_bounds = array<i64: 512, 2>}, {pipeline_mode = #tpu.pipeline_mode<synchronous>, transform_indices = @transform_3, window_bounds = array<i64: 2048, 1024>}, {pipeline_mode = #tpu.pipeline_mode<synchronous>, transform_indices = @transform_4, window_bounds = array<i64: 1, 1024>}, {transform_indices = @transform_5, window_bounds = array<i64: 512, 1024>}]} {
    %get3A = arith.constant 0 : index
    %get3A_0 = arith.constant 0 : index
    %get3A_1 = vector.load %arg3[%get3A, %get3A_0] : memref<512x2xf32, #tpu.memory_space<vmem>>, vector<512x2xf32>
    %get3A_2 = arith.constant 0 : index
    %get3A_3 = arith.constant 0 : index
    %get3A_4 = vector.load %arg1[%get3A_2, %get3A_3] : memref<512x1024xi32, #tpu.memory_space<vmem>>, vector<512x1024xi32>
    %bitcast_convert_type3A = tpu.bitcast %get3A_4 : vector<512x1024xi32> -> vector<512x1024xi32>
    %shift_left3A = arith.constant 16 : i32
    %shift_left3A_5 = vector.broadcast %shift_left3A : i32 to vector<512x1024xi32>
    %shift_left3A_6 = arith.shli %bitcast_convert_type3A, %shift_left3A_5 : vector<512x1024xi32>
    %bitcast_convert_type3A_7 = tpu.bitcast %shift_left3A_6 : vector<512x1024xi32> -> vector<512x1024xf32>
    %and3A = arith.constant -65536 : i32
    %and3A_8 = vector.broadcast %and3A : i32 to vector<512x1024xi32>
    %and3A_9 = arith.andi %bitcast_convert_type3A, %and3A_8 : vector<512x1024xi32>
    %bitcast_convert_type3A_10 = tpu.bitcast %and3A_9 : vector<512x1024xi32> -> vector<512x1024xf32>
    %get3A_11 = arith.constant 0 : index
    %get3A_12 = arith.constant 0 : index
    %get3A_13 = vector.load %arg2[%get3A_11, %get3A_12] : memref<512x1024xi32, #tpu.memory_space<vmem>>, vector<512x1024xi32>
    %bitcast_convert_type3A_14 = tpu.bitcast %get3A_13 : vector<512x1024xi32> -> vector<512x1024xi32>
    %shift_left3A_15 = arith.constant 16 : i32
    %shift_left3A_16 = vector.broadcast %shift_left3A_15 : i32 to vector<512x1024xi32>
    %shift_left3A_17 = arith.shli %bitcast_convert_type3A_14, %shift_left3A_16 : vector<512x1024xi32>
    %bitcast_convert_type3A_18 = tpu.bitcast %shift_left3A_17 : vector<512x1024xi32> -> vector<512x1024xf32>
    %and3A_19 = arith.constant -65536 : i32
    %and3A_20 = vector.broadcast %and3A_19 : i32 to vector<512x1024xi32>
    %and3A_21 = arith.andi %bitcast_convert_type3A_14, %and3A_20 : vector<512x1024xi32>
    %bitcast_convert_type3A_22 = tpu.bitcast %and3A_21 : vector<512x1024xi32> -> vector<512x1024xf32>
    %slice3A = vector.extract_strided_slice %get3A_1 {offsets = [0, 0], sizes = [512, 1], strides = [1, 1]} : vector<512x2xf32> to vector<512x1xf32>
    %mul3A = vector.broadcast %slice3A : vector<512x1xf32> to vector<512x1024xf32>
    %mul3A_23 = arith.mulf %mul3A, %bitcast_convert_type3A_7 : vector<512x1024xf32>
    %slice3A_24 = vector.extract_strided_slice %get3A_1 {offsets = [0, 1], sizes = [512, 1], strides = [1, 1]} : vector<512x2xf32> to vector<512x1xf32>
    %mul3A_25 = vector.broadcast %slice3A_24 : vector<512x1xf32> to vector<512x1024xf32>
    %mul3A_26 = arith.mulf %mul3A_25, %bitcast_convert_type3A_18 : vector<512x1024xf32>
    %add3A = arith.addf %mul3A_23, %mul3A_26 : vector<512x1024xf32>
    %slice3A_27 = vector.extract_strided_slice %get3A_1 {offsets = [0, 0], sizes = [512, 1], strides = [1, 1]} : vector<512x2xf32> to vector<512x1xf32>
    %mul3A_28 = vector.broadcast %slice3A_27 : vector<512x1xf32> to vector<512x1024xf32>
    %mul3A_29 = arith.mulf %mul3A_28, %bitcast_convert_type3A_10 : vector<512x1024xf32>
    %slice3A_30 = vector.extract_strided_slice %get3A_1 {offsets = [0, 1], sizes = [512, 1], strides = [1, 1]} : vector<512x2xf32> to vector<512x1xf32>
    %mul3A_31 = vector.broadcast %slice3A_30 : vector<512x1xf32> to vector<512x1024xf32>
    %mul3A_32 = arith.mulf %mul3A_31, %bitcast_convert_type3A_22 : vector<512x1024xf32>
    %add3A_33 = arith.addf %mul3A_29, %mul3A_32 : vector<512x1024xf32>
    %get3A_34 = arith.constant 0 : index
    %get3A_35 = arith.constant 0 : index
    %get3A_36 = vector.load %arg4[%get3A_34, %get3A_35] : memref<2048x1024xf32, #tpu.memory_space<vmem>>, vector<2048x1024xf32>
    %slice3A_37 = vector.extract_strided_slice %get3A_36 {offsets = [0, 0], sizes = [1024, 1024], strides = [1, 1]} : vector<2048x1024xf32> to vector<1024x1024xf32>
    %dot_general3A = arith.constant dense<0.000000e+00> : vector<512x1024xf32>
    %dot_general3A_38 = tpu.matmul %add3A, %slice3A_37, %dot_general3A {dimension_numbers = #tpu.dot_dimension_numbers<[1], [0], [0], [1], [0, 0, 1, 1], [], []>, transpose_lhs_hint = false} : vector<512x1024xf32>, vector<1024x1024xf32>, vector<512x1024xf32> -> vector<512x1024xf32>
    %slice3A_39 = vector.extract_strided_slice %get3A_36 {offsets = [1024, 0], sizes = [1024, 1024], strides = [1, 1]} : vector<2048x1024xf32> to vector<1024x1024xf32>
    %dot_general3A_40 = arith.constant dense<0.000000e+00> : vector<512x1024xf32>
    %dot_general3A_41 = tpu.matmul %add3A_33, %slice3A_39, %dot_general3A_40 {dimension_numbers = #tpu.dot_dimension_numbers<[1], [0], [0], [1], [0, 0, 1, 1], [], []>, transpose_lhs_hint = false} : vector<512x1024xf32>, vector<1024x1024xf32>, vector<512x1024xf32> -> vector<512x1024xf32>
    %add3A_42 = arith.addf %dot_general3A_38, %dot_general3A_41 : vector<512x1024xf32>
    %get3A_43 = arith.constant 0 : index
    %get3A_44 = arith.constant 0 : index
    %get3A_45 = vector.load %arg5[%get3A_43, %get3A_44] : memref<1x1024xf32, #tpu.memory_space<vmem>>, vector<1x1024xf32>
    %add3A_46 = vector.broadcast %get3A_45 : vector<1x1024xf32> to vector<512x1024xf32>
    %add3A_47 = arith.addf %add3A_42, %add3A_46 : vector<512x1024xf32>
    %swap3A = arith.constant 0 : index
    %swap3A_48 = arith.constant 0 : index
    %swap3A_49 = vector.load %arg6[%swap3A, %swap3A_48] : memref<512x1024xf32, #tpu.memory_space<vmem>>, vector<512x1024xf32>
    tpu.vector_store %arg6[%swap3A, %swap3A_48], %add3A_47 {strides = array<i32>} : memref<512x1024xf32, #tpu.memory_space<vmem>>, vector<512x1024xf32>,
    return
  }
  func.func @transform_0(%arg0: i32) -> (i32, i32) {
    %c0_i32 = arith.constant 0 : i32
    %c0_i32_0 = arith.constant 0 : i32
    return %arg0, %c0_i32 : i32, i32
  }
  func.func @transform_1(%arg0: i32) -> (i32, i32) {
    %add3A = arith.constant 8 : i32
    %add3A_0 = arith.addi %arg0, %add3A : i32
    %c0_i32 = arith.constant 0 : i32
    %c0_i32_1 = arith.constant 0 : i32
    return %add3A_0, %c0_i32 : i32, i32
  }
  func.func @transform_2(%arg0: i32) -> (i32, i32) {
    %c0_i32 = arith.constant 0 : i32
    %c0_i32_0 = arith.constant 0 : i32
    return %arg0, %c0_i32 : i32, i32
  }
  func.func @transform_3(%arg0: i32) -> (i32, i32) {
    %c0_i32 = arith.constant 0 : i32
    %c0_i32_0 = arith.constant 0 : i32
    %c0_i32_1 = arith.constant 0 : i32
    return %c0_i32, %c0_i32_0 : i32, i32
  }
  func.func @transform_4(%arg0: i32) -> (i32, i32) {
    %c0_i32 = arith.constant 0 : i32
    %c0_i32_0 = arith.constant 0 : i32
    %c0_i32_1 = arith.constant 0 : i32
    return %c0_i32, %c0_i32_0 : i32, i32
  }
  func.func @transform_5(%arg0: i32) -> (i32, i32) {
    %c0_i32 = arith.constant 0 : i32
    %c0_i32_0 = arith.constant 0 : i32
    return %arg0, %c0_i32 : i32, i32
  }
}

</mosaic_0001>

<sc_bundles>
// kernel: _run.10.cloned.1.call-start
scs
__scs_entry_jumppad:
0x0: {  	(pc) =	sbr.rel $0x88, $3  }
0x1: {  	(tag) =	ssettag $0x0;
	lr =	simm.s32 $0x1  }
0x2: {  	[smem:$0x3F92] =	sst lr;
	_ =	strace $0xD0000000  }
0x3: {  	_ = 	snop  }
0x4: {  	_ = 	snop  }
0x5: {  	_ = 	snop  }
0x6: {  	_ = 	snop  }
0x7: {  	_ = 	snop  }
__scs_overlays_trampoline_lowered:
0x8: {  	[smem:$0x3FA1] =	sst s0  }
0x9: {  	[smem:$0x3FA2] =	sst s1  }
0xa: {  	[smem:$0x3FA3] =	sst s2  }
0xb: {  	[smem:$0x3FA4] =	sst s3  }
0xc: {  	[smem:$0x3FA5] =	sst s4  }
0xd: {  	[smem:$0x3FA6] =	sst s5  }
0xe: {  	[smem:$0x3FA7] =	sst s6  }
0xf: {  	[smem:$0x3FA8] =	sst s7  }
0x10: {  	[smem:$0x3FA9] =	sst s8  }
0x11: {  	[smem:$0x3FAA] =	sst s9;
	s0 =	simm.s32 @!p0 $0x0  }
0x12: {  	s1 =	sld [smem:$0x3F90];
	s0 =	simm.s32 @p0 $0x1  }
0x13: {  	[smem:$0x3FAB] =	sst s0;
	s0 =	simm.s32 @!p1 $0x0  }
0x14: {  	s2 =	sld [smem:$0x3F8F];
	s0 =	simm.s32 @p1 $0x1  }
0x15: {  	[smem:$0x3FAC] =	sst s0;
	s0 =	simm.s32 @!p2 $0x0  }
0x16: {  	s3 =	sld [smem:$0x3FDB];
	s0 =	simm.s32 @p2 $0x1  }
0x17: {  	s4 =	simm.s32 $0x1BF5;
	[smem:$0x3FAE] =	sst s0  }
0x18: {  	s0 =	sld [smem:$0x3F91];
	_ =	swait.ge [sflag:s4], $0x0  }
0x19: {  	s7 =	sld [smem:$0x3F92]  }
0x1a: {  	s8 =	sadd.s32 $0xFFFFE003, lr  }
0x1b: {  	s9 =	sadd.s32 $0xFFFFFEF7, lr;
	s5 =	simm.s32 $0xFFFFFFFF;
	p2 =	slt.u32 s8, $0xFFFFF086  }
0x1c: {  	p1 =	slt.u32 s9, $0xF7A;
	s5 =	simm.s32 @!p2 $0x0  }
0x1d: {  	s5 =	simm.s32 @p1 $0x1;
	p0 =	seq.s32 s7, s2  }
0x1e: {  	s7 =	smul.u32 @!p0 $0xF7A, s2;
	p2 =	seq.s32 @!p0 s5, $0x0  }
0x1f: {  	s9 =	smul.u32 $0xF7A, s1;
	s8 =	simm.s32 @!p0 $0x1BF5;
	p2 =	por !p2, p0  }
0x20: {  	[sflag:s8] =	ssyncset.s32 @!p0 $0xFFFFF086;
	s6 =	sadd.s32 @!p0 s3, s7;
	s7 =	simm.s32 @!p0 $0x108  }
0x21: {  	s3 =	sadd.s32 s3, s9;
	s6 =	sadd.s32 @!p0 $0x88, s6;
	s7 =	simm.s32 @p2 $0x1082  }
0x22: {  	[simem:s7], [sflag:s8] =	dma.local @!p0 [hbm:s6], $0xF7A  }
0x23: {  	s9 =	sor.u32 $0xD0000000, s2;
	s6 =	simm.s32 $0x108;
	_ =	swait.ge @!p0 [sflag:s8], $0x0  }
0x24: {  	s3 =	sadd.s32 $0x88, s3;
	s6 =	simm.s32 @!p1 $0x1082;
	[sflag:s4] =	ssyncset.s32 $0xFFFFF086  }
0x25: {  	[simem:s6], [sflag:s4] =	dma.local [hbm:s3], $0xF7A  }
0x26: {  	[smem:$0x3F92] =	sst s1;
	(tag) =	ssettag s2;
	_ =	strace s9  }
0x27: {  	s1 =	sld [smem:$0x3FA2]  }
0x28: {  	s2 =	sld [smem:$0x3FA3]  }
0x29: {  	s4 =	sld [smem:$0x3FA5]  }
0x2a: {  	p0 =	seq.s32 s5, $0x0;
	s5 =	sld [smem:$0x3FA6]  }
0x2b: {  	s6 =	sld [smem:$0x3FA7]  }
0x2c: {  	s7 =	sld [smem:$0x3FA8]  }
0x2d: {  	s3 =	simm.s32 $0x108;
	s8 =	sld [smem:$0x3FA9]  }
0x2e: {  	s3 =	simm.s32 @!p0 $0x1082;
	s9 =	sld [smem:$0x3FAA]  }
0x2f: {  	lr =	sadd.s32 s0, s3;
	s0 =	sld [smem:$0x3FA1]  }
0x30: {  	s3 =	sld [smem:$0x3FA4]  }
0x31: {  	[smem:$0x3FAD] =	sst s10  }
0x32: {  	s10 =	sld [smem:$0x3FAB];
	_ =	sdelay $0x3  }
0x33: {  	p0 =	seq.s32 s10, $0x1;
	s10 =	sld [smem:$0x3FAD];
	_ =	sdelay $0x3  }
0x34: {  	[smem:$0x3FAD] =	sst s10  }
0x35: {  	s10 =	sld [smem:$0x3FAC];
	_ =	sdelay $0x3  }
0x36: {  	p1 =	seq.s32 s10, $0x1;
	s10 =	sld [smem:$0x3FAD];
	_ =	sdelay $0x3  }
0x37: {  	[smem:$0x3FAD] =	sst s10  }
0x38: {  	s10 =	sld [smem:$0x3FAE]  }
0x39: {  	_ = 	snop;
	(pc) =	sbr.ind lr, $3  }
0x3a: {  	_ = 	snop  }
0x3b: {  	_ = 	snop  }
0x3c: {  	p2 =	seq.s32 s10, $0x1;
	s10 =	sld [smem:$0x3FAD]  }
0x3d: {  	_ =	shalt  }
0x3e: {  	_ =	shalt  }
0x3f: {  	_ =	shalt  }
0x40: {  	_ =	shalt  }
0x41: {  	_ =	shalt  }
0x42: {  	_ =	shalt  }
0x43: {  	_ =	shalt  }
0x44: {  	_ =	shalt  }
0x45: {  	_ =	shalt  }
0x46: {  	_ =	shalt  }
0x47: {  	_ =	shalt  }
0x48: {  	_ =	shalt  }
0x49: {  	_ =	shalt  }
0x4a: {  	_ =	shalt  }
0x4b: {  	_ =	shalt  }
0x4c: {  	_ =	shalt  }
0x4d: {  	_ =	shalt  }
0x4e: {  	_ =	shalt  }
0x4f: {  	_ =	shalt  }
0x50: {  	_ =	shalt  }
0x51: {  	_ =	shalt  }
0x52: {  	_ =	shalt  }
0x53: {  	_ =	shalt  }
0x54: {  	_ =	shalt  }
0x55: {  	_ =	shalt  }
0x56: {  	_ =	shalt  }
0x57: {  	_ =	shalt  }
0x58: {  	_ =	shalt  }
0x59: {  	_ =	shalt  }
0x5a: {  	_ =	shalt  }
0x5b: {  	_ =	shalt  }
0x5c: {  	_ =	shalt  }
0x5d: {  	_ =	shalt  }
0x5e: {  	_ =	shalt  }
0x5f: {  	_ =	shalt  }
0x60: {  	_ =	shalt  }
0x61: {  	_ =	shalt  }
0x62: {  	_ =	shalt  }
0x63: {  	_ =	shalt  }
0x64: {  	_ =	shalt  }
0x65: {  	_ =	shalt  }
0x66: {  	_ =	shalt  }
0x67: {  	_ =	shalt  }
0x68: {  	_ =	shalt  }
0x69: {  	_ =	shalt  }
0x6a: {  	_ =	shalt  }
0x6b: {  	_ =	shalt  }
0x6c: {  	_ =	shalt  }
0x6d: {  	_ =	shalt  }
0x6e: {  	_ =	shalt  }
0x6f: {  	_ =	shalt  }
0x70: {  	_ =	shalt  }
0x71: {  	_ =	shalt  }
0x72: {  	_ =	shalt  }
0x73: {  	_ =	shalt  }
0x74: {  	_ =	shalt  }
0x75: {  	_ =	shalt  }
0x76: {  	_ =	shalt  }
0x77: {  	_ =	shalt  }
0x78: {  	_ =	shalt  }
0x79: {  	_ =	shalt  }
0x7a: {  	_ =	shalt  }
0x7b: {  	_ =	shalt  }
0x7c: {  	_ =	shalt  }
0x7d: {  	_ =	shalt  }
0x7e: {  	_ =	shalt  }
0x7f: {  	_ =	shalt  }
0x80: {  	_ =	shalt  }
0x81: {  	_ =	shalt  }
0x82: {  	_ =	shalt  }
0x83: {  	_ =	shalt  }
0x84: {  	_ =	shalt  }
0x85: {  	_ =	shalt  }
0x86: {  	_ =	shalt  }
0x87: {  	_ =	shalt  }
.Lfunc_end0:
.L_simem_size_0:
called_computation.1_lowered:
.L_overlay_start_0:
0x88: {  	s2 =	sld [smem:$0x3FD9]  }
0x89: {  	s3 =	sld [smem:$0x3FFE];
	_ =	sdelay $0x1  }
0x8a: {  	s1 =	srdreg.scid  }
0x8b: {  	s0 =	sand.u32 $0x1, s1  }
0x8c: {  	s16 =	sshll.u32 s0, $0xA;
	s2 =	sadd.s32 s3, s2  }
0x8d: {  	s2 =	sadd.s32 s2, s16  }
0x8e: {  	[smem:$0x3FB9] =	sst s2  }
0x8f: {  	_ = 	snop  }
0x90: {  	(tm) =	ssettm $0x1  }
0x91: {  	s17 =	sld [smem:$0x3FFB];
	_ =	sdelay $0x3  }
0x92: {  	_ =	strace s17  }
0x93: {  	s2 =	sld [smem:$0x3FFC];
	_ =	sdelay $0x3  }
0x94: {  	_ =	strace s2  }
0x95: {  	s2 =	sld [smem:$0x3FFD];
	_ =	sdelay $0x3  }
0x96: {  	_ =	strace s2  }
0x97: {  	_ =	strace $0x8FFFFFFF  }
0x98: {  	s18 =	sld [smem:$0x3FDB];
	_ =	sdelay $0x1  }
0x99: {  	s19 =	simm.s32 $_scs_section_size  }
0x9a: {  	s4 =	simm.s32 $_size__tile_overlayer_lowered;
	s5 =	simm.s32 $_tile_overlayer_lowered  }
0x9b: {  	s22 =	simm.s32 $0x1BFF;
	s21 =	sshll.u32 s5, $0x1;
	s2 =	sadd.s32 s19, s18  }
0x9c: {  	s6 =	simm.s32 $0x0;
	s20 =	sshll.u32 s4, $0x1;
	s4 =	sadd.s32 s21, s2  }
0x9d: {  	[timem:s6], [sflag:s22] =	dma.local [hbm:s4], s20  }
0x9e: {  	_ =	swait.ge [sflag:s22], s20  }
0x9f: {  	s3 =	ssub.s32 $0x0, s20;
	[sflag:s22] =	ssyncset.done $0x0  }
0xa0: {  	[sflag:s22] =	ssyncadd.s32 s3;
	_ =	sdelay $0x1  }
0xa1: {  	s23 =	simm.s32 $0x1B8B  }
0xa2: {  	_ =	swait.ge [sflag:s23], $0x1  }
0xa3: {  	[sflag:s23] =	ssyncset.done $0x0  }
0xa4: {  	s25 =	simm.s32 $0x1B8E;
	s24 =	sld [smem:$0x3FFE];
	[sflag:s23] =	ssyncadd.s32 $0xFFFFFFFF  }
0xa5: {  	s26 =	simm.s32 $execute0_lowered;
	[smem:$0x3FD2] =	sst s25  }
0xa6: {  	s4 =	sshll.u32 s26, $0x1;
	_ =	strace $0x80000049;
	[dreg:$0x1] =	wrdreg $0xFFFFFFFF  }
0xa7: {  	s28 =	simm.s32 $_size_execute0_lowered;
	s2 =	sadd.s32 s2, s4;
	[dreg:$0x0] =	wrdreg $0x0  }
0xa8: {  	s4 =	sshll.u32 s28, $0x1;
	[dreg:$0x2] =	wrdreg s2  }
0xa9: {  	[dreg:$0x3] =	wrdreg s4  }
0xaa: {  	[dreg:$0x4] =	wrdreg $0xC0  }
0xab: {  	_ =	task [dreg:s6], $0x5FFFF  }
0xac: {  	[dreg:$0x1] =	wrdreg $0xFFFFFFFF  }
0xad: {  	[dreg:$0x0] =	wrdreg $0x60  }
0xae: {  	[dreg:$0x2] =	wrdreg s24  }
0xaf: {  	[dreg:$0x3] =	wrdreg $0x9  }
0xb0: {  	_ =	task.clear_ibuf [dreg:s6], $0x4FFFF;
	_ =	strace $0x90000049  }
0xb1: {  	s29 =	simm.s32 $0x9;
	_ =	strace $0x8000004B  }
0xb2: {  	_ =	swait.ge [sflag:s29], $0x1  }
0xb3: {  	[sflag:s29] =	ssyncadd.s32 $0xFFFFFFFF  }
0xb4: {  	_ =	strace $0x9000004B  }
0xb5: {  	_ =	sfence  }
0xb6: {  	s30 =	sld [smem:$0x0];
	_ =	sdelay $0x2  }
0xb7: {  	s31 =	sshll.u32 s1, $0xD;
	s1 =	sshrl.u32 s1, $0x2  }
0xb8: {  	s3 =	sand.u32 $0x4000, s31;
	s1 =	sadd.s32 s1, s30  }
0xb9: {  	s0 =	sor.u32 s3, s0;
	s1 =	sshll.u32 s1, $0x11  }
0xba: {  	s0 =	sor.u32 s1, s0  }
0xbb: {  	s0 =	sadd.s32 $0x8F2B, s0  }
0xbc: {  	[sflag:s0] =	ssyncadd.remote.s32 $0x1  }
0xbd: {  	_ =	sfence.sel $0xFFFF  }
0xbe: {  	[dreg:$0x0] =	wrdreg $0xFFFFFFFF;
	(pc) =	sbr.abs _section_cstart, $3  }
0xbf: {  	[dreg:$0x1] =	wrdreg $0xFFFFFFFF  }
0xc0: {  	_ =	task.clear_ibuf [dreg:s6], $0x2FFFF;
	_ =	strace $0x9FFFFFFF  }
0xc1: {  	(tm) =	ssettm $0x7FFFFFFF  }
tec
execute0_lowered:
.L_overlay_start_1:
0x0: {  	(tag) =	ssettag $0x1  }
0x1: {  	s0 =	rddreg [dreg:$0x0]  }
0x2: {  	s2 =	simm.s32 $0x0;
	s1 =	srdreg.scid;
	s4 =	stileid.u32  }
0x3: {  	[smem:$0x7FF] =	sst s2;
	s1 =	sand.u32 $0x1, s1;
	s4 =	sshll.u32 s4, $0x9  }
0x4: {  	s6 =	sadd.s32 $0xA2400, s0;
	s7 =	sadd.s32 $0x1E2800, s0;
	s5 =	sshll.u32 s1, $0x8  }
0x5: {  	_ =	strace $0x8000004A;
	s1 =	ssub.s32 $0x2, s1;
	s8 =	sor.u32 s5, s4  }
0x6: {  	s9 =	sshrl.u32 s1, $0x1;
	s4 =	sshrl.u32 s8, $0x3;
	s5 =	sor.u32 $0x20, s8  }
0x7: {  	s20 =	sshll.u32 s8, $0x7;
	s22 =	sor.u32 $0x40, s8;
	s1 =	ssub.s32 s1, s9  }
0x8: {  	s24 =	sor.u32 $0x60, s8;
	s31 =	sor.u32 $0x80, s8;
	s11 =	sor.u32 $0xA0, s8  }
0x9: {  	s4 =	sadd.s32 s6, s4;
	s10 =	sshrl.u32 s5, $0x3;
	s21 =	sadd.s32 s7, s20  }
0xa: {  	s26 =	sshrl.u32 s24, $0x3;
	s12 =	sshrl.u32 s31, $0x3;
	[dreg:$0x2] =	wrdreg s4  }
0xb: {  	s9 =	sshll.u32 s24, $0x7;
	s24 =	simm.s32 $0x100;
	[dreg:$0x4] =	wrdreg s21  }
0xc: {  	s16 =	sshll.u32 s31, $0x7;
	s31 =	simm.s32 $0x380;
	[dreg:$0x13] =	wrdreg s24  }
0xd: {  	s23 =	sshrl.u32 s22, $0x3;
	s19 =	sadd.s32 s6, s10;
	[dreg:$0x18] =	wrdreg s31  }
0xe: {  	s5 =	sshll.u32 s5, $0x7;
	s4 =	sadd.s32 s6, s23;
	[dreg:$0x3] =	wrdreg s19  }
0xf: {  	s17 =	sor.u32 $0xC0, s8;
	s25 =	sadd.s32 s7, s5;
	[dreg:$0x5] =	wrdreg s4  }
0x10: {  	s29 =	sshll.u32 s22, $0x7;
	s28 =	sadd.s32 s6, s26;
	[dreg:$0x6] =	wrdreg s25  }
0x11: {  	s8 =	sor.u32 $0xE0, s8;
	s5 =	sadd.s32 s7, s29;
	[dreg:$0x7] =	wrdreg s28  }
0x12: {  	s14 =	sshrl.u32 s11, $0x3;
	s13 =	sadd.s32 s7, s9;
	[dreg:$0x8] =	wrdreg s5  }
0x13: {  	s20 =	sshrl.u32 s8, $0x3;
	s15 =	sadd.s32 s6, s14;
	[dreg:$0xa] =	wrdreg s13  }
0x14: {  	s8 =	sshll.u32 s8, $0x7;
	s9 =	sadd.s32 s7, s16;
	[dreg:$0xb] =	wrdreg s15  }
0x15: {  	s30 =	simm.s32 $0x400;
	s22 =	sadd.s32 s7, s8;
	[dreg:$0xc] =	wrdreg s9  }
0x16: {  	s3 =	sadd.s32 $0xA2800, s0;
	s23 =	simm.s32 $0x80;
	[dreg:$0x11] =	wrdreg s22  }
0x17: {  	s18 =	sshrl.u32 s17, $0x3;
	s26 =	simm.s32 $0x200;
	[dreg:$0x12] =	wrdreg s23  }
0x18: {  	s11 =	sshll.u32 s11, $0x7;
	s29 =	simm.s32 $0x300;
	[dreg:$0x15] =	wrdreg s26  }
0x19: {  	s21 =	sshll.u32 s17, $0x7;
	s5 =	sadd.s32 s6, s12;
	[dreg:$0x17] =	wrdreg s29  }
0x1a: {  	s8 =	simm.s32 $0x3;
	s9 =	sadd.s32 s6, s18;
	[dreg:$0x9] =	wrdreg s5  }
0x1b: {  	s4 =	sadd.s32 $0xA2900, s0;
	s19 =	sadd.s32 s7, s11;
	[dreg:$0xd] =	wrdreg s9  }
0x1c: {  	s6 =	sadd.s32 s6, s20;
	s25 =	simm.s32 $0x180;
	[dreg:$0xe] =	wrdreg s19  }
0x1d: {  	s28 =	simm.s32 $0x280;
	s18 =	simm.s32 $0x1;
	[dreg:$0xf] =	wrdreg s6  }
0x1e: {  	v2 =	vlaneseq.u32;
	s5 =	sadd.s32 $0xA2A00, s0;
	s9 =	sadd.s32 s7, s21;
	[dreg:$0x14] =	wrdreg s25  }
0x1f: {  	vm0 =	vmmov $0xffff;
	v1 =	vshrl.u32 v2, $0x3;
	s6 =	sadd.s32 $0xA2B00, s0;
	s7 =	smax.u32 s1, $0x1;
	[dreg:$0x16] =	wrdreg s28  }
0x20: {  	v0 =	vand.u32 $0x7, v2;
	v2 =	vor.u32 $0x8, v2;
	v1 =	vmul.u32 $0x8, v1;
	s25 =	simm.s32 $0x8400;
	s19 =	simm.s32 $0x2;
	[dreg:$0x10] =	wrdreg s9  }
.LBB2_1:
0x21: {  	s20 =	rddreg [dreg:$0x2]  }
0x22: {  	[tilespmem:s2], [sflag:$0x3] =	stream.linear.gather [hbm4b:s20+s2], $0x20, $0x38;
	[tilespmem:$0x10400] =	vst v63  }
0x23: {  	_ =	swait.ge [sflag:s8], $0x20  }
0x24: {  	[sflag:s8] =	ssyncset.done $0x0  }
0x25: {  	[sflag:s8] =	ssyncadd.s32 $0xFFFFFFE0  }
0x26: {  	v3 =	vld [tilespmem:$0x0];
	_ =	sdelay $0x4  }
0x27: {  	v4 =	vshll.u32 v3, $0x3  }
0x28: {  	v3 =	vand.u32 $0x7, v3;
	v4 =	vand.u32 $0xFFFFFFC0, v4  }
0x29: {  	v3 =	vor.u32 v3, v4  }
0x2a: {  	v4 =	vperm.xlane v3, v0;
	_ =	sdelay $0x1  }
0x2b: {  	v4 =	vadd.s32 v1, v4;
	_ =	sdelay $0x4  }
0x2c: {  	[tilespmem:s30], [sflag:$0x1] =	stream.indirect_vreg.gather [hbm4b:s3+s2], $0x80, v4, vm0, $0xb8;
	[tilespmem:$0x10400] =	vst v63  }
0x2d: {  	s0 =	simm.s32 $0xC00;
	v3 =	vperm.xlane v3, v2  }
0x2e: {  	[tilespmem:s0], [sflag:$0x1] =	stream.indirect_vreg.gather [hbm4b:s4+s2], $0x80, v4, vm0, $0xb8;
	[tilespmem:$0x10400] =	vst v63  }
0x2f: {  	s1 =	simm.s32 $0x1400;
	v3 =	vadd.s32 v1, v3  }
0x30: {  	[tilespmem:s1], [sflag:$0x1] =	stream.indirect_vreg.gather [hbm4b:s5+s2], $0x80, v4, vm0, $0xb8;
	[tilespmem:$0x10400] =	vst v63  }
0x31: {  	s10 =	simm.s32 $0x1C00  }
0x32: {  	[tilespmem:s10], [sflag:$0x1] =	stream.indirect_vreg.gather [hbm4b:s6+s2], $0x80, v4, vm0, $0xb8;
	[tilespmem:$0x10400] =	vst v63  }
0x33: {  	s11 =	simm.s32 $0x2400  }
0x34: {  	[tilespmem:s11], [sflag:$0x1] =	stream.indirect_vreg.gather [hbm4b:s3+s2], $0x80, v3, vm0, $0xb8;
	[tilespmem:$0x10400] =	vst v63  }
0x35: {  	s12 =	simm.s32 $0x2C00  }
0x36: {  	[tilespmem:s12], [sflag:$0x1] =	stream.indirect_vreg.gather [hbm4b:s4+s2], $0x80, v3, vm0, $0xb8;
	[tilespmem:$0x10400] =	vst v63  }
0x37: {  	s13 =	simm.s32 $0x3400  }
0x38: {  	[tilespmem:s13], [sflag:$0x1] =	stream.indirect_vreg.gather [hbm4b:s5+s2], $0x80, v3, vm0, $0xb8;
	[tilespmem:$0x10400] =	vst v63  }
0x39: {  	s14 =	simm.s32 $0x3C00  }
0x3a: {  	[tilespmem:s14], [sflag:$0x1] =	stream.indirect_vreg.gather [hbm4b:s6+s2], $0x80, v3, vm0, $0xb8;
	[tilespmem:$0x10400] =	vst v63  }
0x3b: {  	v3 =	vld [tilespmem:$0x10];
	_ =	sdelay $0x4  }
0x3c: {  	v49 =	vshll.u32 v3, $0x3  }
0x3d: {  	v3 =	vand.u32 $0x7, v3;
	v4 =	vand.u32 $0xFFFFFFC0, v49  }
0x3e: {  	v3 =	vor.u32 v3, v4  }
0x3f: {  	v4 =	vperm.xlane v3, v0;
	_ =	sdelay $0x1  }
0x40: {  	v4 =	vadd.s32 v1, v4;
	_ =	sdelay $0x3  }
0x41: {  	s15 =	simm.s32 $0x4400  }
0x42: {  	[tilespmem:s15], [sflag:$0x1] =	stream.indirect_vreg.gather [hbm4b:s3+s2], $0x80, v4, vm0, $0xb8;
	[tilespmem:$0x10400] =	vst v63  }
0x43: {  	s16 =	simm.s32 $0x4C00;
	v3 =	vperm.xlane v3, v2  }
0x44: {  	[tilespmem:s16], [sflag:$0x1] =	stream.indirect_vreg.gather [hbm4b:s4+s2], $0x80, v4, vm0, $0xb8;
	[tilespmem:$0x10400] =	vst v63  }
0x45: {  	s17 =	simm.s32 $0x5400;
	v3 =	vadd.s32 v1, v3  }
0x46: {  	[tilespmem:s17], [sflag:$0x1] =	stream.indirect_vreg.gather [hbm4b:s5+s2], $0x80, v4, vm0, $0xb8;
	[tilespmem:$0x10400] =	vst v63  }
0x47: {  	s20 =	simm.s32 $0x5C00  }
0x48: {  	[tilespmem:s20], [sflag:$0x1] =	stream.indirect_vreg.gather [hbm4b:s6+s2], $0x80, v4, vm0, $0xb8;
	[tilespmem:$0x10400] =	vst v63  }
0x49: {  	s21 =	simm.s32 $0x6400  }
0x4a: {  	[tilespmem:s21], [sflag:$0x1] =	stream.indirect_vreg.gather [hbm4b:s3+s2], $0x80, v3, vm0, $0xb8;
	[tilespmem:$0x10400] =	vst v63  }
0x4b: {  	s22 =	simm.s32 $0x6C00  }
0x4c: {  	[tilespmem:s22], [sflag:$0x1] =	stream.indirect_vreg.gather [hbm4b:s4+s2], $0x80, v3, vm0, $0xb8;
	[tilespmem:$0x10400] =	vst v63  }
0x4d: {  	s23 =	simm.s32 $0x7400  }
0x4e: {  	[tilespmem:s23], [sflag:$0x1] =	stream.indirect_vreg.gather [hbm4b:s5+s2], $0x80, v3, vm0, $0xb8;
	[tilespmem:$0x10400] =	vst v63  }
0x4f: {  	s26 =	simm.s32 $0x7C00;
	s24 =	rddreg [dreg:$0x3]  }
0x50: {  	[tilespmem:s26], [sflag:$0x1] =	stream.indirect_vreg.gather [hbm4b:s6+s2], $0x80, v3, vm0, $0xb8;
	[tilespmem:$0x10400] =	vst v63  }
0x51: {  	s21 =	rddreg [dreg:$0x12]  }
0x52: {  	[tilespmem:s21], [sflag:$0x3] =	stream.linear.gather [hbm4b:s24+s2], $0x20, $0x38;
	[tilespmem:$0x10400] =	vst v63  }
0x53: {  	_ =	swait.ge [sflag:s8], $0x20  }
0x54: {  	[sflag:s8] =	ssyncset.done $0x0  }
0x55: {  	[sflag:s8] =	ssyncadd.s32 $0xFFFFFFE0  }
0x56: {  	v3 =	vld [tilespmem:$0x80];
	_ =	sdelay $0x4  }
0x57: {  	v50 =	vshll.u32 v3, $0x3  }
0x58: {  	v3 =	vand.u32 $0x7, v3;
	v4 =	vand.u32 $0xFFFFFFC0, v50  }
0x59: {  	v3 =	vor.u32 v3, v4  }
0x5a: {  	v4 =	vperm.xlane v3, v0;
	_ =	sdelay $0x1  }
0x5b: {  	v4 =	vadd.s32 v1, v4;
	_ =	sdelay $0x4  }
0x5c: {  	[tilespmem:s25], [sflag:$0x2] =	stream.indirect_vreg.gather [hbm4b:s3+s2], $0x80, v4, vm0, $0xb8;
	[tilespmem:$0x10400] =	vst v63  }
0x5d: {  	s28 =	simm.s32 $0x8C00;
	v3 =	vperm.xlane v3, v2  }
0x5e: {  	[tilespmem:s28], [sflag:$0x2] =	stream.indirect_vreg.gather [hbm4b:s4+s2], $0x80, v4, vm0, $0xb8;
	[tilespmem:$0x10400] =	vst v63  }
0x5f: {  	s29 =	simm.s32 $0x9400;
	v3 =	vadd.s32 v1, v3  }
0x60: {  	[tilespmem:s29], [sflag:$0x2] =	stream.indirect_vreg.gather [hbm4b:s5+s2], $0x80, v4, vm0, $0xb8;
	[tilespmem:$0x10400] =	vst v63  }
0x61: {  	s31 =	simm.s32 $0x9C00  }
0x62: {  	[tilespmem:s31], [sflag:$0x2] =	stream.indirect_vreg.gather [hbm4b:s6+s2], $0x80, v4, vm0, $0xb8;
	[tilespmem:$0x10400] =	vst v63  }
0x63: {  	s0 =	simm.s32 $0xA400  }
0x64: {  	[tilespmem:s0], [sflag:$0x2] =	stream.indirect_vreg.gather [hbm4b:s3+s2], $0x80, v3, vm0, $0xb8;
	[tilespmem:$0x10400] =	vst v63  }
0x65: {  	s10 =	simm.s32 $0xAC00  }
0x66: {  	[tilespmem:s10], [sflag:$0x2] =	stream.indirect_vreg.gather [hbm4b:s4+s2], $0x80, v3, vm0, $0xb8;
	[tilespmem:$0x10400] =	vst v63  }
0x67: {  	s11 =	simm.s32 $0xB400  }
0x68: {  	[tilespmem:s11], [sflag:$0x2] =	stream.indirect_vreg.gather [hbm4b:s5+s2], $0x80, v3, vm0, $0xb8;
	[tilespmem:$0x10400] =	vst v63  }
0x69: {  	s12 =	simm.s32 $0xBC00  }
0x6a: {  	[tilespmem:s12], [sflag:$0x2] =	stream.indirect_vreg.gather [hbm4b:s6+s2], $0x80, v3, vm0, $0xb8;
	[tilespmem:$0x10400] =	vst v63  }
0x6b: {  	v3 =	vld [tilespmem:$0x90];
	_ =	sdelay $0x4  }
0x6c: {  	v51 =	vshll.u32 v3, $0x3  }
0x6d: {  	v3 =	vand.u32 $0x7, v3;
	v4 =	vand.u32 $0xFFFFFFC0, v51  }
0x6e: {  	v3 =	vor.u32 v3, v4  }
0x6f: {  	v4 =	vperm.xlane v3, v0;
	_ =	sdelay $0x1  }
0x70: {  	v4 =	vadd.s32 v1, v4;
	_ =	sdelay $0x3  }
0x71: {  	s16 =	simm.s32 $0xC400  }
0x72: {  	[tilespmem:s16], [sflag:$0x2] =	stream.indirect_vreg.gather [hbm4b:s3+s2], $0x80, v4, vm0, $0xb8;
	[tilespmem:$0x10400] =	vst v63  }
0x73: {  	s17 =	simm.s32 $0xCC00;
	v3 =	vperm.xlane v3, v2  }
0x74: {  	[tilespmem:s17], [sflag:$0x2] =	stream.indirect_vreg.gather [hbm4b:s4+s2], $0x80, v4, vm0, $0xb8;
	[tilespmem:$0x10400] =	vst v63  }
0x75: {  	s21 =	simm.s32 $0xD400;
	v3 =	vadd.s32 v1, v3  }
0x76: {  	[tilespmem:s21], [sflag:$0x2] =	stream.indirect_vreg.gather [hbm4b:s5+s2], $0x80, v4, vm0, $0xb8;
	[tilespmem:$0x10400] =	vst v63  }
0x77: {  	s22 =	simm.s32 $0xDC00  }
0x78: {  	[tilespmem:s22], [sflag:$0x2] =	stream.indirect_vreg.gather [hbm4b:s6+s2], $0x80, v4, vm0, $0xb8;
	[tilespmem:$0x10400] =	vst v63  }
0x79: {  	s24 =	simm.s32 $0xE400  }
0x7a: {  	[tilespmem:s24], [sflag:$0x2] =	stream.indirect_vreg.gather [hbm4b:s3+s2], $0x80, v3, vm0, $0xb8;
	[tilespmem:$0x10400] =	vst v63  }
0x7b: {  	s0 =	simm.s32 $0xEC00  }
0x7c: {  	[tilespmem:s0], [sflag:$0x2] =	stream.indirect_vreg.gather [hbm4b:s4+s2], $0x80, v3, vm0, $0xb8;
	[tilespmem:$0x10400] =	vst v63  }
0x7d: {  	s10 =	simm.s32 $0xF400  }
0x7e: {  	[tilespmem:s10], [sflag:$0x2] =	stream.indirect_vreg.gather [hbm4b:s5+s2], $0x80, v3, vm0, $0xb8;
	[tilespmem:$0x10400] =	vst v63  }
0x7f: {  	s11 =	simm.s32 $0xFC00  }
0x80: {  	[tilespmem:s11], [sflag:$0x2] =	stream.indirect_vreg.gather [hbm4b:s6+s2], $0x80, v3, vm0, $0xb8;
	[tilespmem:$0x10400] =	vst v63  }
0x81: {  	_ =	swait.ge [sflag:s18], $0x8000  }
0x82: {  	[sflag:s18] =	ssyncset.done $0x0  }
0x83: {  	s12 =	rddreg [dreg:$0x4];
	[sflag:s18] =	ssyncadd.s32 $0xFFFF8000  }
0x84: {  	[hbm4b:s12+s2] =	stream.linear.scatter [tilespmem:s30], [sflag:$0x3], $0x8000, $0x38;
	[tilespmem:$0x10400] =	vst v63  }
0x85: {  	_ =	swait.ge [sflag:s8], $0x8000  }
0x86: {  	s16 =	rddreg [dreg:$0x5];
	[sflag:s8] =	ssyncset.done $0x0  }
0x87: {  	s17 =	rddreg [dreg:$0x13];
	[sflag:s8] =	ssyncadd.s32 $0xFFFF8000  }
0x88: {  	[tilespmem:s17], [sflag:$0x3] =	stream.linear.gather [hbm4b:s16+s2], $0x20, $0x38;
	[tilespmem:$0x10400] =	vst v63  }
0x89: {  	_ =	swait.ge [sflag:s8], $0x20  }
0x8a: {  	[sflag:s8] =	ssyncset.done $0x0  }
0x8b: {  	[sflag:s8] =	ssyncadd.s32 $0xFFFFFFE0  }
0x8c: {  	v3 =	vld [tilespmem:$0x100];
	_ =	sdelay $0x4  }
0x8d: {  	v52 =	vshll.u32 v3, $0x3  }
0x8e: {  	v3 =	vand.u32 $0x7, v3;
	v4 =	vand.u32 $0xFFFFFFC0, v52  }
0x8f: {  	v3 =	vor.u32 v3, v4  }
0x90: {  	v4 =	vperm.xlane v3, v0;
	_ =	sdelay $0x1  }
0x91: {  	v4 =	vadd.s32 v1, v4;
	_ =	sdelay $0x4  }
0x92: {  	[tilespmem:s30], [sflag:$0x1] =	stream.indirect_vreg.gather [hbm4b:s3+s2], $0x80, v4, vm0, $0xb8;
	[tilespmem:$0x10400] =	vst v63  }
0x93: {  	s9 =	simm.s32 $0xC00;
	v3 =	vperm.xlane v3, v2  }
0x94: {  	[tilespmem:s9], [sflag:$0x1] =	stream.indirect_vreg.gather [hbm4b:s4+s2], $0x80, v4, vm0, $0xb8;
	[tilespmem:$0x10400] =	vst v63  }
0x95: {  	s1 =	simm.s32 $0x1400;
	v3 =	vadd.s32 v1, v3  }
0x96: {  	[tilespmem:s1], [sflag:$0x1] =	stream.indirect_vreg.gather [hbm4b:s5+s2], $0x80, v4, vm0, $0xb8;
	[tilespmem:$0x10400] =	vst v63  }
0x97: {  	s9 =	simm.s32 $0x1C00  }
0x98: {  	[tilespmem:s9], [sflag:$0x1] =	stream.indirect_vreg.gather [hbm4b:s6+s2], $0x80, v4, vm0, $0xb8;
	[tilespmem:$0x10400] =	vst v63  }
0x99: {  	s10 =	simm.s32 $0x2400  }
0x9a: {  	[tilespmem:s10], [sflag:$0x1] =	stream.indirect_vreg.gather [hbm4b:s3+s2], $0x80, v3, vm0, $0xb8;
	[tilespmem:$0x10400] =	vst v63  }
0x9b: {  	s11 =	simm.s32 $0x2C00  }
0x9c: {  	[tilespmem:s11], [sflag:$0x1] =	stream.indirect_vreg.gather [hbm4b:s4+s2], $0x80, v3, vm0, $0xb8;
	[tilespmem:$0x10400] =	vst v63  }
0x9d: {  	s12 =	simm.s32 $0x3400  }
0x9e: {  	[tilespmem:s12], [sflag:$0x1] =	stream.indirect_vreg.gather [hbm4b:s5+s2], $0x80, v3, vm0, $0xb8;
	[tilespmem:$0x10400] =	vst v63  }
0x9f: {  	s14 =	simm.s32 $0x3C00  }
0xa0: {  	[tilespmem:s14], [sflag:$0x1] =	stream.indirect_vreg.gather [hbm4b:s6+s2], $0x80, v3, vm0, $0xb8;
	[tilespmem:$0x10400] =	vst v63  }
0xa1: {  	v3 =	vld [tilespmem:$0x110];
	_ =	sdelay $0x4  }
0xa2: {  	v53 =	vshll.u32 v3, $0x3  }
0xa3: {  	v3 =	vand.u32 $0x7, v3;
	v4 =	vand.u32 $0xFFFFFFC0, v53  }
0xa4: {  	v3 =	vor.u32 v3, v4  }
0xa5: {  	v4 =	vperm.xlane v3, v0;
	_ =	sdelay $0x1  }
0xa6: {  	v4 =	vadd.s32 v1, v4;
	_ =	sdelay $0x3  }
0xa7: {  	s15 =	simm.s32 $0x4400  }
0xa8: {  	[tilespmem:s15], [sflag:$0x1] =	stream.indirect_vreg.gather [hbm4b:s3+s2], $0x80, v4, vm0, $0xb8;
	[tilespmem:$0x10400] =	vst v63  }
0xa9: {  	s13 =	simm.s32 $0x4C00;
	v3 =	vperm.xlane v3, v2  }
0xaa: {  	[tilespmem:s13], [sflag:$0x1] =	stream.indirect_vreg.gather [hbm4b:s4+s2], $0x80, v4, vm0, $0xb8;
	[tilespmem:$0x10400] =	vst v63  }
0xab: {  	v3 =	vadd.s32 v1, v3;
	s13 =	simm.s32 $0x5400  }
0xac: {  	[tilespmem:s13], [sflag:$0x1] =	stream.indirect_vreg.gather [hbm4b:s5+s2], $0x80, v4, vm0, $0xb8;
	[tilespmem:$0x10400] =	vst v63  }
0xad: {  	s14 =	simm.s32 $0x5C00  }
0xae: {  	[tilespmem:s14], [sflag:$0x1] =	stream.indirect_vreg.gather [hbm4b:s6+s2], $0x80, v4, vm0, $0xb8;
	[tilespmem:$0x10400] =	vst v63  }
0xaf: {  	s15 =	simm.s32 $0x6400  }
0xb0: {  	[tilespmem:s15], [sflag:$0x1] =	stream.indirect_vreg.gather [hbm4b:s3+s2], $0x80, v3, vm0, $0xb8;
	[tilespmem:$0x10400] =	vst v63  }
0xb1: {  	s16 =	simm.s32 $0x6C00  }
0xb2: {  	[tilespmem:s16], [sflag:$0x1] =	stream.indirect_vreg.gather [hbm4b:s4+s2], $0x80, v3, vm0, $0xb8;
	[tilespmem:$0x10400] =	vst v63  }
0xb3: {  	s17 =	simm.s32 $0x7400  }
0xb4: {  	[tilespmem:s17], [sflag:$0x1] =	stream.indirect_vreg.gather [hbm4b:s5+s2], $0x80, v3, vm0, $0xb8;
	[tilespmem:$0x10400] =	vst v63  }
0xb5: {  	s22 =	simm.s32 $0x7C00  }
0xb6: {  	[tilespmem:s22], [sflag:$0x1] =	stream.indirect_vreg.gather [hbm4b:s6+s2], $0x80, v3, vm0, $0xb8;
	[tilespmem:$0x10400] =	vst v63  }
0xb7: {  	_ =	swait.ge [sflag:s19], $0x8000  }
0xb8: {  	[sflag:s19] =	ssyncset.done $0x0  }
0xb9: {  	s21 =	rddreg [dreg:$0x6];
	[sflag:s19] =	ssyncadd.s32 $0xFFFF8000  }
0xba: {  	[hbm4b:s21+s2] =	stream.linear.scatter [tilespmem:s25], [sflag:$0x3], $0x8000, $0x38;
	[tilespmem:$0x10400] =	vst v63  }
0xbb: {  	_ =	swait.ge [sflag:s8], $0x8000  }
0xbc: {  	s0 =	rddreg [dreg:$0x7];
	[sflag:s8] =	ssyncset.done $0x0  }
0xbd: {  	s1 =	rddreg [dreg:$0x14];
	[sflag:s8] =	ssyncadd.s32 $0xFFFF8000  }
0xbe: {  	[tilespmem:s1], [sflag:$0x3] =	stream.linear.gather [hbm4b:s0+s2], $0x20, $0x38;
	[tilespmem:$0x10400] =	vst v63  }
0xbf: {  	_ =	swait.ge [sflag:s8], $0x20  }
0xc0: {  	[sflag:s8] =	ssyncset.done $0x0  }
0xc1: {  	[sflag:s8] =	ssyncadd.s32 $0xFFFFFFE0  }
0xc2: {  	v3 =	vld [tilespmem:$0x180];
	_ =	sdelay $0x4  }
0xc3: {  	v54 =	vshll.u32 v3, $0x3  }
0xc4: {  	v3 =	vand.u32 $0x7, v3;
	v4 =	vand.u32 $0xFFFFFFC0, v54  }
0xc5: {  	v3 =	vor.u32 v3, v4  }
0xc6: {  	v4 =	vperm.xlane v3, v0;
	_ =	sdelay $0x1  }
0xc7: {  	v4 =	vadd.s32 v1, v4;
	_ =	sdelay $0x4  }
0xc8: {  	[tilespmem:s25], [sflag:$0x2] =	stream.indirect_vreg.gather [hbm4b:s3+s2], $0x80, v4, vm0, $0xb8;
	[tilespmem:$0x10400] =	vst v63  }
0xc9: {  	s1 =	simm.s32 $0x8C00;
	v3 =	vperm.xlane v3, v2  }
0xca: {  	[tilespmem:s1], [sflag:$0x2] =	stream.indirect_vreg.gather [hbm4b:s4+s2], $0x80, v4, vm0, $0xb8;
	[tilespmem:$0x10400] =	vst v63  }
0xcb: {  	s0 =	simm.s32 $0x9400;
	v3 =	vadd.s32 v1, v3  }
0xcc: {  	[tilespmem:s0], [sflag:$0x2] =	stream.indirect_vreg.gather [hbm4b:s5+s2], $0x80, v4, vm0, $0xb8;
	[tilespmem:$0x10400] =	vst v63  }
0xcd: {  	s21 =	simm.s32 $0x9C00  }
0xce: {  	[tilespmem:s21], [sflag:$0x2] =	stream.indirect_vreg.gather [hbm4b:s6+s2], $0x80, v4, vm0, $0xb8;
	[tilespmem:$0x10400] =	vst v63  }
0xcf: {  	s29 =	simm.s32 $0xA400  }
0xd0: {  	[tilespmem:s29], [sflag:$0x2] =	stream.indirect_vreg.gather [hbm4b:s3+s2], $0x80, v3, vm0, $0xb8;
	[tilespmem:$0x10400] =	vst v63  }
0xd1: {  	s31 =	simm.s32 $0xAC00  }
0xd2: {  	[tilespmem:s31], [sflag:$0x2] =	stream.indirect_vreg.gather [hbm4b:s4+s2], $0x80, v3, vm0, $0xb8;
	[tilespmem:$0x10400] =	vst v63  }
0xd3: {  	s21 =	simm.s32 $0xB400  }
0xd4: {  	[tilespmem:s21], [sflag:$0x2] =	stream.indirect_vreg.gather [hbm4b:s5+s2], $0x80, v3, vm0, $0xb8;
	[tilespmem:$0x10400] =	vst v63  }
0xd5: {  	s26 =	simm.s32 $0xBC00  }
0xd6: {  	[tilespmem:s26], [sflag:$0x2] =	stream.indirect_vreg.gather [hbm4b:s6+s2], $0x80, v3, vm0, $0xb8;
	[tilespmem:$0x10400] =	vst v63  }
0xd7: {  	v3 =	vld [tilespmem:$0x190];
	_ =	sdelay $0x4  }
0xd8: {  	v55 =	vshll.u32 v3, $0x3  }
0xd9: {  	v3 =	vand.u32 $0x7, v3;
	v4 =	vand.u32 $0xFFFFFFC0, v55  }
0xda: {  	v3 =	vor.u32 v3, v4  }
0xdb: {  	v4 =	vperm.xlane v3, v0;
	_ =	sdelay $0x1  }
0xdc: {  	v4 =	vadd.s32 v1, v4;
	_ =	sdelay $0x3  }
0xdd: {  	s28 =	simm.s32 $0xC400  }
0xde: {  	[tilespmem:s28], [sflag:$0x2] =	stream.indirect_vreg.gather [hbm4b:s3+s2], $0x80, v4, vm0, $0xb8;
	[tilespmem:$0x10400] =	vst v63  }
0xdf: {  	s23 =	simm.s32 $0xCC00;
	v3 =	vperm.xlane v3, v2  }
0xe0: {  	[tilespmem:s23], [sflag:$0x2] =	stream.indirect_vreg.gather [hbm4b:s4+s2], $0x80, v4, vm0, $0xb8;
	[tilespmem:$0x10400] =	vst v63  }
0xe1: {  	v3 =	vadd.s32 v1, v3;
	s28 =	simm.s32 $0xD400  }
0xe2: {  	[tilespmem:s28], [sflag:$0x2] =	stream.indirect_vreg.gather [hbm4b:s5+s2], $0x80, v4, vm0, $0xb8;
	[tilespmem:$0x10400] =	vst v63  }
0xe3: {  	s21 =	simm.s32 $0xDC00  }
0xe4: {  	[tilespmem:s21], [sflag:$0x2] =	stream.indirect_vreg.gather [hbm4b:s6+s2], $0x80, v4, vm0, $0xb8;
	[tilespmem:$0x10400] =	vst v63  }
0xe5: {  	s26 =	simm.s32 $0xE400  }
0xe6: {  	[tilespmem:s26], [sflag:$0x2] =	stream.indirect_vreg.gather [hbm4b:s3+s2], $0x80, v3, vm0, $0xb8;
	[tilespmem:$0x10400] =	vst v63  }
0xe7: {  	s21 =	simm.s32 $0xEC00  }
0xe8: {  	[tilespmem:s21], [sflag:$0x2] =	stream.indirect_vreg.gather [hbm4b:s4+s2], $0x80, v3, vm0, $0xb8;
	[tilespmem:$0x10400] =	vst v63  }
0xe9: {  	s21 =	simm.s32 $0xF400  }
0xea: {  	[tilespmem:s21], [sflag:$0x2] =	stream.indirect_vreg.gather [hbm4b:s5+s2], $0x80, v3, vm0, $0xb8;
	[tilespmem:$0x10400] =	vst v63  }
0xeb: {  	s24 =	simm.s32 $0xFC00  }
0xec: {  	[tilespmem:s24], [sflag:$0x2] =	stream.indirect_vreg.gather [hbm4b:s6+s2], $0x80, v3, vm0, $0xb8;
	[tilespmem:$0x10400] =	vst v63  }
0xed: {  	_ =	swait.ge [sflag:s18], $0x8000  }
0xee: {  	[sflag:s18] =	ssyncset.done $0x0  }
0xef: {  	s24 =	rddreg [dreg:$0x8];
	[sflag:s18] =	ssyncadd.s32 $0xFFFF8000  }
0xf0: {  	[hbm4b:s24+s2] =	stream.linear.scatter [tilespmem:s30], [sflag:$0x3], $0x8000, $0x38;
	[tilespmem:$0x10400] =	vst v63  }
0xf1: {  	_ =	swait.ge [sflag:s8], $0x8000  }
0xf2: {  	s21 =	rddreg [dreg:$0x9];
	[sflag:s8] =	ssyncset.done $0x0  }
0xf3: {  	s24 =	rddreg [dreg:$0x15];
	[sflag:s8] =	ssyncadd.s32 $0xFFFF8000  }
0xf4: {  	[tilespmem:s24], [sflag:$0x3] =	stream.linear.gather [hbm4b:s21+s2], $0x20, $0x38;
	[tilespmem:$0x10400] =	vst v63  }
0xf5: {  	_ =	swait.ge [sflag:s8], $0x20  }
0xf6: {  	[sflag:s8] =	ssyncset.done $0x0  }
0xf7: {  	[sflag:s8] =	ssyncadd.s32 $0xFFFFFFE0  }
0xf8: {  	v3 =	vld [tilespmem:$0x200];
	_ =	sdelay $0x4  }
0xf9: {  	v56 =	vshll.u32 v3, $0x3  }
0xfa: {  	v3 =	vand.u32 $0x7, v3;
	v4 =	vand.u32 $0xFFFFFFC0, v56  }
0xfb: {  	v3 =	vor.u32 v3, v4  }
0xfc: {  	v4 =	vperm.xlane v3, v0;
	_ =	sdelay $0x1  }
0xfd: {  	v4 =	vadd.s32 v1, v4;
	_ =	sdelay $0x4  }
0xfe: {  	[tilespmem:s30], [sflag:$0x1] =	stream.indirect_vreg.gather [hbm4b:s3+s2], $0x80, v4, vm0, $0xb8;
	[tilespmem:$0x10400] =	vst v63  }
0xff: {  	s21 =	simm.s32 $0xC00;
	v3 =	vperm.xlane v3, v2  }
0x100: {  	[tilespmem:s21], [sflag:$0x1] =	stream.indirect_vreg.gather [hbm4b:s4+s2], $0x80, v4, vm0, $0xb8;
	[tilespmem:$0x10400] =	vst v63  }
0x101: {  	s24 =	simm.s32 $0x1400;
	v3 =	vadd.s32 v1, v3  }
0x102: {  	[tilespmem:s24], [sflag:$0x1] =	stream.indirect_vreg.gather [hbm4b:s5+s2], $0x80, v4, vm0, $0xb8;
	[tilespmem:$0x10400] =	vst v63  }
0x103: {  	_ = 	snop  }
0x104: {  	[tilespmem:s9], [sflag:$0x1] =	stream.indirect_vreg.gather [hbm4b:s6+s2], $0x80, v4, vm0, $0xb8;
	[tilespmem:$0x10400] =	vst v63  }
0x105: {  	_ = 	snop  }
0x106: {  	[tilespmem:s10], [sflag:$0x1] =	stream.indirect_vreg.gather [hbm4b:s3+s2], $0x80, v3, vm0, $0xb8;
	[tilespmem:$0x10400] =	vst v63  }
0x107: {  	_ = 	snop  }
0x108: {  	[tilespmem:s11], [sflag:$0x1] =	stream.indirect_vreg.gather [hbm4b:s4+s2], $0x80, v3, vm0, $0xb8;
	[tilespmem:$0x10400] =	vst v63  }
0x109: {  	_ = 	snop  }
0x10a: {  	[tilespmem:s12], [sflag:$0x1] =	stream.indirect_vreg.gather [hbm4b:s5+s2], $0x80, v3, vm0, $0xb8;
	[tilespmem:$0x10400] =	vst v63  }
0x10b: {  	s21 =	simm.s32 $0x3C00  }
0x10c: {  	[tilespmem:s21], [sflag:$0x1] =	stream.indirect_vreg.gather [hbm4b:s6+s2], $0x80, v3, vm0, $0xb8;
	[tilespmem:$0x10400] =	vst v63  }
0x10d: {  	v3 =	vld [tilespmem:$0x210];
	_ =	sdelay $0x4  }
0x10e: {  	v57 =	vshll.u32 v3, $0x3  }
0x10f: {  	v3 =	vand.u32 $0x7, v3;
	v4 =	vand.u32 $0xFFFFFFC0, v57  }
0x110: {  	v3 =	vor.u32 v3, v4  }
0x111: {  	v4 =	vperm.xlane v3, v0;
	_ =	sdelay $0x1  }
0x112: {  	v4 =	vadd.s32 v1, v4;
	_ =	sdelay $0x3  }
0x113: {  	s24 =	simm.s32 $0x4400  }
0x114: {  	[tilespmem:s24], [sflag:$0x1] =	stream.indirect_vreg.gather [hbm4b:s3+s2], $0x80, v4, vm0, $0xb8;
	[tilespmem:$0x10400] =	vst v63  }
0x115: {  	s21 =	simm.s32 $0x4C00;
	v3 =	vperm.xlane v3, v2  }
0x116: {  	[tilespmem:s21], [sflag:$0x1] =	stream.indirect_vreg.gather [hbm4b:s4+s2], $0x80, v4, vm0, $0xb8;
	[tilespmem:$0x10400] =	vst v63  }
0x117: {  	v3 =	vadd.s32 v1, v3  }
0x118: {  	[tilespmem:s13], [sflag:$0x1] =	stream.indirect_vreg.gather [hbm4b:s5+s2], $0x80, v4, vm0, $0xb8;
	[tilespmem:$0x10400] =	vst v63  }
0x119: {  	_ = 	snop  }
0x11a: {  	[tilespmem:s14], [sflag:$0x1] =	stream.indirect_vreg.gather [hbm4b:s6+s2], $0x80, v4, vm0, $0xb8;
	[tilespmem:$0x10400] =	vst v63  }
0x11b: {  	_ = 	snop  }
0x11c: {  	[tilespmem:s15], [sflag:$0x1] =	stream.indirect_vreg.gather [hbm4b:s3+s2], $0x80, v3, vm0, $0xb8;
	[tilespmem:$0x10400] =	vst v63  }
0x11d: {  	_ = 	snop  }
0x11e: {  	[tilespmem:s16], [sflag:$0x1] =	stream.indirect_vreg.gather [hbm4b:s4+s2], $0x80, v3, vm0, $0xb8;
	[tilespmem:$0x10400] =	vst v63  }
0x11f: {  	_ = 	snop  }
0x120: {  	[tilespmem:s17], [sflag:$0x1] =	stream.indirect_vreg.gather [hbm4b:s5+s2], $0x80, v3, vm0, $0xb8;
	[tilespmem:$0x10400] =	vst v63  }
0x121: {  	_ = 	snop  }
0x122: {  	[tilespmem:s22], [sflag:$0x1] =	stream.indirect_vreg.gather [hbm4b:s6+s2], $0x80, v3, vm0, $0xb8;
	[tilespmem:$0x10400] =	vst v63  }
0x123: {  	_ =	swait.ge [sflag:s19], $0x8000  }
0x124: {  	[sflag:s19] =	ssyncset.done $0x0  }
0x125: {  	s24 =	rddreg [dreg:$0xa];
	[sflag:s19] =	ssyncadd.s32 $0xFFFF8000  }
0x126: {  	[hbm4b:s24+s2] =	stream.linear.scatter [tilespmem:s25], [sflag:$0x3], $0x8000, $0x38;
	[tilespmem:$0x10400] =	vst v63  }
0x127: {  	_ =	swait.ge [sflag:s8], $0x8000  }
0x128: {  	s21 =	rddreg [dreg:$0xb];
	[sflag:s8] =	ssyncset.done $0x0  }
0x129: {  	s24 =	rddreg [dreg:$0x16];
	[sflag:s8] =	ssyncadd.s32 $0xFFFF8000  }
0x12a: {  	[tilespmem:s24], [sflag:$0x3] =	stream.linear.gather [hbm4b:s21+s2], $0x20, $0x38;
	[tilespmem:$0x10400] =	vst v63  }
0x12b: {  	_ =	swait.ge [sflag:s8], $0x20  }
0x12c: {  	[sflag:s8] =	ssyncset.done $0x0  }
0x12d: {  	[sflag:s8] =	ssyncadd.s32 $0xFFFFFFE0  }
0x12e: {  	v3 =	vld [tilespmem:$0x280];
	_ =	sdelay $0x4  }
0x12f: {  	v58 =	vshll.u32 v3, $0x3  }
0x130: {  	v3 =	vand.u32 $0x7, v3;
	v4 =	vand.u32 $0xFFFFFFC0, v58  }
0x131: {  	v3 =	vor.u32 v3, v4  }
0x132: {  	v4 =	vperm.xlane v3, v0;
	_ =	sdelay $0x1  }
0x133: {  	v4 =	vadd.s32 v1, v4;
	_ =	sdelay $0x4  }
0x134: {  	[tilespmem:s25], [sflag:$0x2] =	stream.indirect_vreg.gather [hbm4b:s3+s2], $0x80, v4, vm0, $0xb8;
	[tilespmem:$0x10400] =	vst v63  }
0x135: {  	v3 =	vperm.xlane v3, v2  }
0x136: {  	[tilespmem:s1], [sflag:$0x2] =	stream.indirect_vreg.gather [hbm4b:s4+s2], $0x80, v4, vm0, $0xb8;
	[tilespmem:$0x10400] =	vst v63  }
0x137: {  	v3 =	vadd.s32 v1, v3  }
0x138: {  	[tilespmem:s0], [sflag:$0x2] =	stream.indirect_vreg.gather [hbm4b:s5+s2], $0x80, v4, vm0, $0xb8;
	[tilespmem:$0x10400] =	vst v63  }
0x139: {  	s24 =	simm.s32 $0x9C00  }
0x13a: {  	[tilespmem:s24], [sflag:$0x2] =	stream.indirect_vreg.gather [hbm4b:s6+s2], $0x80, v4, vm0, $0xb8;
	[tilespmem:$0x10400] =	vst v63  }
0x13b: {  	s29 =	simm.s32 $0xA400  }
0x13c: {  	[tilespmem:s29], [sflag:$0x2] =	stream.indirect_vreg.gather [hbm4b:s3+s2], $0x80, v3, vm0, $0xb8;
	[tilespmem:$0x10400] =	vst v63  }
0x13d: {  	s31 =	simm.s32 $0xAC00  }
0x13e: {  	[tilespmem:s31], [sflag:$0x2] =	stream.indirect_vreg.gather [hbm4b:s4+s2], $0x80, v3, vm0, $0xb8;
	[tilespmem:$0x10400] =	vst v63  }
0x13f: {  	s31 =	simm.s32 $0xB400  }
0x140: {  	[tilespmem:s31], [sflag:$0x2] =	stream.indirect_vreg.gather [hbm4b:s5+s2], $0x80, v3, vm0, $0xb8;
	[tilespmem:$0x10400] =	vst v63  }
0x141: {  	s21 =	simm.s32 $0xBC00  }
0x142: {  	[tilespmem:s21], [sflag:$0x2] =	stream.indirect_vreg.gather [hbm4b:s6+s2], $0x80, v3, vm0, $0xb8;
	[tilespmem:$0x10400] =	vst v63  }
0x143: {  	v3 =	vld [tilespmem:$0x290];
	_ =	sdelay $0x4  }
0x144: {  	v59 =	vshll.u32 v3, $0x3  }
0x145: {  	v3 =	vand.u32 $0x7, v3;
	v4 =	vand.u32 $0xFFFFFFC0, v59  }
0x146: {  	v3 =	vor.u32 v3, v4  }
0x147: {  	v4 =	vperm.xlane v3, v0;
	_ =	sdelay $0x1  }
0x148: {  	v4 =	vadd.s32 v1, v4;
	_ =	sdelay $0x3  }
0x149: {  	s21 =	simm.s32 $0xC400  }
0x14a: {  	[tilespmem:s21], [sflag:$0x2] =	stream.indirect_vreg.gather [hbm4b:s3+s2], $0x80, v4, vm0, $0xb8;
	[tilespmem:$0x10400] =	vst v63  }
0x14b: {  	v3 =	vperm.xlane v3, v2;
	s21 =	simm.s32 $0xCC00  }
0x14c: {  	[tilespmem:s21], [sflag:$0x2] =	stream.indirect_vreg.gather [hbm4b:s4+s2], $0x80, v4, vm0, $0xb8;
	[tilespmem:$0x10400] =	vst v63  }
0x14d: {  	s23 =	simm.s32 $0xD400;
	v3 =	vadd.s32 v1, v3  }
0x14e: {  	[tilespmem:s23], [sflag:$0x2] =	stream.indirect_vreg.gather [hbm4b:s5+s2], $0x80, v4, vm0, $0xb8;
	[tilespmem:$0x10400] =	vst v63  }
0x14f: {  	s28 =	simm.s32 $0xDC00  }
0x150: {  	[tilespmem:s28], [sflag:$0x2] =	stream.indirect_vreg.gather [hbm4b:s6+s2], $0x80, v4, vm0, $0xb8;
	[tilespmem:$0x10400] =	vst v63  }
0x151: {  	s26 =	simm.s32 $0xE400  }
0x152: {  	[tilespmem:s26], [sflag:$0x2] =	stream.indirect_vreg.gather [hbm4b:s3+s2], $0x80, v3, vm0, $0xb8;
	[tilespmem:$0x10400] =	vst v63  }
0x153: {  	s21 =	simm.s32 $0xEC00  }
0x154: {  	[tilespmem:s21], [sflag:$0x2] =	stream.indirect_vreg.gather [hbm4b:s4+s2], $0x80, v3, vm0, $0xb8;
	[tilespmem:$0x10400] =	vst v63  }
0x155: {  	s21 =	simm.s32 $0xF400  }
0x156: {  	[tilespmem:s21], [sflag:$0x2] =	stream.indirect_vreg.gather [hbm4b:s5+s2], $0x80, v3, vm0, $0xb8;
	[tilespmem:$0x10400] =	vst v63  }
0x157: {  	s21 =	simm.s32 $0xFC00  }
0x158: {  	[tilespmem:s21], [sflag:$0x2] =	stream.indirect_vreg.gather [hbm4b:s6+s2], $0x80, v3, vm0, $0xb8;
	[tilespmem:$0x10400] =	vst v63  }
0x159: {  	_ =	swait.ge [sflag:s18], $0x8000  }
0x15a: {  	[sflag:s18] =	ssyncset.done $0x0  }
0x15b: {  	s21 =	rddreg [dreg:$0xc];
	[sflag:s18] =	ssyncadd.s32 $0xFFFF8000  }
0x15c: {  	[hbm4b:s21+s2] =	stream.linear.scatter [tilespmem:s30], [sflag:$0x3], $0x8000, $0x38;
	[tilespmem:$0x10400] =	vst v63  }
0x15d: {  	_ =	swait.ge [sflag:s8], $0x8000  }
0x15e: {  	s20 =	rddreg [dreg:$0xd];
	[sflag:s8] =	ssyncset.done $0x0  }
0x15f: {  	s21 =	rddreg [dreg:$0x17];
	[sflag:s8] =	ssyncadd.s32 $0xFFFF8000  }
0x160: {  	[tilespmem:s21], [sflag:$0x3] =	stream.linear.gather [hbm4b:s20+s2], $0x20, $0x38;
	[tilespmem:$0x10400] =	vst v63  }
0x161: {  	_ =	swait.ge [sflag:s8], $0x20  }
0x162: {  	[sflag:s8] =	ssyncset.done $0x0  }
0x163: {  	[sflag:s8] =	ssyncadd.s32 $0xFFFFFFE0  }
0x164: {  	v3 =	vld [tilespmem:$0x300];
	_ =	sdelay $0x4  }
0x165: {  	v60 =	vshll.u32 v3, $0x3  }
0x166: {  	v3 =	vand.u32 $0x7, v3;
	v4 =	vand.u32 $0xFFFFFFC0, v60  }
0x167: {  	v3 =	vor.u32 v3, v4  }
0x168: {  	v4 =	vperm.xlane v3, v0;
	_ =	sdelay $0x1  }
0x169: {  	v4 =	vadd.s32 v1, v4;
	_ =	sdelay $0x4  }
0x16a: {  	[tilespmem:s30], [sflag:$0x1] =	stream.indirect_vreg.gather [hbm4b:s3+s2], $0x80, v4, vm0, $0xb8;
	[tilespmem:$0x10400] =	vst v63  }
0x16b: {  	s21 =	simm.s32 $0xC00;
	v3 =	vperm.xlane v3, v2  }
0x16c: {  	[tilespmem:s21], [sflag:$0x1] =	stream.indirect_vreg.gather [hbm4b:s4+s2], $0x80, v4, vm0, $0xb8;
	[tilespmem:$0x10400] =	vst v63  }
0x16d: {  	v3 =	vadd.s32 v1, v3;
	s21 =	simm.s32 $0x1400  }
0x16e: {  	[tilespmem:s21], [sflag:$0x1] =	stream.indirect_vreg.gather [hbm4b:s5+s2], $0x80, v4, vm0, $0xb8;
	[tilespmem:$0x10400] =	vst v63  }
0x16f: {  	s9 =	simm.s32 $0x1C00  }
0x170: {  	[tilespmem:s9], [sflag:$0x1] =	stream.indirect_vreg.gather [hbm4b:s6+s2], $0x80, v4, vm0, $0xb8;
	[tilespmem:$0x10400] =	vst v63  }
0x171: {  	s10 =	simm.s32 $0x2400  }
0x172: {  	[tilespmem:s10], [sflag:$0x1] =	stream.indirect_vreg.gather [hbm4b:s3+s2], $0x80, v3, vm0, $0xb8;
	[tilespmem:$0x10400] =	vst v63  }
0x173: {  	s11 =	simm.s32 $0x2C00  }
0x174: {  	[tilespmem:s11], [sflag:$0x1] =	stream.indirect_vreg.gather [hbm4b:s4+s2], $0x80, v3, vm0, $0xb8;
	[tilespmem:$0x10400] =	vst v63  }
0x175: {  	s12 =	simm.s32 $0x3400  }
0x176: {  	[tilespmem:s12], [sflag:$0x1] =	stream.indirect_vreg.gather [hbm4b:s5+s2], $0x80, v3, vm0, $0xb8;
	[tilespmem:$0x10400] =	vst v63  }
0x177: {  	s10 =	simm.s32 $0x3C00  }
0x178: {  	[tilespmem:s10], [sflag:$0x1] =	stream.indirect_vreg.gather [hbm4b:s6+s2], $0x80, v3, vm0, $0xb8;
	[tilespmem:$0x10400] =	vst v63  }
0x179: {  	v3 =	vld [tilespmem:$0x310];
	_ =	sdelay $0x4  }
0x17a: {  	v61 =	vshll.u32 v3, $0x3  }
0x17b: {  	v3 =	vand.u32 $0x7, v3;
	v4 =	vand.u32 $0xFFFFFFC0, v61  }
0x17c: {  	v3 =	vor.u32 v3, v4  }
0x17d: {  	v4 =	vperm.xlane v3, v0;
	_ =	sdelay $0x1  }
0x17e: {  	v4 =	vadd.s32 v1, v4;
	_ =	sdelay $0x3  }
0x17f: {  	s11 =	simm.s32 $0x4400  }
0x180: {  	[tilespmem:s11], [sflag:$0x1] =	stream.indirect_vreg.gather [hbm4b:s3+s2], $0x80, v4, vm0, $0xb8;
	[tilespmem:$0x10400] =	vst v63  }
0x181: {  	s12 =	simm.s32 $0x4C00;
	v3 =	vperm.xlane v3, v2  }
0x182: {  	[tilespmem:s12], [sflag:$0x1] =	stream.indirect_vreg.gather [hbm4b:s4+s2], $0x80, v4, vm0, $0xb8;
	[tilespmem:$0x10400] =	vst v63  }
0x183: {  	s13 =	simm.s32 $0x5400;
	v3 =	vadd.s32 v1, v3  }
0x184: {  	[tilespmem:s13], [sflag:$0x1] =	stream.indirect_vreg.gather [hbm4b:s5+s2], $0x80, v4, vm0, $0xb8;
	[tilespmem:$0x10400] =	vst v63  }
0x185: {  	s14 =	simm.s32 $0x5C00  }
0x186: {  	[tilespmem:s14], [sflag:$0x1] =	stream.indirect_vreg.gather [hbm4b:s6+s2], $0x80, v4, vm0, $0xb8;
	[tilespmem:$0x10400] =	vst v63  }
0x187: {  	s15 =	simm.s32 $0x6400  }
0x188: {  	[tilespmem:s15], [sflag:$0x1] =	stream.indirect_vreg.gather [hbm4b:s3+s2], $0x80, v3, vm0, $0xb8;
	[tilespmem:$0x10400] =	vst v63  }
0x189: {  	s16 =	simm.s32 $0x6C00  }
0x18a: {  	[tilespmem:s16], [sflag:$0x1] =	stream.indirect_vreg.gather [hbm4b:s4+s2], $0x80, v3, vm0, $0xb8;
	[tilespmem:$0x10400] =	vst v63  }
0x18b: {  	s17 =	simm.s32 $0x7400  }
0x18c: {  	[tilespmem:s17], [sflag:$0x1] =	stream.indirect_vreg.gather [hbm4b:s5+s2], $0x80, v3, vm0, $0xb8;
	[tilespmem:$0x10400] =	vst v63  }
0x18d: {  	s22 =	simm.s32 $0x7C00  }
0x18e: {  	[tilespmem:s22], [sflag:$0x1] =	stream.indirect_vreg.gather [hbm4b:s6+s2], $0x80, v3, vm0, $0xb8;
	[tilespmem:$0x10400] =	vst v63  }
0x18f: {  	_ =	swait.ge [sflag:s19], $0x8000  }
0x190: {  	[sflag:s19] =	ssyncset.done $0x0  }
0x191: {  	s14 =	rddreg [dreg:$0xe];
	[sflag:s19] =	ssyncadd.s32 $0xFFFF8000  }
0x192: {  	[hbm4b:s14+s2] =	stream.linear.scatter [tilespmem:s25], [sflag:$0x3], $0x8000, $0x38;
	[tilespmem:$0x10400] =	vst v63  }
0x193: {  	_ =	swait.ge [sflag:s8], $0x8000  }
0x194: {  	s15 =	rddreg [dreg:$0xf];
	[sflag:s8] =	ssyncset.done $0x0  }
0x195: {  	s16 =	rddreg [dreg:$0x18];
	[sflag:s8] =	ssyncadd.s32 $0xFFFF8000  }
0x196: {  	[tilespmem:s16], [sflag:$0x3] =	stream.linear.gather [hbm4b:s15+s2], $0x20, $0x38;
	[tilespmem:$0x10400] =	vst v63  }
0x197: {  	_ =	swait.ge [sflag:s8], $0x20  }
0x198: {  	[sflag:s8] =	ssyncset.done $0x0  }
0x199: {  	[sflag:s8] =	ssyncadd.s32 $0xFFFFFFE0  }
0x19a: {  	v3 =	vld [tilespmem:$0x380];
	_ =	sdelay $0x4  }
0x19b: {  	v62 =	vshll.u32 v3, $0x3  }
0x19c: {  	v3 =	vand.u32 $0x7, v3;
	v4 =	vand.u32 $0xFFFFFFC0, v62  }
0x19d: {  	v3 =	vor.u32 v3, v4  }
0x19e: {  	v4 =	vperm.xlane v3, v0;
	_ =	sdelay $0x1  }
0x19f: {  	v4 =	vadd.s32 v1, v4;
	_ =	sdelay $0x4  }
0x1a0: {  	[tilespmem:s25], [sflag:$0x2] =	stream.indirect_vreg.gather [hbm4b:s3+s2], $0x80, v4, vm0, $0xb8;
	[tilespmem:$0x10400] =	vst v63  }
0x1a1: {  	s1 =	simm.s32 $0x8C00;
	v3 =	vperm.xlane v3, v2  }
0x1a2: {  	[tilespmem:s1], [sflag:$0x2] =	stream.indirect_vreg.gather [hbm4b:s4+s2], $0x80, v4, vm0, $0xb8;
	[tilespmem:$0x10400] =	vst v63  }
0x1a3: {  	s0 =	simm.s32 $0x9400;
	v3 =	vadd.s32 v1, v3  }
0x1a4: {  	[tilespmem:s0], [sflag:$0x2] =	stream.indirect_vreg.gather [hbm4b:s5+s2], $0x80, v4, vm0, $0xb8;
	[tilespmem:$0x10400] =	vst v63  }
0x1a5: {  	s17 =	simm.s32 $0x9C00  }
0x1a6: {  	[tilespmem:s17], [sflag:$0x2] =	stream.indirect_vreg.gather [hbm4b:s6+s2], $0x80, v4, vm0, $0xb8;
	[tilespmem:$0x10400] =	vst v63  }
0x1a7: {  	s24 =	simm.s32 $0xA400  }
0x1a8: {  	[tilespmem:s24], [sflag:$0x2] =	stream.indirect_vreg.gather [hbm4b:s3+s2], $0x80, v3, vm0, $0xb8;
	[tilespmem:$0x10400] =	vst v63  }
0x1a9: {  	s29 =	simm.s32 $0xAC00  }
0x1aa: {  	[tilespmem:s29], [sflag:$0x2] =	stream.indirect_vreg.gather [hbm4b:s4+s2], $0x80, v3, vm0, $0xb8;
	[tilespmem:$0x10400] =	vst v63  }
0x1ab: {  	s31 =	simm.s32 $0xB400  }
0x1ac: {  	[tilespmem:s31], [sflag:$0x2] =	stream.indirect_vreg.gather [hbm4b:s5+s2], $0x80, v3, vm0, $0xb8;
	[tilespmem:$0x10400] =	vst v63  }
0x1ad: {  	s20 =	simm.s32 $0xBC00  }
0x1ae: {  	[tilespmem:s20], [sflag:$0x2] =	stream.indirect_vreg.gather [hbm4b:s6+s2], $0x80, v3, vm0, $0xb8;
	[tilespmem:$0x10400] =	vst v63  }
0x1af: {  	v3 =	vld [tilespmem:$0x390];
	_ =	sdelay $0x4  }
0x1b0: {  	v63 =	vshll.u32 v3, $0x3  }
0x1b1: {  	v3 =	vand.u32 $0x7, v3;
	v4 =	vand.u32 $0xFFFFFFC0, v63  }
0x1b2: {  	v3 =	vor.u32 v3, v4  }
0x1b3: {  	v4 =	vperm.xlane v3, v0;
	_ =	sdelay $0x1  }
0x1b4: {  	v4 =	vadd.s32 v1, v4;
	_ =	sdelay $0x3  }
0x1b5: {  	s21 =	simm.s32 $0xC400  }
0x1b6: {  	[tilespmem:s21], [sflag:$0x2] =	stream.indirect_vreg.gather [hbm4b:s3+s2], $0x80, v4, vm0, $0xb8;
	[tilespmem:$0x10400] =	vst v63  }
0x1b7: {  	s22 =	simm.s32 $0xCC00;
	v3 =	vperm.xlane v3, v2  }
0x1b8: {  	[tilespmem:s22], [sflag:$0x2] =	stream.indirect_vreg.gather [hbm4b:s4+s2], $0x80, v4, vm0, $0xb8;
	[tilespmem:$0x10400] =	vst v63  }
0x1b9: {  	s23 =	simm.s32 $0xD400;
	v3 =	vadd.s32 v1, v3  }
0x1ba: {  	[tilespmem:s23], [sflag:$0x2] =	stream.indirect_vreg.gather [hbm4b:s5+s2], $0x80, v4, vm0, $0xb8;
	[tilespmem:$0x10400] =	vst v63  }
0x1bb: {  	s28 =	simm.s32 $0xDC00  }
0x1bc: {  	[tilespmem:s28], [sflag:$0x2] =	stream.indirect_vreg.gather [hbm4b:s6+s2], $0x80, v4, vm0, $0xb8;
	[tilespmem:$0x10400] =	vst v63  }
0x1bd: {  	s26 =	simm.s32 $0xE400  }
0x1be: {  	[tilespmem:s26], [sflag:$0x2] =	stream.indirect_vreg.gather [hbm4b:s3+s2], $0x80, v3, vm0, $0xb8;
	[tilespmem:$0x10400] =	vst v63  }
0x1bf: {  	s24 =	simm.s32 $0xEC00  }
0x1c0: {  	[tilespmem:s24], [sflag:$0x2] =	stream.indirect_vreg.gather [hbm4b:s4+s2], $0x80, v3, vm0, $0xb8;
	[tilespmem:$0x10400] =	vst v63  }
0x1c1: {  	s26 =	simm.s32 $0xF400  }
0x1c2: {  	[tilespmem:s26], [sflag:$0x2] =	stream.indirect_vreg.gather [hbm4b:s5+s2], $0x80, v3, vm0, $0xb8;
	[tilespmem:$0x10400] =	vst v63  }
0x1c3: {  	s28 =	simm.s32 $0xFC00  }
0x1c4: {  	[tilespmem:s28], [sflag:$0x2] =	stream.indirect_vreg.gather [hbm4b:s6+s2], $0x80, v3, vm0, $0xb8;
	[tilespmem:$0x10400] =	vst v63  }
0x1c5: {  	_ =	swait.ge [sflag:s18], $0x8000  }
0x1c6: {  	[sflag:s18] =	ssyncset.done $0x0  }
0x1c7: {  	s29 =	rddreg [dreg:$0x10];
	[sflag:s18] =	ssyncadd.s32 $0xFFFF8000  }
0x1c8: {  	[hbm4b:s29+s2] =	stream.linear.scatter [tilespmem:s30], [sflag:$0x3], $0x8000, $0x38;
	[tilespmem:$0x10400] =	vst v63  }
0x1c9: {  	_ =	swait.ge [sflag:s8], $0x8000  }
0x1ca: {  	[sflag:s8] =	ssyncset.done $0x0  }
0x1cb: {  	[sflag:s8] =	ssyncadd.s32 $0xFFFF8000  }
0x1cc: {  	_ =	swait.ge [sflag:s19], $0x8000  }
0x1cd: {  	p0 =	sne.s32 s7, $0x1;
	[sflag:s19] =	ssyncset.done $0x0  }
.Ltmp0:
0x1ce: {  	s31 =	rddreg [dreg:$0x11];
	[sflag:s19] =	ssyncadd.s32 $0xFFFF8000;
	(pc) =	sbr.rel @p0 .LBB2_1-.Ltmp0, $4  }
0x1cf: {  	[hbm4b:s31+s2] =	stream.linear.scatter [tilespmem:s25], [sflag:$0x3], $0x8000, $0x38;
	[tilespmem:$0x10400] =	vst v63  }
0x1d0: {  	_ =	swait.ge [sflag:s8], $0x8000  }
0x1d1: {  	[sflag:s8] =	ssyncset.done $0x0  }
0x1d2: {  	s7 =	sadd.s32 $0xFFFFFFFF, s7;
	[sflag:s8] =	ssyncadd.s32 $0xFFFF8000  }
0x1d3: {  	_ =	sfence.sel $0x180000  }
0x1d4: {  	[bflag:$0x0] =	sbarrier.arrive $0xFFFF  }
0x1d5: {  	_ =	strace $0x9000004A  }
0x1d6: {  	s0 =	stileid.u32;
	[bflag:$0x2] =	sbarrier.arrive $0xFFFF  }
0x1d7: {  	p0 =	sne.s32 s0, $0x0;
	s0 =	rddreg [dreg:$0x1]  }
0x1d8: {  	s0 =	sadd.s32 @!p0 $0x100000, s0  }
0x1d9: {  	[sflag:s0] =	ssyncadd.tile.s32 @!p0 $0x1;
	_ =	shalt  }
.Lfunc_end2:
_tile_overlayer_lowered:
.L_overlay_start_2:
0x1da: {  	(tag) =	ssettag $0x2  }
0x1db: {  	s0 =	rddreg [dreg:$0x0];
	s2 =	stileid.u32  }
0x1dc: {  	s1 =	rddreg [dreg:$0x1];
	p0 =	sne.s32 s2, $0x0  }
0x1dd: {  	s3 =	rddreg [dreg:$0x2];
	[bflag:$0x3] =	sbarrier.arrive $0xFFFF;
	s2 =	simm.s32 @!p0 $0x1C03  }
0x1de: {  	[timem:s3], [sflag:s2] =	dma.local @!p0 [hbm:s0], s1  }
0x1df: {  	s0 =	simm.s32 @!p0 $0x3  }
0x1e0: {  	_ =	swait.ge @!p0 [sflag:s0], s1  }
0x1e1: {  	s1 =	ssub.s32 @!p0 $0x0, s1;
	[sflag:s0] =	ssyncset.done @!p0 $0x0  }
0x1e2: {  	[sflag:s0] =	ssyncadd.s32 @!p0 s1  }
0x1e3: {  	[bflag:$0x3] =	sbarrier.arrive $0xFFFF  }
0x1e4: {  	_ =	shalt  }

// kernel: _run.7.cloned.1.call-start
scs
__scs_entry_jumppad:
0x0: {  	(pc) =	sbr.rel $0x88, $3  }
0x1: {  	(tag) =	ssettag $0x0;
	lr =	simm.s32 $0x1  }
0x2: {  	[smem:$0x3F92] =	sst lr;
	_ =	strace $0xD0000000  }
0x3: {  	_ = 	snop  }
0x4: {  	_ = 	snop  }
0x5: {  	_ = 	snop  }
0x6: {  	_ = 	snop  }
0x7: {  	_ = 	snop  }
__scs_overlays_trampoline_lowered:
0x8: {  	[smem:$0x3FA1] =	sst s0  }
0x9: {  	[smem:$0x3FA2] =	sst s1  }
0xa: {  	[smem:$0x3FA3] =	sst s2  }
0xb: {  	[smem:$0x3FA4] =	sst s3  }
0xc: {  	[smem:$0x3FA5] =	sst s4  }
0xd: {  	[smem:$0x3FA6] =	sst s5  }
0xe: {  	[smem:$0x3FA7] =	sst s6  }
0xf: {  	[smem:$0x3FA8] =	sst s7  }
0x10: {  	[smem:$0x3FA9] =	sst s8  }
0x11: {  	[smem:$0x3FAA] =	sst s9;
	s0 =	simm.s32 @!p0 $0x0  }
0x12: {  	s1 =	sld [smem:$0x3F90];
	s0 =	simm.s32 @p0 $0x1  }
0x13: {  	[smem:$0x3FAB] =	sst s0;
	s0 =	simm.s32 @!p1 $0x0  }
0x14: {  	s2 =	sld [smem:$0x3F8F];
	s0 =	simm.s32 @p1 $0x1  }
0x15: {  	[smem:$0x3FAC] =	sst s0;
	s0 =	simm.s32 @!p2 $0x0  }
0x16: {  	s3 =	sld [smem:$0x3FDB];
	s0 =	simm.s32 @p2 $0x1  }
0x17: {  	s4 =	simm.s32 $0x1BF5;
	[smem:$0x3FAE] =	sst s0  }
0x18: {  	s0 =	sld [smem:$0x3F91];
	_ =	swait.ge [sflag:s4], $0x0  }
0x19: {  	s7 =	sld [smem:$0x3F92]  }
0x1a: {  	s8 =	sadd.s32 $0xFFFFE003, lr  }
0x1b: {  	s9 =	sadd.s32 $0xFFFFFEF7, lr;
	s5 =	simm.s32 $0xFFFFFFFF;
	p2 =	slt.u32 s8, $0xFFFFF086  }
0x1c: {  	p1 =	slt.u32 s9, $0xF7A;
	s5 =	simm.s32 @!p2 $0x0  }
0x1d: {  	s5 =	simm.s32 @p1 $0x1;
	p0 =	seq.s32 s7, s2  }
0x1e: {  	s7 =	smul.u32 @!p0 $0xF7A, s2;
	p2 =	seq.s32 @!p0 s5, $0x0  }
0x1f: {  	s9 =	smul.u32 $0xF7A, s1;
	s8 =	simm.s32 @!p0 $0x1BF5;
	p2 =	por !p2, p0  }
0x20: {  	[sflag:s8] =	ssyncset.s32 @!p0 $0xFFFFF086;
	s6 =	sadd.s32 @!p0 s3, s7;
	s7 =	simm.s32 @!p0 $0x108  }
0x21: {  	s3 =	sadd.s32 s3, s9;
	s6 =	sadd.s32 @!p0 $0x88, s6;
	s7 =	simm.s32 @p2 $0x1082  }
0x22: {  	[simem:s7], [sflag:s8] =	dma.local @!p0 [hbm:s6], $0xF7A  }
0x23: {  	s9 =	sor.u32 $0xD0000000, s2;
	s6 =	simm.s32 $0x108;
	_ =	swait.ge @!p0 [sflag:s8], $0x0  }
0x24: {  	s3 =	sadd.s32 $0x88, s3;
	s6 =	simm.s32 @!p1 $0x1082;
	[sflag:s4] =	ssyncset.s32 $0xFFFFF086  }
0x25: {  	[simem:s6], [sflag:s4] =	dma.local [hbm:s3], $0xF7A  }
0x26: {  	[smem:$0x3F92] =	sst s1;
	(tag) =	ssettag s2;
	_ =	strace s9  }
0x27: {  	s1 =	sld [smem:$0x3FA2]  }
0x28: {  	s2 =	sld [smem:$0x3FA3]  }
0x29: {  	s4 =	sld [smem:$0x3FA5]  }
0x2a: {  	p0 =	seq.s32 s5, $0x0;
	s5 =	sld [smem:$0x3FA6]  }
0x2b: {  	s6 =	sld [smem:$0x3FA7]  }
0x2c: {  	s7 =	sld [smem:$0x3FA8]  }
0x2d: {  	s3 =	simm.s32 $0x108;
	s8 =	sld [smem:$0x3FA9]  }
0x2e: {  	s3 =	simm.s32 @!p0 $0x1082;
	s9 =	sld [smem:$0x3FAA]  }
0x2f: {  	lr =	sadd.s32 s0, s3;
	s0 =	sld [smem:$0x3FA1]  }
0x30: {  	s3 =	sld [smem:$0x3FA4]  }
0x31: {  	[smem:$0x3FAD] =	sst s10  }
0x32: {  	s10 =	sld [smem:$0x3FAB];
	_ =	sdelay $0x3  }
0x33: {  	p0 =	seq.s32 s10, $0x1;
	s10 =	sld [smem:$0x3FAD];
	_ =	sdelay $0x3  }
0x34: {  	[smem:$0x3FAD] =	sst s10  }
0x35: {  	s10 =	sld [smem:$0x3FAC];
	_ =	sdelay $0x3  }
0x36: {  	p1 =	seq.s32 s10, $0x1;
	s10 =	sld [smem:$0x3FAD];
	_ =	sdelay $0x3  }
0x37: {  	[smem:$0x3FAD] =	sst s10  }
0x38: {  	s10 =	sld [smem:$0x3FAE]  }
0x39: {  	_ = 	snop;
	(pc) =	sbr.ind lr, $3  }
0x3a: {  	_ = 	snop  }
0x3b: {  	_ = 	snop  }
0x3c: {  	p2 =	seq.s32 s10, $0x1;
	s10 =	sld [smem:$0x3FAD]  }
0x3d: {  	_ =	shalt  }
0x3e: {  	_ =	shalt  }
0x3f: {  	_ =	shalt  }
0x40: {  	_ =	shalt  }
0x41: {  	_ =	shalt  }
0x42: {  	_ =	shalt  }
0x43: {  	_ =	shalt  }
0x44: {  	_ =	shalt  }
0x45: {  	_ =	shalt  }
0x46: {  	_ =	shalt  }
0x47: {  	_ =	shalt  }
0x48: {  	_ =	shalt  }
0x49: {  	_ =	shalt  }
0x4a: {  	_ =	shalt  }
0x4b: {  	_ =	shalt  }
0x4c: {  	_ =	shalt  }
0x4d: {  	_ =	shalt  }
0x4e: {  	_ =	shalt  }
0x4f: {  	_ =	shalt  }
0x50: {  	_ =	shalt  }
0x51: {  	_ =	shalt  }
0x52: {  	_ =	shalt  }
0x53: {  	_ =	shalt  }
0x54: {  	_ =	shalt  }
0x55: {  	_ =	shalt  }
0x56: {  	_ =	shalt  }
0x57: {  	_ =	shalt  }
0x58: {  	_ =	shalt  }
0x59: {  	_ =	shalt  }
0x5a: {  	_ =	shalt  }
0x5b: {  	_ =	shalt  }
0x5c: {  	_ =	shalt  }
0x5d: {  	_ =	shalt  }
0x5e: {  	_ =	shalt  }
0x5f: {  	_ =	shalt  }
0x60: {  	_ =	shalt  }
0x61: {  	_ =	shalt  }
0x62: {  	_ =	shalt  }
0x63: {  	_ =	shalt  }
0x64: {  	_ =	shalt  }
0x65: {  	_ =	shalt  }
0x66: {  	_ =	shalt  }
0x67: {  	_ =	shalt  }
0x68: {  	_ =	shalt  }
0x69: {  	_ =	shalt  }
0x6a: {  	_ =	shalt  }
0x6b: {  	_ =	shalt  }
0x6c: {  	_ =	shalt  }
0x6d: {  	_ =	shalt  }
0x6e: {  	_ =	shalt  }
0x6f: {  	_ =	shalt  }
0x70: {  	_ =	shalt  }
0x71: {  	_ =	shalt  }
0x72: {  	_ =	shalt  }
0x73: {  	_ =	shalt  }
0x74: {  	_ =	shalt  }
0x75: {  	_ =	shalt  }
0x76: {  	_ =	shalt  }
0x77: {  	_ =	shalt  }
0x78: {  	_ =	shalt  }
0x79: {  	_ =	shalt  }
0x7a: {  	_ =	shalt  }
0x7b: {  	_ =	shalt  }
0x7c: {  	_ =	shalt  }
0x7d: {  	_ =	shalt  }
0x7e: {  	_ =	shalt  }
0x7f: {  	_ =	shalt  }
0x80: {  	_ =	shalt  }
0x81: {  	_ =	shalt  }
0x82: {  	_ =	shalt  }
0x83: {  	_ =	shalt  }
0x84: {  	_ =	shalt  }
0x85: {  	_ =	shalt  }
0x86: {  	_ =	shalt  }
0x87: {  	_ =	shalt  }
.Lfunc_end0:
.L_simem_size_0:
called_computation_lowered:
.L_overlay_start_0:
0x88: {  	s2 =	sld [smem:$0x3FD9]  }
0x89: {  	s3 =	sld [smem:$0x3FFE];
	_ =	sdelay $0x1  }
0x8a: {  	s1 =	srdreg.scid  }
0x8b: {  	s0 =	sand.u32 $0x1, s1  }
0x8c: {  	s17 =	sshll.u32 s0, $0xA;
	s2 =	sadd.s32 s3, s2  }
0x8d: {  	s2 =	sadd.s32 s2, s17  }
0x8e: {  	[smem:$0x3FB9] =	sst s2  }
0x8f: {  	_ = 	snop  }
0x90: {  	s2 =	sld [smem:$0x3FD0];
	(tm) =	ssettm $0x1  }
0x91: {  	s18 =	sld [smem:$0x3FFB];
	_ =	sdelay $0x3  }
0x92: {  	_ =	strace s18  }
0x93: {  	s3 =	sld [smem:$0x3FFC];
	_ =	sdelay $0x3  }
0x94: {  	_ =	strace s3  }
0x95: {  	s3 =	sld [smem:$0x3FFD];
	_ =	sdelay $0x3  }
0x96: {  	_ =	strace s3  }
0x97: {  	_ =	strace $0x8FFFFFFF  }
0x98: {  	s19 =	sld [smem:$0x3FDB];
	_ =	sdelay $0x1  }
0x99: {  	s4 =	simm.s32 $_scs_section_size  }
0x9a: {  	s5 =	simm.s32 $_size__tile_overlayer_lowered;
	s6 =	simm.s32 $_tile_overlayer_lowered  }
0x9b: {  	s22 =	simm.s32 $0x1BFF;
	s21 =	sshll.u32 s6, $0x1;
	s3 =	sadd.s32 s4, s19  }
0x9c: {  	s7 =	simm.s32 $0x0;
	s20 =	sshll.u32 s5, $0x1;
	s5 =	sadd.s32 s21, s3  }
0x9d: {  	[timem:s7], [sflag:s22] =	dma.local [hbm:s5], s20  }
0x9e: {  	_ =	swait.ge [sflag:s22], s20  }
0x9f: {  	s4 =	ssub.s32 $0x0, s20;
	[sflag:s22] =	ssyncset.done $0x0  }
0xa0: {  	[sflag:s22] =	ssyncadd.s32 s4;
	_ =	sdelay $0x1  }
0xa1: {  	s23 =	simm.s32 $0x1B8B  }
0xa2: {  	_ =	swait.ge [sflag:s23], $0x1  }
0xa3: {  	[sflag:s23] =	ssyncset.done $0x0  }
0xa4: {  	s25 =	simm.s32 $0x1B8E;
	s24 =	sld [smem:$0x3FFE];
	[sflag:s23] =	ssyncadd.s32 $0xFFFFFFFF  }
0xa5: {  	s26 =	simm.s32 $execute0_lowered;
	[smem:$0x3FD2] =	sst s25  }
0xa6: {  	s5 =	sshll.u32 s26, $0x1;
	_ =	strace $0x80000046;
	[dreg:$0x1] =	wrdreg $0xFFFFFFFF  }
0xa7: {  	s28 =	simm.s32 $_size_execute0_lowered;
	s3 =	sadd.s32 s3, s5;
	[dreg:$0x0] =	wrdreg $0x0  }
0xa8: {  	s5 =	sshll.u32 s28, $0x1;
	[dreg:$0x2] =	wrdreg s3  }
0xa9: {  	[dreg:$0x3] =	wrdreg s5  }
0xaa: {  	[dreg:$0x4] =	wrdreg $0xC0  }
0xab: {  	_ =	task [dreg:s7], $0x5FFFF  }
0xac: {  	[dreg:$0x1] =	wrdreg $0xFFFFFFFF  }
0xad: {  	[dreg:$0x0] =	wrdreg $0x60  }
0xae: {  	[dreg:$0x2] =	wrdreg s2  }
0xaf: {  	[dreg:$0x3] =	wrdreg s24  }
0xb0: {  	[dreg:$0x4] =	wrdreg $0x9  }
0xb1: {  	_ =	task.clear_ibuf [dreg:s7], $0x5FFFF;
	_ =	strace $0x90000046  }
0xb2: {  	s29 =	simm.s32 $0x9;
	_ =	strace $0x80000048  }
0xb3: {  	_ =	swait.ge [sflag:s29], $0x1  }
0xb4: {  	[sflag:s29] =	ssyncadd.s32 $0xFFFFFFFF  }
0xb5: {  	_ =	strace $0x90000048  }
0xb6: {  	_ =	sfence  }
0xb7: {  	s30 =	sld [smem:$0x0];
	_ =	sdelay $0x2  }
0xb8: {  	s31 =	sshll.u32 s1, $0xD;
	s1 =	sshrl.u32 s1, $0x2  }
0xb9: {  	s3 =	sand.u32 $0x4000, s31;
	s1 =	sadd.s32 s1, s30  }
0xba: {  	s0 =	sor.u32 s3, s0;
	s1 =	sshll.u32 s1, $0x11  }
0xbb: {  	s0 =	sor.u32 s1, s0  }
0xbc: {  	s0 =	sadd.s32 $0x8F2B, s0  }
0xbd: {  	[sflag:s0] =	ssyncadd.remote.s32 $0x1  }
0xbe: {  	_ =	sfence.sel $0xFFFF  }
0xbf: {  	[dreg:$0x0] =	wrdreg $0xFFFFFFFF;
	(pc) =	sbr.abs _section_cstart, $3  }
0xc0: {  	[dreg:$0x1] =	wrdreg $0xFFFFFFFF  }
0xc1: {  	_ =	task.clear_ibuf [dreg:s7], $0x2FFFF;
	_ =	strace $0x9FFFFFFF  }
0xc2: {  	(tm) =	ssettm $0x7FFFFFFF  }
0xc3: {  	_ =	shalt  }
tec
execute0_lowered:
.L_overlay_start_1:
0x0: {  	(tag) =	ssettag $0x1  }
0x1: {  	s1 =	srdreg.scid;
	s4 =	rddreg [dreg:$0x0]  }
0x2: {  	s0 =	stileid.u32;
	s6 =	rddreg [dreg:$0x1];
	s2 =	simm.s32 $0x0  }
0x3: {  	s11 =	simm.s32 $0x100;
	s12 =	simm.s32 $0x3;
	s13 =	simm.s32 $0x80  }
0x4: {  	s14 =	simm.s32 $0x900;
	s15 =	simm.s32 $0x1100;
	s16 =	simm.s32 $0x1900  }
0x5: {  	s17 =	simm.s32 $0x2100;
	s18 =	simm.s32 $0x2900;
	s19 =	simm.s32 $0x3100  }
0x6: {  	s20 =	simm.s32 $0x3900;
	s21 =	simm.s32 $0x4100;
	s22 =	simm.s32 $0x4900  }
0x7: {  	s23 =	simm.s32 $0x5100;
	s24 =	simm.s32 $0x5900;
	s28 =	simm.s32 $0x7100  }
0x8: {  	s29 =	simm.s32 $0x7900;
	s30 =	simm.s32 $0x1;
	s31 =	simm.s32 $0x2  }
0x9: {  	s3 =	sand.u32 $0x1, s1;
	s5 =	sshll.u32 s0, $0x8;
	[smem:$0x7FF] =	sst s2  }
0xa: {  	s7 =	sshll.u32 s3, $0x7;
	_ =	strace $0x80000047;
	s25 =	ssub.s32 $0x2, s3  }
0xb: {  	s3 =	sadd.s32 $0x2400, s6;
	s5 =	sor.u32 s7, s5;
	s8 =	sshrl.u32 s25, $0x1  }
0xc: {  	s7 =	sshrl.u32 s5, $0x2;
	s5 =	sshll.u32 s5, $0x6;
	s10 =	ssub.s32 s25, s8  }
0xd: {  	s25 =	simm.s32 $0x6100;
	s9 =	sadd.s32 s7, s6;
	s4 =	sadd.s32 s4, s5  }
0xe: {  	v2 =	vlaneseq.u32;
	s6 =	sadd.s32 $0x2500, s6;
	s10 =	smax.u32 s10, $0x1;
	s26 =	sadd.s32 $0x2000, s9  }
0xf: {  	vm0 =	vmmov $0xffff;
	v1 =	vshrl.u32 v2, $0x3;
	s5 =	sadd.s32 $0x2010, s9;
	s7 =	sadd.s32 $0x1000, s4;
	s8 =	sadd.s32 $0x2008, s9  }
0x10: {  	v0 =	vand.u32 $0x7, v2;
	v2 =	vor.u32 $0x8, v2;
	v1 =	vmul.u32 $0x8, v1;
	s9 =	sadd.s32 $0x2018, s9;
	[dreg:$0x3] =	wrdreg s26;
	s26 =	simm.s32 $0x6900  }
.LBB2_1:
0x11: {  	[tilespmem:s11], [sflag:$0x3] =	stream.linear.gather [hbm4b:s4+s2], $0x8000, $0x38;
	[tilespmem:$0x8100] =	vst v63  }
0x12: {  	_ =	swait.ge [sflag:s12], $0x8000  }
0x13: {  	[sflag:s12] =	ssyncset.done $0x0  }
0x14: {  	s1 =	rddreg [dreg:$0x3];
	[sflag:s12] =	ssyncadd.s32 $0xFFFF8000  }
0x15: {  	[tilespmem:s2], [sflag:$0x3] =	stream.linear.gather [hbm4b:s1+s2], $0x40, $0x38;
	[tilespmem:$0x8100] =	vst v63  }
0x16: {  	_ =	swait.ge [sflag:s12], $0x40  }
0x17: {  	[sflag:s12] =	ssyncset.done $0x0  }
0x18: {  	[sflag:s12] =	ssyncadd.s32 $0xFFFFFFC0  }
0x19: {  	[tilespmem:s13], [sflag:$0x3] =	stream.linear.gather [hbm4b:s5+s2], $0x40, $0x38;
	[tilespmem:$0x8100] =	vst v63  }
0x1a: {  	_ =	swait.ge [sflag:s12], $0x40  }
0x1b: {  	[sflag:s12] =	ssyncset.done $0x0  }
0x1c: {  	[sflag:s12] =	ssyncadd.s32 $0xFFFFFFC0  }
0x1d: {  	v3 =	vld [tilespmem:$0x0];
	_ =	sdelay $0x4  }
0x1e: {  	v4 =	vshll.u32 v3, $0x2  }
0x1f: {  	v3 =	vand.u32 $0x7, v3;
	v4 =	vand.u32 $0xFFFFFFE0, v4  }
0x20: {  	v3 =	vor.u32 v3, v4  }
0x21: {  	v4 =	vperm.xlane v3, v0;
	_ =	sdelay $0x1  }
0x22: {  	v4 =	vadd.s32 v1, v4;
	_ =	sdelay $0x1  }
0x23: {  	v3 =	vperm.xlane v3, v2;
	_ =	sdelay $0x1  }
0x24: {  	v3 =	vadd.s32 v1, v3  }
0x25: {  	[hbm4b:s3+s2] =	stream.indirect_vreg.scatter [tilespmem:s11], [sflag:$0x1], $0x80, v4, vm0, $0xb8;
	[tilespmem:$0x8100] =	vst v63  }
0x26: {  	_ = 	snop  }
0x27: {  	[hbm4b:s6+s2] =	stream.indirect_vreg.scatter [tilespmem:s14], [sflag:$0x1], $0x80, v4, vm0, $0xb8;
	[tilespmem:$0x8100] =	vst v63  }
0x28: {  	_ = 	snop  }
0x29: {  	[hbm4b:s3+s2] =	stream.indirect_vreg.scatter [tilespmem:s15], [sflag:$0x1], $0x80, v3, vm0, $0xb8;
	[tilespmem:$0x8100] =	vst v63  }
0x2a: {  	_ = 	snop  }
0x2b: {  	[hbm4b:s6+s2] =	stream.indirect_vreg.scatter [tilespmem:s16], [sflag:$0x1], $0x80, v3, vm0, $0xb8;
	[tilespmem:$0x8100] =	vst v63  }
0x2c: {  	v3 =	vld [tilespmem:$0x10];
	_ =	sdelay $0x4  }
0x2d: {  	v49 =	vshll.u32 v3, $0x2  }
0x2e: {  	v3 =	vand.u32 $0x7, v3;
	v4 =	vand.u32 $0xFFFFFFE0, v49  }
0x2f: {  	v3 =	vor.u32 v3, v4  }
0x30: {  	v4 =	vperm.xlane v3, v0;
	_ =	sdelay $0x1  }
0x31: {  	v4 =	vadd.s32 v1, v4;
	_ =	sdelay $0x1  }
0x32: {  	v3 =	vperm.xlane v3, v2;
	_ =	sdelay $0x1  }
0x33: {  	v3 =	vadd.s32 v1, v3  }
0x34: {  	[hbm4b:s3+s2] =	stream.indirect_vreg.scatter [tilespmem:s17], [sflag:$0x1], $0x80, v4, vm0, $0xb8;
	[tilespmem:$0x8100] =	vst v63  }
0x35: {  	_ = 	snop  }
0x36: {  	[hbm4b:s6+s2] =	stream.indirect_vreg.scatter [tilespmem:s18], [sflag:$0x1], $0x80, v4, vm0, $0xb8;
	[tilespmem:$0x8100] =	vst v63  }
0x37: {  	_ = 	snop  }
0x38: {  	[hbm4b:s3+s2] =	stream.indirect_vreg.scatter [tilespmem:s19], [sflag:$0x1], $0x80, v3, vm0, $0xb8;
	[tilespmem:$0x8100] =	vst v63  }
0x39: {  	_ = 	snop  }
0x3a: {  	[hbm4b:s6+s2] =	stream.indirect_vreg.scatter [tilespmem:s20], [sflag:$0x1], $0x80, v3, vm0, $0xb8;
	[tilespmem:$0x8100] =	vst v63  }
0x3b: {  	v3 =	vld [tilespmem:$0x20];
	_ =	sdelay $0x4  }
0x3c: {  	v50 =	vshll.u32 v3, $0x2  }
0x3d: {  	v3 =	vand.u32 $0x7, v3;
	v4 =	vand.u32 $0xFFFFFFE0, v50  }
0x3e: {  	v3 =	vor.u32 v3, v4  }
0x3f: {  	v4 =	vperm.xlane v3, v0;
	_ =	sdelay $0x1  }
0x40: {  	v4 =	vadd.s32 v1, v4;
	_ =	sdelay $0x1  }
0x41: {  	v3 =	vperm.xlane v3, v2;
	_ =	sdelay $0x1  }
0x42: {  	v3 =	vadd.s32 v1, v3  }
0x43: {  	[hbm4b:s3+s2] =	stream.indirect_vreg.scatter [tilespmem:s21], [sflag:$0x1], $0x80, v4, vm0, $0xb8;
	[tilespmem:$0x8100] =	vst v63  }
0x44: {  	_ = 	snop  }
0x45: {  	[hbm4b:s6+s2] =	stream.indirect_vreg.scatter [tilespmem:s22], [sflag:$0x1], $0x80, v4, vm0, $0xb8;
	[tilespmem:$0x8100] =	vst v63  }
0x46: {  	_ = 	snop  }
0x47: {  	[hbm4b:s3+s2] =	stream.indirect_vreg.scatter [tilespmem:s23], [sflag:$0x1], $0x80, v3, vm0, $0xb8;
	[tilespmem:$0x8100] =	vst v63  }
0x48: {  	_ = 	snop  }
0x49: {  	[hbm4b:s6+s2] =	stream.indirect_vreg.scatter [tilespmem:s24], [sflag:$0x1], $0x80, v3, vm0, $0xb8;
	[tilespmem:$0x8100] =	vst v63  }
0x4a: {  	v3 =	vld [tilespmem:$0x30];
	_ =	sdelay $0x4  }
0x4b: {  	v51 =	vshll.u32 v3, $0x2  }
0x4c: {  	v3 =	vand.u32 $0x7, v3;
	v4 =	vand.u32 $0xFFFFFFE0, v51  }
0x4d: {  	v3 =	vor.u32 v3, v4  }
0x4e: {  	v4 =	vperm.xlane v3, v0;
	_ =	sdelay $0x1  }
0x4f: {  	v4 =	vadd.s32 v1, v4;
	_ =	sdelay $0x1  }
0x50: {  	v3 =	vperm.xlane v3, v2;
	_ =	sdelay $0x1  }
0x51: {  	v3 =	vadd.s32 v1, v3  }
0x52: {  	[hbm4b:s3+s2] =	stream.indirect_vreg.scatter [tilespmem:s25], [sflag:$0x1], $0x80, v4, vm0, $0xb8;
	[tilespmem:$0x8100] =	vst v63  }
0x53: {  	_ = 	snop  }
0x54: {  	[hbm4b:s6+s2] =	stream.indirect_vreg.scatter [tilespmem:s26], [sflag:$0x1], $0x80, v4, vm0, $0xb8;
	[tilespmem:$0x8100] =	vst v63  }
0x55: {  	_ = 	snop  }
0x56: {  	[hbm4b:s3+s2] =	stream.indirect_vreg.scatter [tilespmem:s28], [sflag:$0x1], $0x80, v3, vm0, $0xb8;
	[tilespmem:$0x8100] =	vst v63  }
0x57: {  	_ = 	snop  }
0x58: {  	[hbm4b:s6+s2] =	stream.indirect_vreg.scatter [tilespmem:s29], [sflag:$0x1], $0x80, v3, vm0, $0xb8;
	[tilespmem:$0x8100] =	vst v63  }
0x59: {  	v3 =	vld [tilespmem:$0x80];
	_ =	sdelay $0x4  }
0x5a: {  	v52 =	vshll.u32 v3, $0x2  }
0x5b: {  	v3 =	vand.u32 $0x7, v3;
	v4 =	vand.u32 $0xFFFFFFE0, v52  }
0x5c: {  	v3 =	vor.u32 v3, v4  }
0x5d: {  	v4 =	vperm.xlane v3, v0;
	_ =	sdelay $0x1  }
0x5e: {  	v4 =	vadd.s32 v1, v4;
	_ =	sdelay $0x1  }
0x5f: {  	v3 =	vperm.xlane v3, v2;
	_ =	sdelay $0x1  }
0x60: {  	v3 =	vadd.s32 v1, v3  }
0x61: {  	[hbm4b:s3+s2] =	stream.indirect_vreg.scatter [tilespmem:s11], [sflag:$0x2], $0x80, v4, vm0, $0xb8;
	[tilespmem:$0x8100] =	vst v63  }
0x62: {  	_ = 	snop  }
0x63: {  	[hbm4b:s6+s2] =	stream.indirect_vreg.scatter [tilespmem:s14], [sflag:$0x2], $0x80, v4, vm0, $0xb8;
	[tilespmem:$0x8100] =	vst v63  }
0x64: {  	_ = 	snop  }
0x65: {  	[hbm4b:s3+s2] =	stream.indirect_vreg.scatter [tilespmem:s15], [sflag:$0x2], $0x80, v3, vm0, $0xb8;
	[tilespmem:$0x8100] =	vst v63  }
0x66: {  	_ = 	snop  }
0x67: {  	[hbm4b:s6+s2] =	stream.indirect_vreg.scatter [tilespmem:s16], [sflag:$0x2], $0x80, v3, vm0, $0xb8;
	[tilespmem:$0x8100] =	vst v63  }
0x68: {  	v3 =	vld [tilespmem:$0x90];
	_ =	sdelay $0x4  }
0x69: {  	v53 =	vshll.u32 v3, $0x2  }
0x6a: {  	v3 =	vand.u32 $0x7, v3;
	v4 =	vand.u32 $0xFFFFFFE0, v53  }
0x6b: {  	v3 =	vor.u32 v3, v4  }
0x6c: {  	v4 =	vperm.xlane v3, v0;
	_ =	sdelay $0x1  }
0x6d: {  	v4 =	vadd.s32 v1, v4;
	_ =	sdelay $0x1  }
0x6e: {  	v3 =	vperm.xlane v3, v2;
	_ =	sdelay $0x1  }
0x6f: {  	v3 =	vadd.s32 v1, v3  }
0x70: {  	[hbm4b:s3+s2] =	stream.indirect_vreg.scatter [tilespmem:s17], [sflag:$0x2], $0x80, v4, vm0, $0xb8;
	[tilespmem:$0x8100] =	vst v63  }
0x71: {  	_ = 	snop  }
0x72: {  	[hbm4b:s6+s2] =	stream.indirect_vreg.scatter [tilespmem:s18], [sflag:$0x2], $0x80, v4, vm0, $0xb8;
	[tilespmem:$0x8100] =	vst v63  }
0x73: {  	_ = 	snop  }
0x74: {  	[hbm4b:s3+s2] =	stream.indirect_vreg.scatter [tilespmem:s19], [sflag:$0x2], $0x80, v3, vm0, $0xb8;
	[tilespmem:$0x8100] =	vst v63  }
0x75: {  	_ = 	snop  }
0x76: {  	[hbm4b:s6+s2] =	stream.indirect_vreg.scatter [tilespmem:s20], [sflag:$0x2], $0x80, v3, vm0, $0xb8;
	[tilespmem:$0x8100] =	vst v63  }
0x77: {  	v3 =	vld [tilespmem:$0xA0];
	_ =	sdelay $0x4  }
0x78: {  	v54 =	vshll.u32 v3, $0x2  }
0x79: {  	v3 =	vand.u32 $0x7, v3;
	v4 =	vand.u32 $0xFFFFFFE0, v54  }
0x7a: {  	v3 =	vor.u32 v3, v4  }
0x7b: {  	v4 =	vperm.xlane v3, v0;
	_ =	sdelay $0x1  }
0x7c: {  	v4 =	vadd.s32 v1, v4;
	_ =	sdelay $0x1  }
0x7d: {  	v3 =	vperm.xlane v3, v2;
	_ =	sdelay $0x1  }
0x7e: {  	v3 =	vadd.s32 v1, v3  }
0x7f: {  	[hbm4b:s3+s2] =	stream.indirect_vreg.scatter [tilespmem:s21], [sflag:$0x2], $0x80, v4, vm0, $0xb8;
	[tilespmem:$0x8100] =	vst v63  }
0x80: {  	_ = 	snop  }
0x81: {  	[hbm4b:s6+s2] =	stream.indirect_vreg.scatter [tilespmem:s22], [sflag:$0x2], $0x80, v4, vm0, $0xb8;
	[tilespmem:$0x8100] =	vst v63  }
0x82: {  	_ = 	snop  }
0x83: {  	[hbm4b:s3+s2] =	stream.indirect_vreg.scatter [tilespmem:s23], [sflag:$0x2], $0x80, v3, vm0, $0xb8;
	[tilespmem:$0x8100] =	vst v63  }
0x84: {  	_ = 	snop  }
0x85: {  	[hbm4b:s6+s2] =	stream.indirect_vreg.scatter [tilespmem:s24], [sflag:$0x2], $0x80, v3, vm0, $0xb8;
	[tilespmem:$0x8100] =	vst v63  }
0x86: {  	v3 =	vld [tilespmem:$0xB0];
	_ =	sdelay $0x4  }
0x87: {  	v55 =	vshll.u32 v3, $0x2  }
0x88: {  	v3 =	vand.u32 $0x7, v3;
	v4 =	vand.u32 $0xFFFFFFE0, v55  }
0x89: {  	v3 =	vor.u32 v3, v4  }
0x8a: {  	v4 =	vperm.xlane v3, v0;
	_ =	sdelay $0x1  }
0x8b: {  	v4 =	vadd.s32 v1, v4;
	_ =	sdelay $0x1  }
0x8c: {  	v3 =	vperm.xlane v3, v2;
	_ =	sdelay $0x1  }
0x8d: {  	v3 =	vadd.s32 v1, v3  }
0x8e: {  	[hbm4b:s3+s2] =	stream.indirect_vreg.scatter [tilespmem:s25], [sflag:$0x2], $0x80, v4, vm0, $0xb8;
	[tilespmem:$0x8100] =	vst v63  }
0x8f: {  	_ = 	snop  }
0x90: {  	[hbm4b:s6+s2] =	stream.indirect_vreg.scatter [tilespmem:s26], [sflag:$0x2], $0x80, v4, vm0, $0xb8;
	[tilespmem:$0x8100] =	vst v63  }
0x91: {  	_ = 	snop  }
0x92: {  	[hbm4b:s3+s2] =	stream.indirect_vreg.scatter [tilespmem:s28], [sflag:$0x2], $0x80, v3, vm0, $0xb8;
	[tilespmem:$0x8100] =	vst v63  }
0x93: {  	_ = 	snop  }
0x94: {  	[hbm4b:s6+s2] =	stream.indirect_vreg.scatter [tilespmem:s29], [sflag:$0x2], $0x80, v3, vm0, $0xb8;
	[tilespmem:$0x8100] =	vst v63  }
0x95: {  	_ =	swait.ge [sflag:s30], $0x8000  }
0x96: {  	[sflag:s30] =	ssyncset.done $0x0  }
0x97: {  	[sflag:s30] =	ssyncadd.s32 $0xFFFF8000  }
0x98: {  	_ =	swait.ge [sflag:s31], $0x8000  }
0x99: {  	[sflag:s31] =	ssyncset.done $0x0  }
0x9a: {  	[sflag:s31] =	ssyncadd.s32 $0xFFFF8000  }
0x9b: {  	[tilespmem:s11], [sflag:$0x3] =	stream.linear.gather [hbm4b:s7+s2], $0x8000, $0x38;
	[tilespmem:$0x8100] =	vst v63  }
0x9c: {  	_ =	swait.ge [sflag:s12], $0x8000  }
0x9d: {  	[sflag:s12] =	ssyncset.done $0x0  }
0x9e: {  	[sflag:s12] =	ssyncadd.s32 $0xFFFF8000  }
0x9f: {  	[tilespmem:s2], [sflag:$0x3] =	stream.linear.gather [hbm4b:s8+s2], $0x40, $0x38;
	[tilespmem:$0x8100] =	vst v63  }
0xa0: {  	_ =	swait.ge [sflag:s12], $0x40  }
0xa1: {  	[sflag:s12] =	ssyncset.done $0x0  }
0xa2: {  	[sflag:s12] =	ssyncadd.s32 $0xFFFFFFC0  }
0xa3: {  	[tilespmem:s13], [sflag:$0x3] =	stream.linear.gather [hbm4b:s9+s2], $0x40, $0x38;
	[tilespmem:$0x8100] =	vst v63  }
0xa4: {  	_ =	swait.ge [sflag:s12], $0x40  }
0xa5: {  	[sflag:s12] =	ssyncset.done $0x0  }
0xa6: {  	[sflag:s12] =	ssyncadd.s32 $0xFFFFFFC0  }
0xa7: {  	v3 =	vld [tilespmem:$0x0];
	_ =	sdelay $0x4  }
0xa8: {  	v56 =	vshll.u32 v3, $0x2  }
0xa9: {  	v3 =	vand.u32 $0x7, v3;
	v4 =	vand.u32 $0xFFFFFFE0, v56  }
0xaa: {  	v3 =	vor.u32 v3, v4  }
0xab: {  	v4 =	vperm.xlane v3, v0;
	_ =	sdelay $0x1  }
0xac: {  	v4 =	vadd.s32 v1, v4;
	_ =	sdelay $0x1  }
0xad: {  	v3 =	vperm.xlane v3, v2;
	_ =	sdelay $0x1  }
0xae: {  	v3 =	vadd.s32 v1, v3  }
0xaf: {  	[hbm4b:s3+s2] =	stream.indirect_vreg.scatter [tilespmem:s11], [sflag:$0x1], $0x80, v4, vm0, $0xb8;
	[tilespmem:$0x8100] =	vst v63  }
0xb0: {  	_ = 	snop  }
0xb1: {  	[hbm4b:s6+s2] =	stream.indirect_vreg.scatter [tilespmem:s14], [sflag:$0x1], $0x80, v4, vm0, $0xb8;
	[tilespmem:$0x8100] =	vst v63  }
0xb2: {  	_ = 	snop  }
0xb3: {  	[hbm4b:s3+s2] =	stream.indirect_vreg.scatter [tilespmem:s15], [sflag:$0x1], $0x80, v3, vm0, $0xb8;
	[tilespmem:$0x8100] =	vst v63  }
0xb4: {  	_ = 	snop  }
0xb5: {  	[hbm4b:s6+s2] =	stream.indirect_vreg.scatter [tilespmem:s16], [sflag:$0x1], $0x80, v3, vm0, $0xb8;
	[tilespmem:$0x8100] =	vst v63  }
0xb6: {  	v3 =	vld [tilespmem:$0x10];
	_ =	sdelay $0x4  }
0xb7: {  	v57 =	vshll.u32 v3, $0x2  }
0xb8: {  	v3 =	vand.u32 $0x7, v3;
	v4 =	vand.u32 $0xFFFFFFE0, v57  }
0xb9: {  	v3 =	vor.u32 v3, v4  }
0xba: {  	v4 =	vperm.xlane v3, v0;
	_ =	sdelay $0x1  }
0xbb: {  	v4 =	vadd.s32 v1, v4;
	_ =	sdelay $0x1  }
0xbc: {  	v3 =	vperm.xlane v3, v2;
	_ =	sdelay $0x1  }
0xbd: {  	v3 =	vadd.s32 v1, v3  }
0xbe: {  	[hbm4b:s3+s2] =	stream.indirect_vreg.scatter [tilespmem:s17], [sflag:$0x1], $0x80, v4, vm0, $0xb8;
	[tilespmem:$0x8100] =	vst v63  }
0xbf: {  	_ = 	snop  }
0xc0: {  	[hbm4b:s6+s2] =	stream.indirect_vreg.scatter [tilespmem:s18], [sflag:$0x1], $0x80, v4, vm0, $0xb8;
	[tilespmem:$0x8100] =	vst v63  }
0xc1: {  	_ = 	snop  }
0xc2: {  	[hbm4b:s3+s2] =	stream.indirect_vreg.scatter [tilespmem:s19], [sflag:$0x1], $0x80, v3, vm0, $0xb8;
	[tilespmem:$0x8100] =	vst v63  }
0xc3: {  	_ = 	snop  }
0xc4: {  	[hbm4b:s6+s2] =	stream.indirect_vreg.scatter [tilespmem:s20], [sflag:$0x1], $0x80, v3, vm0, $0xb8;
	[tilespmem:$0x8100] =	vst v63  }
0xc5: {  	v3 =	vld [tilespmem:$0x20];
	_ =	sdelay $0x4  }
0xc6: {  	v58 =	vshll.u32 v3, $0x2  }
0xc7: {  	v3 =	vand.u32 $0x7, v3;
	v4 =	vand.u32 $0xFFFFFFE0, v58  }
0xc8: {  	v3 =	vor.u32 v3, v4  }
0xc9: {  	v4 =	vperm.xlane v3, v0;
	_ =	sdelay $0x1  }
0xca: {  	v4 =	vadd.s32 v1, v4;
	_ =	sdelay $0x1  }
0xcb: {  	v3 =	vperm.xlane v3, v2;
	_ =	sdelay $0x1  }
0xcc: {  	v3 =	vadd.s32 v1, v3  }
0xcd: {  	[hbm4b:s3+s2] =	stream.indirect_vreg.scatter [tilespmem:s21], [sflag:$0x1], $0x80, v4, vm0, $0xb8;
	[tilespmem:$0x8100] =	vst v63  }
0xce: {  	_ = 	snop  }
0xcf: {  	[hbm4b:s6+s2] =	stream.indirect_vreg.scatter [tilespmem:s22], [sflag:$0x1], $0x80, v4, vm0, $0xb8;
	[tilespmem:$0x8100] =	vst v63  }
0xd0: {  	_ = 	snop  }
0xd1: {  	[hbm4b:s3+s2] =	stream.indirect_vreg.scatter [tilespmem:s23], [sflag:$0x1], $0x80, v3, vm0, $0xb8;
	[tilespmem:$0x8100] =	vst v63  }
0xd2: {  	_ = 	snop  }
0xd3: {  	[hbm4b:s6+s2] =	stream.indirect_vreg.scatter [tilespmem:s24], [sflag:$0x1], $0x80, v3, vm0, $0xb8;
	[tilespmem:$0x8100] =	vst v63  }
0xd4: {  	v3 =	vld [tilespmem:$0x30];
	_ =	sdelay $0x4  }
0xd5: {  	v59 =	vshll.u32 v3, $0x2  }
0xd6: {  	v3 =	vand.u32 $0x7, v3;
	v4 =	vand.u32 $0xFFFFFFE0, v59  }
0xd7: {  	v3 =	vor.u32 v3, v4  }
0xd8: {  	v4 =	vperm.xlane v3, v0;
	_ =	sdelay $0x1  }
0xd9: {  	v4 =	vadd.s32 v1, v4;
	_ =	sdelay $0x1  }
0xda: {  	v3 =	vperm.xlane v3, v2;
	_ =	sdelay $0x1  }
0xdb: {  	v3 =	vadd.s32 v1, v3  }
0xdc: {  	[hbm4b:s3+s2] =	stream.indirect_vreg.scatter [tilespmem:s25], [sflag:$0x1], $0x80, v4, vm0, $0xb8;
	[tilespmem:$0x8100] =	vst v63  }
0xdd: {  	_ = 	snop  }
0xde: {  	[hbm4b:s6+s2] =	stream.indirect_vreg.scatter [tilespmem:s26], [sflag:$0x1], $0x80, v4, vm0, $0xb8;
	[tilespmem:$0x8100] =	vst v63  }
0xdf: {  	_ = 	snop  }
0xe0: {  	[hbm4b:s3+s2] =	stream.indirect_vreg.scatter [tilespmem:s28], [sflag:$0x1], $0x80, v3, vm0, $0xb8;
	[tilespmem:$0x8100] =	vst v63  }
0xe1: {  	_ = 	snop  }
0xe2: {  	[hbm4b:s6+s2] =	stream.indirect_vreg.scatter [tilespmem:s29], [sflag:$0x1], $0x80, v3, vm0, $0xb8;
	[tilespmem:$0x8100] =	vst v63  }
0xe3: {  	v3 =	vld [tilespmem:$0x80];
	_ =	sdelay $0x4  }
0xe4: {  	v60 =	vshll.u32 v3, $0x2  }
0xe5: {  	v3 =	vand.u32 $0x7, v3;
	v4 =	vand.u32 $0xFFFFFFE0, v60  }
0xe6: {  	v3 =	vor.u32 v3, v4  }
0xe7: {  	v4 =	vperm.xlane v3, v0;
	_ =	sdelay $0x1  }
0xe8: {  	v4 =	vadd.s32 v1, v4;
	_ =	sdelay $0x1  }
0xe9: {  	v3 =	vperm.xlane v3, v2;
	_ =	sdelay $0x1  }
0xea: {  	v3 =	vadd.s32 v1, v3  }
0xeb: {  	[hbm4b:s3+s2] =	stream.indirect_vreg.scatter [tilespmem:s11], [sflag:$0x2], $0x80, v4, vm0, $0xb8;
	[tilespmem:$0x8100] =	vst v63  }
0xec: {  	_ = 	snop  }
0xed: {  	[hbm4b:s6+s2] =	stream.indirect_vreg.scatter [tilespmem:s14], [sflag:$0x2], $0x80, v4, vm0, $0xb8;
	[tilespmem:$0x8100] =	vst v63  }
0xee: {  	_ = 	snop  }
0xef: {  	[hbm4b:s3+s2] =	stream.indirect_vreg.scatter [tilespmem:s15], [sflag:$0x2], $0x80, v3, vm0, $0xb8;
	[tilespmem:$0x8100] =	vst v63  }
0xf0: {  	_ = 	snop  }
0xf1: {  	[hbm4b:s6+s2] =	stream.indirect_vreg.scatter [tilespmem:s16], [sflag:$0x2], $0x80, v3, vm0, $0xb8;
	[tilespmem:$0x8100] =	vst v63  }
0xf2: {  	v3 =	vld [tilespmem:$0x90];
	_ =	sdelay $0x4  }
0xf3: {  	v61 =	vshll.u32 v3, $0x2  }
0xf4: {  	v3 =	vand.u32 $0x7, v3;
	v4 =	vand.u32 $0xFFFFFFE0, v61  }
0xf5: {  	v3 =	vor.u32 v3, v4  }
0xf6: {  	v4 =	vperm.xlane v3, v0;
	_ =	sdelay $0x1  }
0xf7: {  	v4 =	vadd.s32 v1, v4;
	_ =	sdelay $0x1  }
0xf8: {  	v3 =	vperm.xlane v3, v2;
	_ =	sdelay $0x1  }
0xf9: {  	v3 =	vadd.s32 v1, v3  }
0xfa: {  	[hbm4b:s3+s2] =	stream.indirect_vreg.scatter [tilespmem:s17], [sflag:$0x2], $0x80, v4, vm0, $0xb8;
	[tilespmem:$0x8100] =	vst v63  }
0xfb: {  	_ = 	snop  }
0xfc: {  	[hbm4b:s6+s2] =	stream.indirect_vreg.scatter [tilespmem:s18], [sflag:$0x2], $0x80, v4, vm0, $0xb8;
	[tilespmem:$0x8100] =	vst v63  }
0xfd: {  	_ = 	snop  }
0xfe: {  	[hbm4b:s3+s2] =	stream.indirect_vreg.scatter [tilespmem:s19], [sflag:$0x2], $0x80, v3, vm0, $0xb8;
	[tilespmem:$0x8100] =	vst v63  }
0xff: {  	_ = 	snop  }
0x100: {  	[hbm4b:s6+s2] =	stream.indirect_vreg.scatter [tilespmem:s20], [sflag:$0x2], $0x80, v3, vm0, $0xb8;
	[tilespmem:$0x8100] =	vst v63  }
0x101: {  	v3 =	vld [tilespmem:$0xA0];
	_ =	sdelay $0x4  }
0x102: {  	v62 =	vshll.u32 v3, $0x2  }
0x103: {  	v3 =	vand.u32 $0x7, v3;
	v4 =	vand.u32 $0xFFFFFFE0, v62  }
0x104: {  	v3 =	vor.u32 v3, v4  }
0x105: {  	v4 =	vperm.xlane v3, v0;
	_ =	sdelay $0x1  }
0x106: {  	v4 =	vadd.s32 v1, v4;
	_ =	sdelay $0x1  }
0x107: {  	v3 =	vperm.xlane v3, v2;
	_ =	sdelay $0x1  }
0x108: {  	v3 =	vadd.s32 v1, v3  }
0x109: {  	[hbm4b:s3+s2] =	stream.indirect_vreg.scatter [tilespmem:s21], [sflag:$0x2], $0x80, v4, vm0, $0xb8;
	[tilespmem:$0x8100] =	vst v63  }
0x10a: {  	_ = 	snop  }
0x10b: {  	[hbm4b:s6+s2] =	stream.indirect_vreg.scatter [tilespmem:s22], [sflag:$0x2], $0x80, v4, vm0, $0xb8;
	[tilespmem:$0x8100] =	vst v63  }
0x10c: {  	_ = 	snop  }
0x10d: {  	[hbm4b:s3+s2] =	stream.indirect_vreg.scatter [tilespmem:s23], [sflag:$0x2], $0x80, v3, vm0, $0xb8;
	[tilespmem:$0x8100] =	vst v63  }
0x10e: {  	_ = 	snop  }
0x10f: {  	[hbm4b:s6+s2] =	stream.indirect_vreg.scatter [tilespmem:s24], [sflag:$0x2], $0x80, v3, vm0, $0xb8;
	[tilespmem:$0x8100] =	vst v63  }
0x110: {  	v3 =	vld [tilespmem:$0xB0];
	_ =	sdelay $0x4  }
0x111: {  	v63 =	vshll.u32 v3, $0x2  }
0x112: {  	v3 =	vand.u32 $0x7, v3;
	v4 =	vand.u32 $0xFFFFFFE0, v63  }
0x113: {  	v3 =	vor.u32 v3, v4  }
0x114: {  	v4 =	vperm.xlane v3, v0;
	_ =	sdelay $0x1  }
0x115: {  	v4 =	vadd.s32 v1, v4;
	_ =	sdelay $0x1  }
0x116: {  	v3 =	vperm.xlane v3, v2;
	_ =	sdelay $0x1  }
0x117: {  	v3 =	vadd.s32 v1, v3  }
0x118: {  	[hbm4b:s3+s2] =	stream.indirect_vreg.scatter [tilespmem:s25], [sflag:$0x2], $0x80, v4, vm0, $0xb8;
	[tilespmem:$0x8100] =	vst v63  }
0x119: {  	_ = 	snop  }
0x11a: {  	[hbm4b:s6+s2] =	stream.indirect_vreg.scatter [tilespmem:s26], [sflag:$0x2], $0x80, v4, vm0, $0xb8;
	[tilespmem:$0x8100] =	vst v63  }
0x11b: {  	_ = 	snop  }
0x11c: {  	[hbm4b:s3+s2] =	stream.indirect_vreg.scatter [tilespmem:s28], [sflag:$0x2], $0x80, v3, vm0, $0xb8;
	[tilespmem:$0x8100] =	vst v63  }
0x11d: {  	_ = 	snop  }
0x11e: {  	[hbm4b:s6+s2] =	stream.indirect_vreg.scatter [tilespmem:s29], [sflag:$0x2], $0x80, v3, vm0, $0xb8;
	[tilespmem:$0x8100] =	vst v63  }
0x11f: {  	p0 =	sne.s32 s10, $0x1;
	_ =	swait.ge [sflag:s30], $0x8000  }
.Ltmp0:
0x120: {  	[sflag:s30] =	ssyncset.done $0x0;
	(pc) =	sbr.rel @p0 .LBB2_1-.Ltmp0, $4  }
0x121: {  	[sflag:s30] =	ssyncadd.s32 $0xFFFF8000  }
0x122: {  	_ =	swait.ge [sflag:s31], $0x8000  }
0x123: {  	[sflag:s31] =	ssyncset.done $0x0  }
0x124: {  	s10 =	sadd.s32 $0xFFFFFFFF, s10;
	[sflag:s31] =	ssyncadd.s32 $0xFFFF8000  }
0x125: {  	_ =	sfence.sel $0x180000  }
0x126: {  	[bflag:$0x0] =	sbarrier.arrive $0xFFFF  }
0x127: {  	_ =	strace $0x90000047  }
0x128: {  	[bflag:$0x2] =	sbarrier.arrive $0xFFFF  }
0x129: {  	p0 =	sne.s32 s0, $0x0;
	s0 =	rddreg [dreg:$0x2]  }
0x12a: {  	s0 =	sadd.s32 @!p0 $0x100000, s0  }
0x12b: {  	[sflag:s0] =	ssyncadd.tile.s32 @!p0 $0x1;
	_ =	shalt  }
.Lfunc_end2:
_tile_overlayer_lowered:
.L_overlay_start_2:
0x12c: {  	(tag) =	ssettag $0x2  }
0x12d: {  	s0 =	rddreg [dreg:$0x0];
	s2 =	stileid.u32  }
0x12e: {  	s1 =	rddreg [dreg:$0x1];
	p0 =	sne.s32 s2, $0x0  }
0x12f: {  	s3 =	rddreg [dreg:$0x2];
	[bflag:$0x3] =	sbarrier.arrive $0xFFFF;
	s2 =	simm.s32 @!p0 $0x1C03  }
0x130: {  	[timem:s3], [sflag:s2] =	dma.local @!p0 [hbm:s0], s1  }
0x131: {  	s0 =	simm.s32 @!p0 $0x3  }
0x132: {  	_ =	swait.ge @!p0 [sflag:s0], s1  }
0x133: {  	s1 =	ssub.s32 @!p0 $0x0, s1;
	[sflag:s0] =	ssyncset.done @!p0 $0x0  }
0x134: {  	[sflag:s0] =	ssyncadd.s32 @!p0 s1  }
0x135: {  	[bflag:$0x3] =	sbarrier.arrive $0xFFFF  }
0x136: {  	_ =	shalt  }

</sc_bundles>
